<compile_context>
chip_gen: v7x
topology: tpu7x:2x2x1
jax: 0.10.2.dev20260603
libtpu: 0.0.44.dev20260713+nightly
codegen_flags: <defaults>
</compile_context>

<pallas_src>
import jax
import jax.numpy as jnp
from jax import lax
from jax.experimental import pallas as pl
from jax.experimental.pallas import tpu as pltpu
from jax.experimental.pallas import tpu_sc as plsc

_D_MODEL = 4096
_N_EXPERTS = 64
_TOP_K = 8
_N_TOKENS = 32768
_BT = 1024

_NC = 2
_NS = 16
_L = 16
_NW = _NC * _NS
_N_KEEP = 10


def _matmul_body(h_ref, w_ref, logits_ref):
    logits_ref[...] = lax.dot_general(
        h_ref[...], w_ref[...],
        dimension_numbers=(((1,), (1,)), ((), ())),
        preferred_element_type=jnp.float32,
    )


def _tc_logits(h, W):
    n_tokens = h.shape[0]
    return pl.pallas_call(
        _matmul_body,
        grid=(n_tokens // _BT,),
        in_specs=[
            pl.BlockSpec((_BT, _D_MODEL), lambda i: (i, 0)),
            pl.BlockSpec((_N_EXPERTS, _D_MODEL), lambda i: (0, 0)),
        ],
        out_specs=pl.BlockSpec((_BT, _N_EXPERTS), lambda i: (i, 0)),
        out_shape=jax.ShapeDtypeStruct((n_tokens, _N_EXPERTS), jnp.float32),
    )(h, W)


def _make_sc_router_body(tpw):
    n_groups = tpw // _L

    def _sc_router_body(logits_hbm, idx_hbm, wgt_hbm, lg_v, idx_v, wgt_v):
        wid = lax.axis_index("s") * _NC + lax.axis_index("c")
        pltpu.sync_copy(
            logits_hbm.at[pl.ds(wid * tpw * _N_EXPERTS, tpw * _N_EXPERTS)], lg_v
        )

        lane = lax.iota(jnp.int32, _L)
        neg_inf = jnp.full((_L,), -jnp.inf, dtype=jnp.float32)
        mask_hi = jnp.full((_L,), ~0x3F, dtype=jnp.int32)
        lo_mask = jnp.full((_L,), 0x3F, dtype=jnp.int32)
        id_max = jnp.full((_L,), _N_EXPERTS - 1, dtype=jnp.int32)
        one_i = jnp.full((_L,), 1, dtype=jnp.int32)

        def group_body(g, carry):
            rows = g * _L + lane
            row_off = rows * _N_EXPERTS

            kv = [neg_inf] * _N_KEEP
            for eb in range(0, _N_EXPERTS, 16):
                keys = []
                for e in range(eb, eb + 16):
                    v = plsc.load_gather(lg_v, [row_off + e])
                    vb = plsc.bitcast(v, jnp.int32)
                    idb = jnp.full((_L,), _N_EXPERTS - 1 - e, dtype=jnp.int32)
                    keys.append(plsc.bitcast((vb & mask_hi) | idb, jnp.float32))
                for p in range(8):
                    key = jnp.maximum(keys[2 * p], keys[2 * p + 1])
                    for j in range(_N_KEEP):
                        hi = jnp.maximum(kv[j], key)
                        key = jnp.minimum(kv[j], key)
                        kv[j] = hi

            part_ids = [
                (id_max - (plsc.bitcast(kv[j], jnp.int32) & lo_mask)) ^ one_i
                for j in range(_N_KEEP)
            ]
            for pid in part_ids:
                pv = plsc.load_gather(lg_v, [row_off + pid])
                pb = plsc.bitcast(pv, jnp.int32)
                key = plsc.bitcast((pb & mask_hi) | (id_max - pid), jnp.float32)
                for j in range(_N_KEEP):
                    hi = jnp.maximum(kv[j], key)
                    key = jnp.minimum(kv[j], key)
                    kv[j] = hi

            ki = []
            vs = []
            for j in range(_N_KEEP):
                e_id = id_max - (plsc.bitcast(kv[j], jnp.int32) & lo_mask)
                ki.append(e_id)
                vs.append(plsc.load_gather(lg_v, [row_off + e_id]))

            def ce(a, b):
                sw = vs[b] > vs[a]
                vs[a], vs[b] = (
                    jnp.where(sw, vs[b], vs[a]),
                    jnp.where(sw, vs[a], vs[b]),
                )
                ki[a], ki[b] = (
                    jnp.where(sw, ki[b], ki[a]),
                    jnp.where(sw, ki[a], ki[b]),
                )

            for _ in range(2):
                for a in range(0, _N_KEEP - 1, 2):
                    ce(a, a + 1)
                for a in range(1, _N_KEEP - 1, 2):
                    ce(a, a + 1)

            es = [jnp.exp(vs[j] - vs[0]) for j in range(_TOP_K)]
            tot = es[0]
            for j in range(1, _TOP_K):
                tot = tot + es[j]
            inv = jnp.float32(1.0) / tot

            out_off = rows * _TOP_K
            for j in range(_TOP_K):
                plsc.store_scatter(idx_v, [out_off + j], ki[j])
                plsc.store_scatter(wgt_v, [out_off + j], es[j] * inv)
            return carry

        lax.fori_loop(0, n_groups, group_body, 0)

        pltpu.sync_copy(idx_v, idx_hbm.at[pl.ds(wid * tpw * _TOP_K, tpw * _TOP_K)])
        pltpu.sync_copy(wgt_v, wgt_hbm.at[pl.ds(wid * tpw * _TOP_K, tpw * _TOP_K)])

    return _sc_router_body


def _sc_route(logits_flat, n_tokens):
    tpw = n_tokens // _NW
    fn = pl.kernel(
        _make_sc_router_body(tpw),
        out_type=(
            jax.ShapeDtypeStruct((n_tokens * _TOP_K,), jnp.int32),
            jax.ShapeDtypeStruct((n_tokens * _TOP_K,), jnp.float32),
        ),
        mesh=plsc.VectorSubcoreMesh(core_axis_name="c", subcore_axis_name="s"),
        compiler_params=pltpu.CompilerParams(needs_layout_passes=False),
        scratch_types=[
            pltpu.VMEM((tpw * _N_EXPERTS,), jnp.float32),
            pltpu.VMEM((tpw * _TOP_K,), jnp.int32),
            pltpu.VMEM((tpw * _TOP_K,), jnp.float32),
        ],
    )
    return fn(logits_flat)


@jax.jit
def kernel(h, W):
    n_tokens = h.shape[0]
    logits = _tc_logits(h, W)
    topi, wgt = _sc_route(logits.reshape(-1), n_tokens)
    return (
        topi.reshape(n_tokens, _TOP_K),
        wgt.reshape(n_tokens, _TOP_K),
        logits,
    )

# --- scband reference (transcript-rebuilt; emitter-appended) ---
"""Pipeline reference for scband-top-ktoken-router-26362509263283 (READ-ONLY COPY).

The authoritative reference and input builder live on the scoring server;
editing this copy changes nothing except your own understanding.
"""

import jax, jax.numpy as jnp
import numpy as np

D_MODEL = 4096
N_EXPERTS = 64
TOP_K = 8
N_TOKENS = 32768

def setup_inputs(seed: int = 0) -> dict:
    key = jax.random.key(seed)
    k_h, k_w = jax.random.split(key)
    h = jax.random.normal(k_h, (N_TOKENS, D_MODEL), dtype=jnp.float32)
    # nn.Linear(d_model, n_experts, bias=False): weight shape [n_experts, d_model]
    W = jax.random.normal(k_w, (N_EXPERTS, D_MODEL), dtype=jnp.float32) * (1.0 / np.sqrt(D_MODEL))
    return {"h": h, "W": W}

def reference(h, W):
    # logits = h @ W.T  (gate linear, no bias)
    logits = jnp.dot(h, W.T)
    # step is None in this configuration -> no temperature scaling
    topk_vals, topk_indices = jax.lax.top_k(logits, TOP_K)
    weights = jax.nn.softmax(topk_vals, axis=-1)
    return (topk_indices, weights, logits)

if __name__ == "__main__":
    import jax
    _d = setup_inputs()
    print(jax.jit(kernel)(*tuple(_d.values())))

</pallas_src>

<mosaic_0001>
#map = affine_map<(d0, d1) -> (0)>
module attributes {stable_mosaic.version = 14 : i64} {
  func.func @_sc_router_body(%arg0: i32, %arg1: i32, %arg2: memref<2097152xf32, #tpu.memory_space<hbm>>, %arg3: memref<262144xi32, #tpu.memory_space<hbm>>, %arg4: memref<262144xf32, #tpu.memory_space<hbm>>, %arg5: memref<65536xf32, #tpu.memory_space<vmem>>, %arg6: memref<8192xi32, #tpu.memory_space<vmem>>, %arg7: memref<8192xf32, #tpu.memory_space<vmem>>) attributes {dimension_semantics = [#tpu.dimension_semantics<core_parallel>, #tpu.dimension_semantics<subcore_parallel>], iteration_bounds = array<i64: 2, 16>, scalar_prefetch = 0 : i64, scratch_operands = 3 : i64, tpu.core_type = #tpu.core_type<sc_vector_subcore>, window_params = [{transform_indices = #map}, {transform_indices = #map}, {transform_indices = #map}]} {
    %mul3A = arith.constant 2 : i32
    %mul3A_0 = arith.muli %arg1, %mul3A : i32
    %add3A = arith.addi %mul3A_0, %arg0 : i32
    %mul3A_1 = arith.constant 1024 : i32
    %mul3A_2 = arith.muli %add3A, %mul3A_1 : i32
    %mul3A_3 = arith.constant 64 : i32
    %mul3A_4 = arith.muli %mul3A_2, %mul3A_3 : i32
    "tpu.region"() ({
      %run_scoped3A = tpu.sem_alloc : memref<!tpu.dma_semaphore, #tpu.memory_space<semaphore_mem>>
      %dma_start3A = tpu.memref_slice %arg2[%mul3A_4] : memref<2097152xf32, #tpu.memory_space<hbm>> -> memref<65536xf32, #tpu.memory_space<hbm>>
      %dma_start3A_27 = tpu.memref_slice %arg2[%mul3A_4] : memref<2097152xf32, #tpu.memory_space<hbm>> -> memref<65536xf32, #tpu.memory_space<hbm>>
      tpu.enqueue_dma source(%dma_start3A_27 : memref<65536xf32, #tpu.memory_space<hbm>>) target(%arg5 : memref<65536xf32, #tpu.memory_space<vmem>>) target_semaphore(%run_scoped3A : memref<!tpu.dma_semaphore, #tpu.memory_space<semaphore_mem>>)
      %dma_wait3A = tpu.memref_slice %arg2[%mul3A_4] : memref<2097152xf32, #tpu.memory_space<hbm>> -> memref<65536xf32, #tpu.memory_space<hbm>>
      %dma_wait3A_28 = tpu.memref_slice %arg2[%mul3A_4] : memref<2097152xf32, #tpu.memory_space<hbm>> -> memref<65536xf32, #tpu.memory_space<hbm>>
      tpu.wait_dma2 semaphore(%run_scoped3A : memref<!tpu.dma_semaphore, #tpu.memory_space<semaphore_mem>>) src(%dma_wait3A_28 : memref<65536xf32, #tpu.memory_space<hbm>>) dst(%arg5 : memref<65536xf32, #tpu.memory_space<vmem>>)
      tpu.yield
    }) : () -> ()
    %iota3A = tpu.iota {dimensions = array<i32: 0>} : vector<16xi32>
    %broadcast_in_dim3A = arith.constant 0xFF800000 : f32
    %broadcast_in_dim3A_5 = vector.broadcast %broadcast_in_dim3A : f32 to vector<16xf32>
    %broadcast_in_dim3A_6 = arith.constant -64 : i32
    %broadcast_in_dim3A_7 = vector.broadcast %broadcast_in_dim3A_6 : i32 to vector<16xi32>
    %broadcast_in_dim3A_8 = arith.constant 63 : i32
    %broadcast_in_dim3A_9 = vector.broadcast %broadcast_in_dim3A_8 : i32 to vector<16xi32>
    %broadcast_in_dim3A_10 = arith.constant 63 : i32
    %broadcast_in_dim3A_11 = vector.broadcast %broadcast_in_dim3A_10 : i32 to vector<16xi32>
    %broadcast_in_dim3A_12 = arith.constant 1 : i32
    %broadcast_in_dim3A_13 = vector.broadcast %broadcast_in_dim3A_12 : i32 to vector<16xi32>
    %scan3A = arith.constant 0 : i32
    %scan3A_14 = arith.constant 0 : i32
    %scan3A_15 = arith.constant 64 : i32
    %scan3A_16 = arith.addi %scan3A_14, %scan3A_15 : i32
    %scan3A_17 = arith.constant 1 : i32
    scf.for %scan3A_27 = %scan3A_14 to %scan3A_16 step %scan3A_17  : i32 {
      %mul3A_28 = arith.constant 16 : i32
      %mul3A_29 = arith.muli %scan3A_27, %mul3A_28 : i32
      %add3A_30 = vector.broadcast %mul3A_29 : i32 to vector<16xi32>
      %add3A_31 = arith.addi %add3A_30, %iota3A : vector<16xi32>
      %mul3A_32 = arith.constant 64 : i32
      %mul3A_33 = vector.broadcast %mul3A_32 : i32 to vector<16xi32>
      %mul3A_34 = arith.muli %add3A_31, %mul3A_33 : vector<16xi32>
      %add3A_35 = arith.constant 0 : i32
      %add3A_36 = vector.broadcast %add3A_35 : i32 to vector<16xi32>
      %add3A_37 = arith.addi %mul3A_34, %add3A_36 : vector<16xi32>
      %gather3A = tpu.vector_load_idx %arg5[%add3A_37] : memref<65536xf32, #tpu.memory_space<vmem>>[vector<16xi32>], vector<16xf32>,
      %bitcast3A = vector.bitcast %gather3A : vector<16xf32> to vector<16xi32>
      %broadcast_in_dim3A_38 = arith.constant 63 : i32
      %broadcast_in_dim3A_39 = vector.broadcast %broadcast_in_dim3A_38 : i32 to vector<16xi32>
      %and3A = arith.andi %bitcast3A, %broadcast_in_dim3A_7 : vector<16xi32>
      %or3A = arith.ori %and3A, %broadcast_in_dim3A_39 : vector<16xi32>
      %bitcast3A_40 = vector.bitcast %or3A : vector<16xi32> to vector<16xf32>
      %add3A_41 = arith.constant 1 : i32
      %add3A_42 = vector.broadcast %add3A_41 : i32 to vector<16xi32>
      %add3A_43 = arith.addi %mul3A_34, %add3A_42 : vector<16xi32>
      %gather3A_44 = tpu.vector_load_idx %arg5[%add3A_43] : memref<65536xf32, #tpu.memory_space<vmem>>[vector<16xi32>], vector<16xf32>,
      %bitcast3A_45 = vector.bitcast %gather3A_44 : vector<16xf32> to vector<16xi32>
      %broadcast_in_dim3A_46 = arith.constant 62 : i32
      %broadcast_in_dim3A_47 = vector.broadcast %broadcast_in_dim3A_46 : i32 to vector<16xi32>
      %and3A_48 = arith.andi %bitcast3A_45, %broadcast_in_dim3A_7 : vector<16xi32>
      %or3A_49 = arith.ori %and3A_48, %broadcast_in_dim3A_47 : vector<16xi32>
      %bitcast3A_50 = vector.bitcast %or3A_49 : vector<16xi32> to vector<16xf32>
      %add3A_51 = arith.constant 2 : i32
      %add3A_52 = vector.broadcast %add3A_51 : i32 to vector<16xi32>
      %add3A_53 = arith.addi %mul3A_34, %add3A_52 : vector<16xi32>
      %gather3A_54 = tpu.vector_load_idx %arg5[%add3A_53] : memref<65536xf32, #tpu.memory_space<vmem>>[vector<16xi32>], vector<16xf32>,
      %bitcast3A_55 = vector.bitcast %gather3A_54 : vector<16xf32> to vector<16xi32>
      %broadcast_in_dim3A_56 = arith.constant 61 : i32
      %broadcast_in_dim3A_57 = vector.broadcast %broadcast_in_dim3A_56 : i32 to vector<16xi32>
      %and3A_58 = arith.andi %bitcast3A_55, %broadcast_in_dim3A_7 : vector<16xi32>
      %or3A_59 = arith.ori %and3A_58, %broadcast_in_dim3A_57 : vector<16xi32>
      %bitcast3A_60 = vector.bitcast %or3A_59 : vector<16xi32> to vector<16xf32>
      %add3A_61 = arith.constant 3 : i32
      %add3A_62 = vector.broadcast %add3A_61 : i32 to vector<16xi32>
      %add3A_63 = arith.addi %mul3A_34, %add3A_62 : vector<16xi32>
      %gather3A_64 = tpu.vector_load_idx %arg5[%add3A_63] : memref<65536xf32, #tpu.memory_space<vmem>>[vector<16xi32>], vector<16xf32>,
      %bitcast3A_65 = vector.bitcast %gather3A_64 : vector<16xf32> to vector<16xi32>
      %broadcast_in_dim3A_66 = arith.constant 60 : i32
      %broadcast_in_dim3A_67 = vector.broadcast %broadcast_in_dim3A_66 : i32 to vector<16xi32>
      %and3A_68 = arith.andi %bitcast3A_65, %broadcast_in_dim3A_7 : vector<16xi32>
      %or3A_69 = arith.ori %and3A_68, %broadcast_in_dim3A_67 : vector<16xi32>
      %bitcast3A_70 = vector.bitcast %or3A_69 : vector<16xi32> to vector<16xf32>
      %add3A_71 = arith.constant 4 : i32
      %add3A_72 = vector.broadcast %add3A_71 : i32 to vector<16xi32>
      %add3A_73 = arith.addi %mul3A_34, %add3A_72 : vector<16xi32>
      %gather3A_74 = tpu.vector_load_idx %arg5[%add3A_73] : memref<65536xf32, #tpu.memory_space<vmem>>[vector<16xi32>], vector<16xf32>,
      %bitcast3A_75 = vector.bitcast %gather3A_74 : vector<16xf32> to vector<16xi32>
      %broadcast_in_dim3A_76 = arith.constant 59 : i32
      %broadcast_in_dim3A_77 = vector.broadcast %broadcast_in_dim3A_76 : i32 to vector<16xi32>
      %and3A_78 = arith.andi %bitcast3A_75, %broadcast_in_dim3A_7 : vector<16xi32>
      %or3A_79 = arith.ori %and3A_78, %broadcast_in_dim3A_77 : vector<16xi32>
      %bitcast3A_80 = vector.bitcast %or3A_79 : vector<16xi32> to vector<16xf32>
      %add3A_81 = arith.constant 5 : i32
      %add3A_82 = vector.broadcast %add3A_81 : i32 to vector<16xi32>
      %add3A_83 = arith.addi %mul3A_34, %add3A_82 : vector<16xi32>
      %gather3A_84 = tpu.vector_load_idx %arg5[%add3A_83] : memref<65536xf32, #tpu.memory_space<vmem>>[vector<16xi32>], vector<16xf32>,
      %bitcast3A_85 = vector.bitcast %gather3A_84 : vector<16xf32> to vector<16xi32>
      %broadcast_in_dim3A_86 = arith.constant 58 : i32
      %broadcast_in_dim3A_87 = vector.broadcast %broadcast_in_dim3A_86 : i32 to vector<16xi32>
      %and3A_88 = arith.andi %bitcast3A_85, %broadcast_in_dim3A_7 : vector<16xi32>
      %or3A_89 = arith.ori %and3A_88, %broadcast_in_dim3A_87 : vector<16xi32>
      %bitcast3A_90 = vector.bitcast %or3A_89 : vector<16xi32> to vector<16xf32>
      %add3A_91 = arith.constant 6 : i32
      %add3A_92 = vector.broadcast %add3A_91 : i32 to vector<16xi32>
      %add3A_93 = arith.addi %mul3A_34, %add3A_92 : vector<16xi32>
      %gather3A_94 = tpu.vector_load_idx %arg5[%add3A_93] : memref<65536xf32, #tpu.memory_space<vmem>>[vector<16xi32>], vector<16xf32>,
      %bitcast3A_95 = vector.bitcast %gather3A_94 : vector<16xf32> to vector<16xi32>
      %broadcast_in_dim3A_96 = arith.constant 57 : i32
      %broadcast_in_dim3A_97 = vector.broadcast %broadcast_in_dim3A_96 : i32 to vector<16xi32>
      %and3A_98 = arith.andi %bitcast3A_95, %broadcast_in_dim3A_7 : vector<16xi32>
      %or3A_99 = arith.ori %and3A_98, %broadcast_in_dim3A_97 : vector<16xi32>
      %bitcast3A_100 = vector.bitcast %or3A_99 : vector<16xi32> to vector<16xf32>
      %add3A_101 = arith.constant 7 : i32
      %add3A_102 = vector.broadcast %add3A_101 : i32 to vector<16xi32>
      %add3A_103 = arith.addi %mul3A_34, %add3A_102 : vector<16xi32>
      %gather3A_104 = tpu.vector_load_idx %arg5[%add3A_103] : memref<65536xf32, #tpu.memory_space<vmem>>[vector<16xi32>], vector<16xf32>,
      %bitcast3A_105 = vector.bitcast %gather3A_104 : vector<16xf32> to vector<16xi32>
      %broadcast_in_dim3A_106 = arith.constant 56 : i32
      %broadcast_in_dim3A_107 = vector.broadcast %broadcast_in_dim3A_106 : i32 to vector<16xi32>
      %and3A_108 = arith.andi %bitcast3A_105, %broadcast_in_dim3A_7 : vector<16xi32>
      %or3A_109 = arith.ori %and3A_108, %broadcast_in_dim3A_107 : vector<16xi32>
      %bitcast3A_110 = vector.bitcast %or3A_109 : vector<16xi32> to vector<16xf32>
      %add3A_111 = arith.constant 8 : i32
      %add3A_112 = vector.broadcast %add3A_111 : i32 to vector<16xi32>
      %add3A_113 = arith.addi %mul3A_34, %add3A_112 : vector<16xi32>
      %gather3A_114 = tpu.vector_load_idx %arg5[%add3A_113] : memref<65536xf32, #tpu.memory_space<vmem>>[vector<16xi32>], vector<16xf32>,
      %bitcast3A_115 = vector.bitcast %gather3A_114 : vector<16xf32> to vector<16xi32>
      %broadcast_in_dim3A_116 = arith.constant 55 : i32
      %broadcast_in_dim3A_117 = vector.broadcast %broadcast_in_dim3A_116 : i32 to vector<16xi32>
      %and3A_118 = arith.andi %bitcast3A_115, %broadcast_in_dim3A_7 : vector<16xi32>
      %or3A_119 = arith.ori %and3A_118, %broadcast_in_dim3A_117 : vector<16xi32>
      %bitcast3A_120 = vector.bitcast %or3A_119 : vector<16xi32> to vector<16xf32>
      %add3A_121 = arith.constant 9 : i32
      %add3A_122 = vector.broadcast %add3A_121 : i32 to vector<16xi32>
      %add3A_123 = arith.addi %mul3A_34, %add3A_122 : vector<16xi32>
      %gather3A_124 = tpu.vector_load_idx %arg5[%add3A_123] : memref<65536xf32, #tpu.memory_space<vmem>>[vector<16xi32>], vector<16xf32>,
      %bitcast3A_125 = vector.bitcast %gather3A_124 : vector<16xf32> to vector<16xi32>
      %broadcast_in_dim3A_126 = arith.constant 54 : i32
      %broadcast_in_dim3A_127 = vector.broadcast %broadcast_in_dim3A_126 : i32 to vector<16xi32>
      %and3A_128 = arith.andi %bitcast3A_125, %broadcast_in_dim3A_7 : vector<16xi32>
      %or3A_129 = arith.ori %and3A_128, %broadcast_in_dim3A_127 : vector<16xi32>
      %bitcast3A_130 = vector.bitcast %or3A_129 : vector<16xi32> to vector<16xf32>
      %add3A_131 = arith.constant 10 : i32
      %add3A_132 = vector.broadcast %add3A_131 : i32 to vector<16xi32>
      %add3A_133 = arith.addi %mul3A_34, %add3A_132 : vector<16xi32>
      %gather3A_134 = tpu.vector_load_idx %arg5[%add3A_133] : memref<65536xf32, #tpu.memory_space<vmem>>[vector<16xi32>], vector<16xf32>,
      %bitcast3A_135 = vector.bitcast %gather3A_134 : vector<16xf32> to vector<16xi32>
      %broadcast_in_dim3A_136 = arith.constant 53 : i32
      %broadcast_in_dim3A_137 = vector.broadcast %broadcast_in_dim3A_136 : i32 to vector<16xi32>
      %and3A_138 = arith.andi %bitcast3A_135, %broadcast_in_dim3A_7 : vector<16xi32>
      %or3A_139 = arith.ori %and3A_138, %broadcast_in_dim3A_137 : vector<16xi32>
      %bitcast3A_140 = vector.bitcast %or3A_139 : vector<16xi32> to vector<16xf32>
      %add3A_141 = arith.constant 11 : i32
      %add3A_142 = vector.broadcast %add3A_141 : i32 to vector<16xi32>
      %add3A_143 = arith.addi %mul3A_34, %add3A_142 : vector<16xi32>
      %gather3A_144 = tpu.vector_load_idx %arg5[%add3A_143] : memref<65536xf32, #tpu.memory_space<vmem>>[vector<16xi32>], vector<16xf32>,
      %bitcast3A_145 = vector.bitcast %gather3A_144 : vector<16xf32> to vector<16xi32>
      %broadcast_in_dim3A_146 = arith.constant 52 : i32
      %broadcast_in_dim3A_147 = vector.broadcast %broadcast_in_dim3A_146 : i32 to vector<16xi32>
      %and3A_148 = arith.andi %bitcast3A_145, %broadcast_in_dim3A_7 : vector<16xi32>
      %or3A_149 = arith.ori %and3A_148, %broadcast_in_dim3A_147 : vector<16xi32>
      %bitcast3A_150 = vector.bitcast %or3A_149 : vector<16xi32> to vector<16xf32>
      %add3A_151 = arith.constant 12 : i32
      %add3A_152 = vector.broadcast %add3A_151 : i32 to vector<16xi32>
      %add3A_153 = arith.addi %mul3A_34, %add3A_152 : vector<16xi32>
      %gather3A_154 = tpu.vector_load_idx %arg5[%add3A_153] : memref<65536xf32, #tpu.memory_space<vmem>>[vector<16xi32>], vector<16xf32>,
      %bitcast3A_155 = vector.bitcast %gather3A_154 : vector<16xf32> to vector<16xi32>
      %broadcast_in_dim3A_156 = arith.constant 51 : i32
      %broadcast_in_dim3A_157 = vector.broadcast %broadcast_in_dim3A_156 : i32 to vector<16xi32>
      %and3A_158 = arith.andi %bitcast3A_155, %broadcast_in_dim3A_7 : vector<16xi32>
      %or3A_159 = arith.ori %and3A_158, %broadcast_in_dim3A_157 : vector<16xi32>
      %bitcast3A_160 = vector.bitcast %or3A_159 : vector<16xi32> to vector<16xf32>
      %add3A_161 = arith.constant 13 : i32
      %add3A_162 = vector.broadcast %add3A_161 : i32 to vector<16xi32>
      %add3A_163 = arith.addi %mul3A_34, %add3A_162 : vector<16xi32>
      %gather3A_164 = tpu.vector_load_idx %arg5[%add3A_163] : memref<65536xf32, #tpu.memory_space<vmem>>[vector<16xi32>], vector<16xf32>,
      %bitcast3A_165 = vector.bitcast %gather3A_164 : vector<16xf32> to vector<16xi32>
      %broadcast_in_dim3A_166 = arith.constant 50 : i32
      %broadcast_in_dim3A_167 = vector.broadcast %broadcast_in_dim3A_166 : i32 to vector<16xi32>
      %and3A_168 = arith.andi %bitcast3A_165, %broadcast_in_dim3A_7 : vector<16xi32>
      %or3A_169 = arith.ori %and3A_168, %broadcast_in_dim3A_167 : vector<16xi32>
      %bitcast3A_170 = vector.bitcast %or3A_169 : vector<16xi32> to vector<16xf32>
      %add3A_171 = arith.constant 14 : i32
      %add3A_172 = vector.broadcast %add3A_171 : i32 to vector<16xi32>
      %add3A_173 = arith.addi %mul3A_34, %add3A_172 : vector<16xi32>
      %gather3A_174 = tpu.vector_load_idx %arg5[%add3A_173] : memref<65536xf32, #tpu.memory_space<vmem>>[vector<16xi32>], vector<16xf32>,
      %bitcast3A_175 = vector.bitcast %gather3A_174 : vector<16xf32> to vector<16xi32>
      %broadcast_in_dim3A_176 = arith.constant 49 : i32
      %broadcast_in_dim3A_177 = vector.broadcast %broadcast_in_dim3A_176 : i32 to vector<16xi32>
      %and3A_178 = arith.andi %bitcast3A_175, %broadcast_in_dim3A_7 : vector<16xi32>
      %or3A_179 = arith.ori %and3A_178, %broadcast_in_dim3A_177 : vector<16xi32>
      %bitcast3A_180 = vector.bitcast %or3A_179 : vector<16xi32> to vector<16xf32>
      %add3A_181 = arith.constant 15 : i32
      %add3A_182 = vector.broadcast %add3A_181 : i32 to vector<16xi32>
      %add3A_183 = arith.addi %mul3A_34, %add3A_182 : vector<16xi32>
      %gather3A_184 = tpu.vector_load_idx %arg5[%add3A_183] : memref<65536xf32, #tpu.memory_space<vmem>>[vector<16xi32>], vector<16xf32>,
      %bitcast3A_185 = vector.bitcast %gather3A_184 : vector<16xf32> to vector<16xi32>
      %broadcast_in_dim3A_186 = arith.constant 48 : i32
      %broadcast_in_dim3A_187 = vector.broadcast %broadcast_in_dim3A_186 : i32 to vector<16xi32>
      %and3A_188 = arith.andi %bitcast3A_185, %broadcast_in_dim3A_7 : vector<16xi32>
      %or3A_189 = arith.ori %and3A_188, %broadcast_in_dim3A_187 : vector<16xi32>
      %bitcast3A_190 = vector.bitcast %or3A_189 : vector<16xi32> to vector<16xf32>
      %max3A = arith.maximumf %bitcast3A_40, %bitcast3A_50 : vector<16xf32>
      %max3A_191 = arith.maximumf %broadcast_in_dim3A_5, %max3A : vector<16xf32>
      %min3A = arith.minimumf %broadcast_in_dim3A_5, %max3A : vector<16xf32>
      %max3A_192 = arith.maximumf %broadcast_in_dim3A_5, %min3A : vector<16xf32>
      %min3A_193 = arith.minimumf %broadcast_in_dim3A_5, %min3A : vector<16xf32>
      %max3A_194 = arith.maximumf %broadcast_in_dim3A_5, %min3A_193 : vector<16xf32>
      %min3A_195 = arith.minimumf %broadcast_in_dim3A_5, %min3A_193 : vector<16xf32>
      %max3A_196 = arith.maximumf %broadcast_in_dim3A_5, %min3A_195 : vector<16xf32>
      %min3A_197 = arith.minimumf %broadcast_in_dim3A_5, %min3A_195 : vector<16xf32>
      %max3A_198 = arith.maximumf %broadcast_in_dim3A_5, %min3A_197 : vector<16xf32>
      %min3A_199 = arith.minimumf %broadcast_in_dim3A_5, %min3A_197 : vector<16xf32>
      %max3A_200 = arith.maximumf %broadcast_in_dim3A_5, %min3A_199 : vector<16xf32>
      %min3A_201 = arith.minimumf %broadcast_in_dim3A_5, %min3A_199 : vector<16xf32>
      %max3A_202 = arith.maximumf %broadcast_in_dim3A_5, %min3A_201 : vector<16xf32>
      %min3A_203 = arith.minimumf %broadcast_in_dim3A_5, %min3A_201 : vector<16xf32>
      %max3A_204 = arith.maximumf %broadcast_in_dim3A_5, %min3A_203 : vector<16xf32>
      %min3A_205 = arith.minimumf %broadcast_in_dim3A_5, %min3A_203 : vector<16xf32>
      %max3A_206 = arith.maximumf %broadcast_in_dim3A_5, %min3A_205 : vector<16xf32>
      %min3A_207 = arith.minimumf %broadcast_in_dim3A_5, %min3A_205 : vector<16xf32>
      %max3A_208 = arith.maximumf %broadcast_in_dim3A_5, %min3A_207 : vector<16xf32>
      %min3A_209 = arith.minimumf %broadcast_in_dim3A_5, %min3A_207 : vector<16xf32>
      %max3A_210 = arith.maximumf %bitcast3A_60, %bitcast3A_70 : vector<16xf32>
      %max3A_211 = arith.maximumf %max3A_191, %max3A_210 : vector<16xf32>
      %min3A_212 = arith.minimumf %max3A_191, %max3A_210 : vector<16xf32>
      %max3A_213 = arith.maximumf %max3A_192, %min3A_212 : vector<16xf32>
      %min3A_214 = arith.minimumf %max3A_192, %min3A_212 : vector<16xf32>
      %max3A_215 = arith.maximumf %max3A_194, %min3A_214 : vector<16xf32>
      %min3A_216 = arith.minimumf %max3A_194, %min3A_214 : vector<16xf32>
      %max3A_217 = arith.maximumf %max3A_196, %min3A_216 : vector<16xf32>
      %min3A_218 = arith.minimumf %max3A_196, %min3A_216 : vector<16xf32>
      %max3A_219 = arith.maximumf %max3A_198, %min3A_218 : vector<16xf32>
      %min3A_220 = arith.minimumf %max3A_198, %min3A_218 : vector<16xf32>
      %max3A_221 = arith.maximumf %max3A_200, %min3A_220 : vector<16xf32>
      %min3A_222 = arith.minimumf %max3A_200, %min3A_220 : vector<16xf32>
      %max3A_223 = arith.maximumf %max3A_202, %min3A_222 : vector<16xf32>
      %min3A_224 = arith.minimumf %max3A_202, %min3A_222 : vector<16xf32>
      %max3A_225 = arith.maximumf %max3A_204, %min3A_224 : vector<16xf32>
      %min3A_226 = arith.minimumf %max3A_204, %min3A_224 : vector<16xf32>
      %max3A_227 = arith.maximumf %max3A_206, %min3A_226 : vector<16xf32>
      %min3A_228 = arith.minimumf %max3A_206, %min3A_226 : vector<16xf32>
      %max3A_229 = arith.maximumf %max3A_208, %min3A_228 : vector<16xf32>
      %min3A_230 = arith.minimumf %max3A_208, %min3A_228 : vector<16xf32>
      %max3A_231 = arith.maximumf %bitcast3A_80, %bitcast3A_90 : vector<16xf32>
      %max3A_232 = arith.maximumf %max3A_211, %max3A_231 : vector<16xf32>
      %min3A_233 = arith.minimumf %max3A_211, %max3A_231 : vector<16xf32>
      %max3A_234 = arith.maximumf %max3A_213, %min3A_233 : vector<16xf32>
      %min3A_235 = arith.minimumf %max3A_213, %min3A_233 : vector<16xf32>
      %max3A_236 = arith.maximumf %max3A_215, %min3A_235 : vector<16xf32>
      %min3A_237 = arith.minimumf %max3A_215, %min3A_235 : vector<16xf32>
      %max3A_238 = arith.maximumf %max3A_217, %min3A_237 : vector<16xf32>
      %min3A_239 = arith.minimumf %max3A_217, %min3A_237 : vector<16xf32>
      %max3A_240 = arith.maximumf %max3A_219, %min3A_239 : vector<16xf32>
      %min3A_241 = arith.minimumf %max3A_219, %min3A_239 : vector<16xf32>
      %max3A_242 = arith.maximumf %max3A_221, %min3A_241 : vector<16xf32>
      %min3A_243 = arith.minimumf %max3A_221, %min3A_241 : vector<16xf32>
      %max3A_244 = arith.maximumf %max3A_223, %min3A_243 : vector<16xf32>
      %min3A_245 = arith.minimumf %max3A_223, %min3A_243 : vector<16xf32>
      %max3A_246 = arith.maximumf %max3A_225, %min3A_245 : vector<16xf32>
      %min3A_247 = arith.minimumf %max3A_225, %min3A_245 : vector<16xf32>
      %max3A_248 = arith.maximumf %max3A_227, %min3A_247 : vector<16xf32>
      %min3A_249 = arith.minimumf %max3A_227, %min3A_247 : vector<16xf32>
      %max3A_250 = arith.maximumf %max3A_229, %min3A_249 : vector<16xf32>
      %min3A_251 = arith.minimumf %max3A_229, %min3A_249 : vector<16xf32>
      %max3A_252 = arith.maximumf %bitcast3A_100, %bitcast3A_110 : vector<16xf32>
      %max3A_253 = arith.maximumf %max3A_232, %max3A_252 : vector<16xf32>
      %min3A_254 = arith.minimumf %max3A_232, %max3A_252 : vector<16xf32>
      %max3A_255 = arith.maximumf %max3A_234, %min3A_254 : vector<16xf32>
      %min3A_256 = arith.minimumf %max3A_234, %min3A_254 : vector<16xf32>
      %max3A_257 = arith.maximumf %max3A_236, %min3A_256 : vector<16xf32>
      %min3A_258 = arith.minimumf %max3A_236, %min3A_256 : vector<16xf32>
      %max3A_259 = arith.maximumf %max3A_238, %min3A_258 : vector<16xf32>
      %min3A_260 = arith.minimumf %max3A_238, %min3A_258 : vector<16xf32>
      %max3A_261 = arith.maximumf %max3A_240, %min3A_260 : vector<16xf32>
      %min3A_262 = arith.minimumf %max3A_240, %min3A_260 : vector<16xf32>
      %max3A_263 = arith.maximumf %max3A_242, %min3A_262 : vector<16xf32>
      %min3A_264 = arith.minimumf %max3A_242, %min3A_262 : vector<16xf32>
      %max3A_265 = arith.maximumf %max3A_244, %min3A_264 : vector<16xf32>
      %min3A_266 = arith.minimumf %max3A_244, %min3A_264 : vector<16xf32>
      %max3A_267 = arith.maximumf %max3A_246, %min3A_266 : vector<16xf32>
      %min3A_268 = arith.minimumf %max3A_246, %min3A_266 : vector<16xf32>
      %max3A_269 = arith.maximumf %max3A_248, %min3A_268 : vector<16xf32>
      %min3A_270 = arith.minimumf %max3A_248, %min3A_268 : vector<16xf32>
      %max3A_271 = arith.maximumf %max3A_250, %min3A_270 : vector<16xf32>
      %min3A_272 = arith.minimumf %max3A_250, %min3A_270 : vector<16xf32>
      %max3A_273 = arith.maximumf %bitcast3A_120, %bitcast3A_130 : vector<16xf32>
      %max3A_274 = arith.maximumf %max3A_253, %max3A_273 : vector<16xf32>
      %min3A_275 = arith.minimumf %max3A_253, %max3A_273 : vector<16xf32>
      %max3A_276 = arith.maximumf %max3A_255, %min3A_275 : vector<16xf32>
      %min3A_277 = arith.minimumf %max3A_255, %min3A_275 : vector<16xf32>
      %max3A_278 = arith.maximumf %max3A_257, %min3A_277 : vector<16xf32>
      %min3A_279 = arith.minimumf %max3A_257, %min3A_277 : vector<16xf32>
      %max3A_280 = arith.maximumf %max3A_259, %min3A_279 : vector<16xf32>
      %min3A_281 = arith.minimumf %max3A_259, %min3A_279 : vector<16xf32>
      %max3A_282 = arith.maximumf %max3A_261, %min3A_281 : vector<16xf32>
      %min3A_283 = arith.minimumf %max3A_261, %min3A_281 : vector<16xf32>
      %max3A_284 = arith.maximumf %max3A_263, %min3A_283 : vector<16xf32>
      %min3A_285 = arith.minimumf %max3A_263, %min3A_283 : vector<16xf32>
      %max3A_286 = arith.maximumf %max3A_265, %min3A_285 : vector<16xf32>
      %min3A_287 = arith.minimumf %max3A_265, %min3A_285 : vector<16xf32>
      %max3A_288 = arith.maximumf %max3A_267, %min3A_287 : vector<16xf32>
      %min3A_289 = arith.minimumf %max3A_267, %min3A_287 : vector<16xf32>
      %max3A_290 = arith.maximumf %max3A_269, %min3A_289 : vector<16xf32>
      %min3A_291 = arith.minimumf %max3A_269, %min3A_289 : vector<16xf32>
      %max3A_292 = arith.maximumf %max3A_271, %min3A_291 : vector<16xf32>
      %min3A_293 = arith.minimumf %max3A_271, %min3A_291 : vector<16xf32>
      %max3A_294 = arith.maximumf %bitcast3A_140, %bitcast3A_150 : vector<16xf32>
      %max3A_295 = arith.maximumf %max3A_274, %max3A_294 : vector<16xf32>
      %min3A_296 = arith.minimumf %max3A_274, %max3A_294 : vector<16xf32>
      %max3A_297 = arith.maximumf %max3A_276, %min3A_296 : vector<16xf32>
      %min3A_298 = arith.minimumf %max3A_276, %min3A_296 : vector<16xf32>
      %max3A_299 = arith.maximumf %max3A_278, %min3A_298 : vector<16xf32>
      %min3A_300 = arith.minimumf %max3A_278, %min3A_298 : vector<16xf32>
      %max3A_301 = arith.maximumf %max3A_280, %min3A_300 : vector<16xf32>
      %min3A_302 = arith.minimumf %max3A_280, %min3A_300 : vector<16xf32>
      %max3A_303 = arith.maximumf %max3A_282, %min3A_302 : vector<16xf32>
      %min3A_304 = arith.minimumf %max3A_282, %min3A_302 : vector<16xf32>
      %max3A_305 = arith.maximumf %max3A_284, %min3A_304 : vector<16xf32>
      %min3A_306 = arith.minimumf %max3A_284, %min3A_304 : vector<16xf32>
      %max3A_307 = arith.maximumf %max3A_286, %min3A_306 : vector<16xf32>
      %min3A_308 = arith.minimumf %max3A_286, %min3A_306 : vector<16xf32>
      %max3A_309 = arith.maximumf %max3A_288, %min3A_308 : vector<16xf32>
      %min3A_310 = arith.minimumf %max3A_288, %min3A_308 : vector<16xf32>
      %max3A_311 = arith.maximumf %max3A_290, %min3A_310 : vector<16xf32>
      %min3A_312 = arith.minimumf %max3A_290, %min3A_310 : vector<16xf32>
      %max3A_313 = arith.maximumf %max3A_292, %min3A_312 : vector<16xf32>
      %min3A_314 = arith.minimumf %max3A_292, %min3A_312 : vector<16xf32>
      %max3A_315 = arith.maximumf %bitcast3A_160, %bitcast3A_170 : vector<16xf32>
      %max3A_316 = arith.maximumf %max3A_295, %max3A_315 : vector<16xf32>
      %min3A_317 = arith.minimumf %max3A_295, %max3A_315 : vector<16xf32>
      %max3A_318 = arith.maximumf %max3A_297, %min3A_317 : vector<16xf32>
      %min3A_319 = arith.minimumf %max3A_297, %min3A_317 : vector<16xf32>
      %max3A_320 = arith.maximumf %max3A_299, %min3A_319 : vector<16xf32>
      %min3A_321 = arith.minimumf %max3A_299, %min3A_319 : vector<16xf32>
      %max3A_322 = arith.maximumf %max3A_301, %min3A_321 : vector<16xf32>
      %min3A_323 = arith.minimumf %max3A_301, %min3A_321 : vector<16xf32>
      %max3A_324 = arith.maximumf %max3A_303, %min3A_323 : vector<16xf32>
      %min3A_325 = arith.minimumf %max3A_303, %min3A_323 : vector<16xf32>
      %max3A_326 = arith.maximumf %max3A_305, %min3A_325 : vector<16xf32>
      %min3A_327 = arith.minimumf %max3A_305, %min3A_325 : vector<16xf32>
      %max3A_328 = arith.maximumf %max3A_307, %min3A_327 : vector<16xf32>
      %min3A_329 = arith.minimumf %max3A_307, %min3A_327 : vector<16xf32>
      %max3A_330 = arith.maximumf %max3A_309, %min3A_329 : vector<16xf32>
      %min3A_331 = arith.minimumf %max3A_309, %min3A_329 : vector<16xf32>
      %max3A_332 = arith.maximumf %max3A_311, %min3A_331 : vector<16xf32>
      %min3A_333 = arith.minimumf %max3A_311, %min3A_331 : vector<16xf32>
      %max3A_334 = arith.maximumf %max3A_313, %min3A_333 : vector<16xf32>
      %min3A_335 = arith.minimumf %max3A_313, %min3A_333 : vector<16xf32>
      %max3A_336 = arith.maximumf %bitcast3A_180, %bitcast3A_190 : vector<16xf32>
      %max3A_337 = arith.maximumf %max3A_316, %max3A_336 : vector<16xf32>
      %min3A_338 = arith.minimumf %max3A_316, %max3A_336 : vector<16xf32>
      %max3A_339 = arith.maximumf %max3A_318, %min3A_338 : vector<16xf32>
      %min3A_340 = arith.minimumf %max3A_318, %min3A_338 : vector<16xf32>
      %max3A_341 = arith.maximumf %max3A_320, %min3A_340 : vector<16xf32>
      %min3A_342 = arith.minimumf %max3A_320, %min3A_340 : vector<16xf32>
      %max3A_343 = arith.maximumf %max3A_322, %min3A_342 : vector<16xf32>
      %min3A_344 = arith.minimumf %max3A_322, %min3A_342 : vector<16xf32>
      %max3A_345 = arith.maximumf %max3A_324, %min3A_344 : vector<16xf32>
      %min3A_346 = arith.minimumf %max3A_324, %min3A_344 : vector<16xf32>
      %max3A_347 = arith.maximumf %max3A_326, %min3A_346 : vector<16xf32>
      %min3A_348 = arith.minimumf %max3A_326, %min3A_346 : vector<16xf32>
      %max3A_349 = arith.maximumf %max3A_328, %min3A_348 : vector<16xf32>
      %min3A_350 = arith.minimumf %max3A_328, %min3A_348 : vector<16xf32>
      %max3A_351 = arith.maximumf %max3A_330, %min3A_350 : vector<16xf32>
      %min3A_352 = arith.minimumf %max3A_330, %min3A_350 : vector<16xf32>
      %max3A_353 = arith.maximumf %max3A_332, %min3A_352 : vector<16xf32>
      %min3A_354 = arith.minimumf %max3A_332, %min3A_352 : vector<16xf32>
      %max3A_355 = arith.maximumf %max3A_334, %min3A_354 : vector<16xf32>
      %min3A_356 = arith.minimumf %max3A_334, %min3A_354 : vector<16xf32>
      %add3A_357 = arith.constant 16 : i32
      %add3A_358 = vector.broadcast %add3A_357 : i32 to vector<16xi32>
      %add3A_359 = arith.addi %mul3A_34, %add3A_358 : vector<16xi32>
      %gather3A_360 = tpu.vector_load_idx %arg5[%add3A_359] : memref<65536xf32, #tpu.memory_space<vmem>>[vector<16xi32>], vector<16xf32>,
      %bitcast3A_361 = vector.bitcast %gather3A_360 : vector<16xf32> to vector<16xi32>
      %broadcast_in_dim3A_362 = arith.constant 47 : i32
      %broadcast_in_dim3A_363 = vector.broadcast %broadcast_in_dim3A_362 : i32 to vector<16xi32>
      %and3A_364 = arith.andi %bitcast3A_361, %broadcast_in_dim3A_7 : vector<16xi32>
      %or3A_365 = arith.ori %and3A_364, %broadcast_in_dim3A_363 : vector<16xi32>
      %bitcast3A_366 = vector.bitcast %or3A_365 : vector<16xi32> to vector<16xf32>
      %add3A_367 = arith.constant 17 : i32
      %add3A_368 = vector.broadcast %add3A_367 : i32 to vector<16xi32>
      %add3A_369 = arith.addi %mul3A_34, %add3A_368 : vector<16xi32>
      %gather3A_370 = tpu.vector_load_idx %arg5[%add3A_369] : memref<65536xf32, #tpu.memory_space<vmem>>[vector<16xi32>], vector<16xf32>,
      %bitcast3A_371 = vector.bitcast %gather3A_370 : vector<16xf32> to vector<16xi32>
      %broadcast_in_dim3A_372 = arith.constant 46 : i32
      %broadcast_in_dim3A_373 = vector.broadcast %broadcast_in_dim3A_372 : i32 to vector<16xi32>
      %and3A_374 = arith.andi %bitcast3A_371, %broadcast_in_dim3A_7 : vector<16xi32>
      %or3A_375 = arith.ori %and3A_374, %broadcast_in_dim3A_373 : vector<16xi32>
      %bitcast3A_376 = vector.bitcast %or3A_375 : vector<16xi32> to vector<16xf32>
      %add3A_377 = arith.constant 18 : i32
      %add3A_378 = vector.broadcast %add3A_377 : i32 to vector<16xi32>
      %add3A_379 = arith.addi %mul3A_34, %add3A_378 : vector<16xi32>
      %gather3A_380 = tpu.vector_load_idx %arg5[%add3A_379] : memref<65536xf32, #tpu.memory_space<vmem>>[vector<16xi32>], vector<16xf32>,
      %bitcast3A_381 = vector.bitcast %gather3A_380 : vector<16xf32> to vector<16xi32>
      %broadcast_in_dim3A_382 = arith.constant 45 : i32
      %broadcast_in_dim3A_383 = vector.broadcast %broadcast_in_dim3A_382 : i32 to vector<16xi32>
      %and3A_384 = arith.andi %bitcast3A_381, %broadcast_in_dim3A_7 : vector<16xi32>
      %or3A_385 = arith.ori %and3A_384, %broadcast_in_dim3A_383 : vector<16xi32>
      %bitcast3A_386 = vector.bitcast %or3A_385 : vector<16xi32> to vector<16xf32>
      %add3A_387 = arith.constant 19 : i32
      %add3A_388 = vector.broadcast %add3A_387 : i32 to vector<16xi32>
      %add3A_389 = arith.addi %mul3A_34, %add3A_388 : vector<16xi32>
      %gather3A_390 = tpu.vector_load_idx %arg5[%add3A_389] : memref<65536xf32, #tpu.memory_space<vmem>>[vector<16xi32>], vector<16xf32>,
      %bitcast3A_391 = vector.bitcast %gather3A_390 : vector<16xf32> to vector<16xi32>
      %broadcast_in_dim3A_392 = arith.constant 44 : i32
      %broadcast_in_dim3A_393 = vector.broadcast %broadcast_in_dim3A_392 : i32 to vector<16xi32>
      %and3A_394 = arith.andi %bitcast3A_391, %broadcast_in_dim3A_7 : vector<16xi32>
      %or3A_395 = arith.ori %and3A_394, %broadcast_in_dim3A_393 : vector<16xi32>
      %bitcast3A_396 = vector.bitcast %or3A_395 : vector<16xi32> to vector<16xf32>
      %add3A_397 = arith.constant 20 : i32
      %add3A_398 = vector.broadcast %add3A_397 : i32 to vector<16xi32>
      %add3A_399 = arith.addi %mul3A_34, %add3A_398 : vector<16xi32>
      %gather3A_400 = tpu.vector_load_idx %arg5[%add3A_399] : memref<65536xf32, #tpu.memory_space<vmem>>[vector<16xi32>], vector<16xf32>,
      %bitcast3A_401 = vector.bitcast %gather3A_400 : vector<16xf32> to vector<16xi32>
      %broadcast_in_dim3A_402 = arith.constant 43 : i32
      %broadcast_in_dim3A_403 = vector.broadcast %broadcast_in_dim3A_402 : i32 to vector<16xi32>
      %and3A_404 = arith.andi %bitcast3A_401, %broadcast_in_dim3A_7 : vector<16xi32>
      %or3A_405 = arith.ori %and3A_404, %broadcast_in_dim3A_403 : vector<16xi32>
      %bitcast3A_406 = vector.bitcast %or3A_405 : vector<16xi32> to vector<16xf32>
      %add3A_407 = arith.constant 21 : i32
      %add3A_408 = vector.broadcast %add3A_407 : i32 to vector<16xi32>
      %add3A_409 = arith.addi %mul3A_34, %add3A_408 : vector<16xi32>
      %gather3A_410 = tpu.vector_load_idx %arg5[%add3A_409] : memref<65536xf32, #tpu.memory_space<vmem>>[vector<16xi32>], vector<16xf32>,
      %bitcast3A_411 = vector.bitcast %gather3A_410 : vector<16xf32> to vector<16xi32>
      %broadcast_in_dim3A_412 = arith.constant 42 : i32
      %broadcast_in_dim3A_413 = vector.broadcast %broadcast_in_dim3A_412 : i32 to vector<16xi32>
      %and3A_414 = arith.andi %bitcast3A_411, %broadcast_in_dim3A_7 : vector<16xi32>
      %or3A_415 = arith.ori %and3A_414, %broadcast_in_dim3A_413 : vector<16xi32>
      %bitcast3A_416 = vector.bitcast %or3A_415 : vector<16xi32> to vector<16xf32>
      %add3A_417 = arith.constant 22 : i32
      %add3A_418 = vector.broadcast %add3A_417 : i32 to vector<16xi32>
      %add3A_419 = arith.addi %mul3A_34, %add3A_418 : vector<16xi32>
      %gather3A_420 = tpu.vector_load_idx %arg5[%add3A_419] : memref<65536xf32, #tpu.memory_space<vmem>>[vector<16xi32>], vector<16xf32>,
      %bitcast3A_421 = vector.bitcast %gather3A_420 : vector<16xf32> to vector<16xi32>
      %broadcast_in_dim3A_422 = arith.constant 41 : i32
      %broadcast_in_dim3A_423 = vector.broadcast %broadcast_in_dim3A_422 : i32 to vector<16xi32>
      %and3A_424 = arith.andi %bitcast3A_421, %broadcast_in_dim3A_7 : vector<16xi32>
      %or3A_425 = arith.ori %and3A_424, %broadcast_in_dim3A_423 : vector<16xi32>
      %bitcast3A_426 = vector.bitcast %or3A_425 : vector<16xi32> to vector<16xf32>
      %add3A_427 = arith.constant 23 : i32
      %add3A_428 = vector.broadcast %add3A_427 : i32 to vector<16xi32>
      %add3A_429 = arith.addi %mul3A_34, %add3A_428 : vector<16xi32>
      %gather3A_430 = tpu.vector_load_idx %arg5[%add3A_429] : memref<65536xf32, #tpu.memory_space<vmem>>[vector<16xi32>], vector<16xf32>,
      %bitcast3A_431 = vector.bitcast %gather3A_430 : vector<16xf32> to vector<16xi32>
      %broadcast_in_dim3A_432 = arith.constant 40 : i32
      %broadcast_in_dim3A_433 = vector.broadcast %broadcast_in_dim3A_432 : i32 to vector<16xi32>
      %and3A_434 = arith.andi %bitcast3A_431, %broadcast_in_dim3A_7 : vector<16xi32>
      %or3A_435 = arith.ori %and3A_434, %broadcast_in_dim3A_433 : vector<16xi32>
      %bitcast3A_436 = vector.bitcast %or3A_435 : vector<16xi32> to vector<16xf32>
      %add3A_437 = arith.constant 24 : i32
      %add3A_438 = vector.broadcast %add3A_437 : i32 to vector<16xi32>
      %add3A_439 = arith.addi %mul3A_34, %add3A_438 : vector<16xi32>
      %gather3A_440 = tpu.vector_load_idx %arg5[%add3A_439] : memref<65536xf32, #tpu.memory_space<vmem>>[vector<16xi32>], vector<16xf32>,
      %bitcast3A_441 = vector.bitcast %gather3A_440 : vector<16xf32> to vector<16xi32>
      %broadcast_in_dim3A_442 = arith.constant 39 : i32
      %broadcast_in_dim3A_443 = vector.broadcast %broadcast_in_dim3A_442 : i32 to vector<16xi32>
      %and3A_444 = arith.andi %bitcast3A_441, %broadcast_in_dim3A_7 : vector<16xi32>
      %or3A_445 = arith.ori %and3A_444, %broadcast_in_dim3A_443 : vector<16xi32>
      %bitcast3A_446 = vector.bitcast %or3A_445 : vector<16xi32> to vector<16xf32>
      %add3A_447 = arith.constant 25 : i32
      %add3A_448 = vector.broadcast %add3A_447 : i32 to vector<16xi32>
      %add3A_449 = arith.addi %mul3A_34, %add3A_448 : vector<16xi32>
      %gather3A_450 = tpu.vector_load_idx %arg5[%add3A_449] : memref<65536xf32, #tpu.memory_space<vmem>>[vector<16xi32>], vector<16xf32>,
      %bitcast3A_451 = vector.bitcast %gather3A_450 : vector<16xf32> to vector<16xi32>
      %broadcast_in_dim3A_452 = arith.constant 38 : i32
      %broadcast_in_dim3A_453 = vector.broadcast %broadcast_in_dim3A_452 : i32 to vector<16xi32>
      %and3A_454 = arith.andi %bitcast3A_451, %broadcast_in_dim3A_7 : vector<16xi32>
      %or3A_455 = arith.ori %and3A_454, %broadcast_in_dim3A_453 : vector<16xi32>
      %bitcast3A_456 = vector.bitcast %or3A_455 : vector<16xi32> to vector<16xf32>
      %add3A_457 = arith.constant 26 : i32
      %add3A_458 = vector.broadcast %add3A_457 : i32 to vector<16xi32>
      %add3A_459 = arith.addi %mul3A_34, %add3A_458 : vector<16xi32>
      %gather3A_460 = tpu.vector_load_idx %arg5[%add3A_459] : memref<65536xf32, #tpu.memory_space<vmem>>[vector<16xi32>], vector<16xf32>,
      %bitcast3A_461 = vector.bitcast %gather3A_460 : vector<16xf32> to vector<16xi32>
      %broadcast_in_dim3A_462 = arith.constant 37 : i32
      %broadcast_in_dim3A_463 = vector.broadcast %broadcast_in_dim3A_462 : i32 to vector<16xi32>
      %and3A_464 = arith.andi %bitcast3A_461, %broadcast_in_dim3A_7 : vector<16xi32>
      %or3A_465 = arith.ori %and3A_464, %broadcast_in_dim3A_463 : vector<16xi32>
      %bitcast3A_466 = vector.bitcast %or3A_465 : vector<16xi32> to vector<16xf32>
      %add3A_467 = arith.constant 27 : i32
      %add3A_468 = vector.broadcast %add3A_467 : i32 to vector<16xi32>
      %add3A_469 = arith.addi %mul3A_34, %add3A_468 : vector<16xi32>
      %gather3A_470 = tpu.vector_load_idx %arg5[%add3A_469] : memref<65536xf32, #tpu.memory_space<vmem>>[vector<16xi32>], vector<16xf32>,
      %bitcast3A_471 = vector.bitcast %gather3A_470 : vector<16xf32> to vector<16xi32>
      %broadcast_in_dim3A_472 = arith.constant 36 : i32
      %broadcast_in_dim3A_473 = vector.broadcast %broadcast_in_dim3A_472 : i32 to vector<16xi32>
      %and3A_474 = arith.andi %bitcast3A_471, %broadcast_in_dim3A_7 : vector<16xi32>
      %or3A_475 = arith.ori %and3A_474, %broadcast_in_dim3A_473 : vector<16xi32>
      %bitcast3A_476 = vector.bitcast %or3A_475 : vector<16xi32> to vector<16xf32>
      %add3A_477 = arith.constant 28 : i32
      %add3A_478 = vector.broadcast %add3A_477 : i32 to vector<16xi32>
      %add3A_479 = arith.addi %mul3A_34, %add3A_478 : vector<16xi32>
      %gather3A_480 = tpu.vector_load_idx %arg5[%add3A_479] : memref<65536xf32, #tpu.memory_space<vmem>>[vector<16xi32>], vector<16xf32>,
      %bitcast3A_481 = vector.bitcast %gather3A_480 : vector<16xf32> to vector<16xi32>
      %broadcast_in_dim3A_482 = arith.constant 35 : i32
      %broadcast_in_dim3A_483 = vector.broadcast %broadcast_in_dim3A_482 : i32 to vector<16xi32>
      %and3A_484 = arith.andi %bitcast3A_481, %broadcast_in_dim3A_7 : vector<16xi32>
      %or3A_485 = arith.ori %and3A_484, %broadcast_in_dim3A_483 : vector<16xi32>
      %bitcast3A_486 = vector.bitcast %or3A_485 : vector<16xi32> to vector<16xf32>
      %add3A_487 = arith.constant 29 : i32
      %add3A_488 = vector.broadcast %add3A_487 : i32 to vector<16xi32>
      %add3A_489 = arith.addi %mul3A_34, %add3A_488 : vector<16xi32>
      %gather3A_490 = tpu.vector_load_idx %arg5[%add3A_489] : memref<65536xf32, #tpu.memory_space<vmem>>[vector<16xi32>], vector<16xf32>,
      %bitcast3A_491 = vector.bitcast %gather3A_490 : vector<16xf32> to vector<16xi32>
      %broadcast_in_dim3A_492 = arith.constant 34 : i32
      %broadcast_in_dim3A_493 = vector.broadcast %broadcast_in_dim3A_492 : i32 to vector<16xi32>
      %and3A_494 = arith.andi %bitcast3A_491, %broadcast_in_dim3A_7 : vector<16xi32>
      %or3A_495 = arith.ori %and3A_494, %broadcast_in_dim3A_493 : vector<16xi32>
      %bitcast3A_496 = vector.bitcast %or3A_495 : vector<16xi32> to vector<16xf32>
      %add3A_497 = arith.constant 30 : i32
      %add3A_498 = vector.broadcast %add3A_497 : i32 to vector<16xi32>
      %add3A_499 = arith.addi %mul3A_34, %add3A_498 : vector<16xi32>
      %gather3A_500 = tpu.vector_load_idx %arg5[%add3A_499] : memref<65536xf32, #tpu.memory_space<vmem>>[vector<16xi32>], vector<16xf32>,
      %bitcast3A_501 = vector.bitcast %gather3A_500 : vector<16xf32> to vector<16xi32>
      %broadcast_in_dim3A_502 = arith.constant 33 : i32
      %broadcast_in_dim3A_503 = vector.broadcast %broadcast_in_dim3A_502 : i32 to vector<16xi32>
      %and3A_504 = arith.andi %bitcast3A_501, %broadcast_in_dim3A_7 : vector<16xi32>
      %or3A_505 = arith.ori %and3A_504, %broadcast_in_dim3A_503 : vector<16xi32>
      %bitcast3A_506 = vector.bitcast %or3A_505 : vector<16xi32> to vector<16xf32>
      %add3A_507 = arith.constant 31 : i32
      %add3A_508 = vector.broadcast %add3A_507 : i32 to vector<16xi32>
      %add3A_509 = arith.addi %mul3A_34, %add3A_508 : vector<16xi32>
      %gather3A_510 = tpu.vector_load_idx %arg5[%add3A_509] : memref<65536xf32, #tpu.memory_space<vmem>>[vector<16xi32>], vector<16xf32>,
      %bitcast3A_511 = vector.bitcast %gather3A_510 : vector<16xf32> to vector<16xi32>
      %broadcast_in_dim3A_512 = arith.constant 32 : i32
      %broadcast_in_dim3A_513 = vector.broadcast %broadcast_in_dim3A_512 : i32 to vector<16xi32>
      %and3A_514 = arith.andi %bitcast3A_511, %broadcast_in_dim3A_7 : vector<16xi32>
      %or3A_515 = arith.ori %and3A_514, %broadcast_in_dim3A_513 : vector<16xi32>
      %bitcast3A_516 = vector.bitcast %or3A_515 : vector<16xi32> to vector<16xf32>
      %max3A_517 = arith.maximumf %bitcast3A_366, %bitcast3A_376 : vector<16xf32>
      %max3A_518 = arith.maximumf %max3A_337, %max3A_517 : vector<16xf32>
      %min3A_519 = arith.minimumf %max3A_337, %max3A_517 : vector<16xf32>
      %max3A_520 = arith.maximumf %max3A_339, %min3A_519 : vector<16xf32>
      %min3A_521 = arith.minimumf %max3A_339, %min3A_519 : vector<16xf32>
      %max3A_522 = arith.maximumf %max3A_341, %min3A_521 : vector<16xf32>
      %min3A_523 = arith.minimumf %max3A_341, %min3A_521 : vector<16xf32>
      %max3A_524 = arith.maximumf %max3A_343, %min3A_523 : vector<16xf32>
      %min3A_525 = arith.minimumf %max3A_343, %min3A_523 : vector<16xf32>
      %max3A_526 = arith.maximumf %max3A_345, %min3A_525 : vector<16xf32>
      %min3A_527 = arith.minimumf %max3A_345, %min3A_525 : vector<16xf32>
      %max3A_528 = arith.maximumf %max3A_347, %min3A_527 : vector<16xf32>
      %min3A_529 = arith.minimumf %max3A_347, %min3A_527 : vector<16xf32>
      %max3A_530 = arith.maximumf %max3A_349, %min3A_529 : vector<16xf32>
      %min3A_531 = arith.minimumf %max3A_349, %min3A_529 : vector<16xf32>
      %max3A_532 = arith.maximumf %max3A_351, %min3A_531 : vector<16xf32>
      %min3A_533 = arith.minimumf %max3A_351, %min3A_531 : vector<16xf32>
      %max3A_534 = arith.maximumf %max3A_353, %min3A_533 : vector<16xf32>
      %min3A_535 = arith.minimumf %max3A_353, %min3A_533 : vector<16xf32>
      %max3A_536 = arith.maximumf %max3A_355, %min3A_535 : vector<16xf32>
      %min3A_537 = arith.minimumf %max3A_355, %min3A_535 : vector<16xf32>
      %max3A_538 = arith.maximumf %bitcast3A_386, %bitcast3A_396 : vector<16xf32>
      %max3A_539 = arith.maximumf %max3A_518, %max3A_538 : vector<16xf32>
      %min3A_540 = arith.minimumf %max3A_518, %max3A_538 : vector<16xf32>
      %max3A_541 = arith.maximumf %max3A_520, %min3A_540 : vector<16xf32>
      %min3A_542 = arith.minimumf %max3A_520, %min3A_540 : vector<16xf32>
      %max3A_543 = arith.maximumf %max3A_522, %min3A_542 : vector<16xf32>
      %min3A_544 = arith.minimumf %max3A_522, %min3A_542 : vector<16xf32>
      %max3A_545 = arith.maximumf %max3A_524, %min3A_544 : vector<16xf32>
      %min3A_546 = arith.minimumf %max3A_524, %min3A_544 : vector<16xf32>
      %max3A_547 = arith.maximumf %max3A_526, %min3A_546 : vector<16xf32>
      %min3A_548 = arith.minimumf %max3A_526, %min3A_546 : vector<16xf32>
      %max3A_549 = arith.maximumf %max3A_528, %min3A_548 : vector<16xf32>
      %min3A_550 = arith.minimumf %max3A_528, %min3A_548 : vector<16xf32>
      %max3A_551 = arith.maximumf %max3A_530, %min3A_550 : vector<16xf32>
      %min3A_552 = arith.minimumf %max3A_530, %min3A_550 : vector<16xf32>
      %max3A_553 = arith.maximumf %max3A_532, %min3A_552 : vector<16xf32>
      %min3A_554 = arith.minimumf %max3A_532, %min3A_552 : vector<16xf32>
      %max3A_555 = arith.maximumf %max3A_534, %min3A_554 : vector<16xf32>
      %min3A_556 = arith.minimumf %max3A_534, %min3A_554 : vector<16xf32>
      %max3A_557 = arith.maximumf %max3A_536, %min3A_556 : vector<16xf32>
      %min3A_558 = arith.minimumf %max3A_536, %min3A_556 : vector<16xf32>
      %max3A_559 = arith.maximumf %bitcast3A_406, %bitcast3A_416 : vector<16xf32>
      %max3A_560 = arith.maximumf %max3A_539, %max3A_559 : vector<16xf32>
      %min3A_561 = arith.minimumf %max3A_539, %max3A_559 : vector<16xf32>
      %max3A_562 = arith.maximumf %max3A_541, %min3A_561 : vector<16xf32>
      %min3A_563 = arith.minimumf %max3A_541, %min3A_561 : vector<16xf32>
      %max3A_564 = arith.maximumf %max3A_543, %min3A_563 : vector<16xf32>
      %min3A_565 = arith.minimumf %max3A_543, %min3A_563 : vector<16xf32>
      %max3A_566 = arith.maximumf %max3A_545, %min3A_565 : vector<16xf32>
      %min3A_567 = arith.minimumf %max3A_545, %min3A_565 : vector<16xf32>
      %max3A_568 = arith.maximumf %max3A_547, %min3A_567 : vector<16xf32>
      %min3A_569 = arith.minimumf %max3A_547, %min3A_567 : vector<16xf32>
      %max3A_570 = arith.maximumf %max3A_549, %min3A_569 : vector<16xf32>
      %min3A_571 = arith.minimumf %max3A_549, %min3A_569 : vector<16xf32>
      %max3A_572 = arith.maximumf %max3A_551, %min3A_571 : vector<16xf32>
      %min3A_573 = arith.minimumf %max3A_551, %min3A_571 : vector<16xf32>
      %max3A_574 = arith.maximumf %max3A_553, %min3A_573 : vector<16xf32>
      %min3A_575 = arith.minimumf %max3A_553, %min3A_573 : vector<16xf32>
      %max3A_576 = arith.maximumf %max3A_555, %min3A_575 : vector<16xf32>
      %min3A_577 = arith.minimumf %max3A_555, %min3A_575 : vector<16xf32>
      %max3A_578 = arith.maximumf %max3A_557, %min3A_577 : vector<16xf32>
      %min3A_579 = arith.minimumf %max3A_557, %min3A_577 : vector<16xf32>
      %max3A_580 = arith.maximumf %bitcast3A_426, %bitcast3A_436 : vector<16xf32>
      %max3A_581 = arith.maximumf %max3A_560, %max3A_580 : vector<16xf32>
      %min3A_582 = arith.minimumf %max3A_560, %max3A_580 : vector<16xf32>
      %max3A_583 = arith.maximumf %max3A_562, %min3A_582 : vector<16xf32>
      %min3A_584 = arith.minimumf %max3A_562, %min3A_582 : vector<16xf32>
      %max3A_585 = arith.maximumf %max3A_564, %min3A_584 : vector<16xf32>
      %min3A_586 = arith.minimumf %max3A_564, %min3A_584 : vector<16xf32>
      %max3A_587 = arith.maximumf %max3A_566, %min3A_586 : vector<16xf32>
      %min3A_588 = arith.minimumf %max3A_566, %min3A_586 : vector<16xf32>
      %max3A_589 = arith.maximumf %max3A_568, %min3A_588 : vector<16xf32>
      %min3A_590 = arith.minimumf %max3A_568, %min3A_588 : vector<16xf32>
      %max3A_591 = arith.maximumf %max3A_570, %min3A_590 : vector<16xf32>
      %min3A_592 = arith.minimumf %max3A_570, %min3A_590 : vector<16xf32>
      %max3A_593 = arith.maximumf %max3A_572, %min3A_592 : vector<16xf32>
      %min3A_594 = arith.minimumf %max3A_572, %min3A_592 : vector<16xf32>
      %max3A_595 = arith.maximumf %max3A_574, %min3A_594 : vector<16xf32>
      %min3A_596 = arith.minimumf %max3A_574, %min3A_594 : vector<16xf32>
      %max3A_597 = arith.maximumf %max3A_576, %min3A_596 : vector<16xf32>
      %min3A_598 = arith.minimumf %max3A_576, %min3A_596 : vector<16xf32>
      %max3A_599 = arith.maximumf %max3A_578, %min3A_598 : vector<16xf32>
      %min3A_600 = arith.minimumf %max3A_578, %min3A_598 : vector<16xf32>
      %max3A_601 = arith.maximumf %bitcast3A_446, %bitcast3A_456 : vector<16xf32>
      %max3A_602 = arith.maximumf %max3A_581, %max3A_601 : vector<16xf32>
      %min3A_603 = arith.minimumf %max3A_581, %max3A_601 : vector<16xf32>
      %max3A_604 = arith.maximumf %max3A_583, %min3A_603 : vector<16xf32>
      %min3A_605 = arith.minimumf %max3A_583, %min3A_603 : vector<16xf32>
      %max3A_606 = arith.maximumf %max3A_585, %min3A_605 : vector<16xf32>
      %min3A_607 = arith.minimumf %max3A_585, %min3A_605 : vector<16xf32>
      %max3A_608 = arith.maximumf %max3A_587, %min3A_607 : vector<16xf32>
      %min3A_609 = arith.minimumf %max3A_587, %min3A_607 : vector<16xf32>
      %max3A_610 = arith.maximumf %max3A_589, %min3A_609 : vector<16xf32>
      %min3A_611 = arith.minimumf %max3A_589, %min3A_609 : vector<16xf32>
      %max3A_612 = arith.maximumf %max3A_591, %min3A_611 : vector<16xf32>
      %min3A_613 = arith.minimumf %max3A_591, %min3A_611 : vector<16xf32>
      %max3A_614 = arith.maximumf %max3A_593, %min3A_613 : vector<16xf32>
      %min3A_615 = arith.minimumf %max3A_593, %min3A_613 : vector<16xf32>
      %max3A_616 = arith.maximumf %max3A_595, %min3A_615 : vector<16xf32>
      %min3A_617 = arith.minimumf %max3A_595, %min3A_615 : vector<16xf32>
      %max3A_618 = arith.maximumf %max3A_597, %min3A_617 : vector<16xf32>
      %min3A_619 = arith.minimumf %max3A_597, %min3A_617 : vector<16xf32>
      %max3A_620 = arith.maximumf %max3A_599, %min3A_619 : vector<16xf32>
      %min3A_621 = arith.minimumf %max3A_599, %min3A_619 : vector<16xf32>
      %max3A_622 = arith.maximumf %bitcast3A_466, %bitcast3A_476 : vector<16xf32>
      %max3A_623 = arith.maximumf %max3A_602, %max3A_622 : vector<16xf32>
      %min3A_624 = arith.minimumf %max3A_602, %max3A_622 : vector<16xf32>
      %max3A_625 = arith.maximumf %max3A_604, %min3A_624 : vector<16xf32>
      %min3A_626 = arith.minimumf %max3A_604, %min3A_624 : vector<16xf32>
      %max3A_627 = arith.maximumf %max3A_606, %min3A_626 : vector<16xf32>
      %min3A_628 = arith.minimumf %max3A_606, %min3A_626 : vector<16xf32>
      %max3A_629 = arith.maximumf %max3A_608, %min3A_628 : vector<16xf32>
      %min3A_630 = arith.minimumf %max3A_608, %min3A_628 : vector<16xf32>
      %max3A_631 = arith.maximumf %max3A_610, %min3A_630 : vector<16xf32>
      %min3A_632 = arith.minimumf %max3A_610, %min3A_630 : vector<16xf32>
      %max3A_633 = arith.maximumf %max3A_612, %min3A_632 : vector<16xf32>
      %min3A_634 = arith.minimumf %max3A_612, %min3A_632 : vector<16xf32>
      %max3A_635 = arith.maximumf %max3A_614, %min3A_634 : vector<16xf32>
      %min3A_636 = arith.minimumf %max3A_614, %min3A_634 : vector<16xf32>
      %max3A_637 = arith.maximumf %max3A_616, %min3A_636 : vector<16xf32>
      %min3A_638 = arith.minimumf %max3A_616, %min3A_636 : vector<16xf32>
      %max3A_639 = arith.maximumf %max3A_618, %min3A_638 : vector<16xf32>
      %min3A_640 = arith.minimumf %max3A_618, %min3A_638 : vector<16xf32>
      %max3A_641 = arith.maximumf %max3A_620, %min3A_640 : vector<16xf32>
      %min3A_642 = arith.minimumf %max3A_620, %min3A_640 : vector<16xf32>
      %max3A_643 = arith.maximumf %bitcast3A_486, %bitcast3A_496 : vector<16xf32>
      %max3A_644 = arith.maximumf %max3A_623, %max3A_643 : vector<16xf32>
      %min3A_645 = arith.minimumf %max3A_623, %max3A_643 : vector<16xf32>
      %max3A_646 = arith.maximumf %max3A_625, %min3A_645 : vector<16xf32>
      %min3A_647 = arith.minimumf %max3A_625, %min3A_645 : vector<16xf32>
      %max3A_648 = arith.maximumf %max3A_627, %min3A_647 : vector<16xf32>
      %min3A_649 = arith.minimumf %max3A_627, %min3A_647 : vector<16xf32>
      %max3A_650 = arith.maximumf %max3A_629, %min3A_649 : vector<16xf32>
      %min3A_651 = arith.minimumf %max3A_629, %min3A_649 : vector<16xf32>
      %max3A_652 = arith.maximumf %max3A_631, %min3A_651 : vector<16xf32>
      %min3A_653 = arith.minimumf %max3A_631, %min3A_651 : vector<16xf32>
      %max3A_654 = arith.maximumf %max3A_633, %min3A_653 : vector<16xf32>
      %min3A_655 = arith.minimumf %max3A_633, %min3A_653 : vector<16xf32>
      %max3A_656 = arith.maximumf %max3A_635, %min3A_655 : vector<16xf32>
      %min3A_657 = arith.minimumf %max3A_635, %min3A_655 : vector<16xf32>
      %max3A_658 = arith.maximumf %max3A_637, %min3A_657 : vector<16xf32>
      %min3A_659 = arith.minimumf %max3A_637, %min3A_657 : vector<16xf32>
      %max3A_660 = arith.maximumf %max3A_639, %min3A_659 : vector<16xf32>
      %min3A_661 = arith.minimumf %max3A_639, %min3A_659 : vector<16xf32>
      %max3A_662 = arith.maximumf %max3A_641, %min3A_661 : vector<16xf32>
      %min3A_663 = arith.minimumf %max3A_641, %min3A_661 : vector<16xf32>
      %max3A_664 = arith.maximumf %bitcast3A_506, %bitcast3A_516 : vector<16xf32>
      %max3A_665 = arith.maximumf %max3A_644, %max3A_664 : vector<16xf32>
      %min3A_666 = arith.minimumf %max3A_644, %max3A_664 : vector<16xf32>
      %max3A_667 = arith.maximumf %max3A_646, %min3A_666 : vector<16xf32>
      %min3A_668 = arith.minimumf %max3A_646, %min3A_666 : vector<16xf32>
      %max3A_669 = arith.maximumf %max3A_648, %min3A_668 : vector<16xf32>
      %min3A_670 = arith.minimumf %max3A_648, %min3A_668 : vector<16xf32>
      %max3A_671 = arith.maximumf %max3A_650, %min3A_670 : vector<16xf32>
      %min3A_672 = arith.minimumf %max3A_650, %min3A_670 : vector<16xf32>
      %max3A_673 = arith.maximumf %max3A_652, %min3A_672 : vector<16xf32>
      %min3A_674 = arith.minimumf %max3A_652, %min3A_672 : vector<16xf32>
      %max3A_675 = arith.maximumf %max3A_654, %min3A_674 : vector<16xf32>
      %min3A_676 = arith.minimumf %max3A_654, %min3A_674 : vector<16xf32>
      %max3A_677 = arith.maximumf %max3A_656, %min3A_676 : vector<16xf32>
      %min3A_678 = arith.minimumf %max3A_656, %min3A_676 : vector<16xf32>
      %max3A_679 = arith.maximumf %max3A_658, %min3A_678 : vector<16xf32>
      %min3A_680 = arith.minimumf %max3A_658, %min3A_678 : vector<16xf32>
      %max3A_681 = arith.maximumf %max3A_660, %min3A_680 : vector<16xf32>
      %min3A_682 = arith.minimumf %max3A_660, %min3A_680 : vector<16xf32>
      %max3A_683 = arith.maximumf %max3A_662, %min3A_682 : vector<16xf32>
      %min3A_684 = arith.minimumf %max3A_662, %min3A_682 : vector<16xf32>
      %add3A_685 = arith.constant 32 : i32
      %add3A_686 = vector.broadcast %add3A_685 : i32 to vector<16xi32>
      %add3A_687 = arith.addi %mul3A_34, %add3A_686 : vector<16xi32>
      %gather3A_688 = tpu.vector_load_idx %arg5[%add3A_687] : memref<65536xf32, #tpu.memory_space<vmem>>[vector<16xi32>], vector<16xf32>,
      %bitcast3A_689 = vector.bitcast %gather3A_688 : vector<16xf32> to vector<16xi32>
      %broadcast_in_dim3A_690 = arith.constant 31 : i32
      %broadcast_in_dim3A_691 = vector.broadcast %broadcast_in_dim3A_690 : i32 to vector<16xi32>
      %and3A_692 = arith.andi %bitcast3A_689, %broadcast_in_dim3A_7 : vector<16xi32>
      %or3A_693 = arith.ori %and3A_692, %broadcast_in_dim3A_691 : vector<16xi32>
      %bitcast3A_694 = vector.bitcast %or3A_693 : vector<16xi32> to vector<16xf32>
      %add3A_695 = arith.constant 33 : i32
      %add3A_696 = vector.broadcast %add3A_695 : i32 to vector<16xi32>
      %add3A_697 = arith.addi %mul3A_34, %add3A_696 : vector<16xi32>
      %gather3A_698 = tpu.vector_load_idx %arg5[%add3A_697] : memref<65536xf32, #tpu.memory_space<vmem>>[vector<16xi32>], vector<16xf32>,
      %bitcast3A_699 = vector.bitcast %gather3A_698 : vector<16xf32> to vector<16xi32>
      %broadcast_in_dim3A_700 = arith.constant 30 : i32
      %broadcast_in_dim3A_701 = vector.broadcast %broadcast_in_dim3A_700 : i32 to vector<16xi32>
      %and3A_702 = arith.andi %bitcast3A_699, %broadcast_in_dim3A_7 : vector<16xi32>
      %or3A_703 = arith.ori %and3A_702, %broadcast_in_dim3A_701 : vector<16xi32>
      %bitcast3A_704 = vector.bitcast %or3A_703 : vector<16xi32> to vector<16xf32>
      %add3A_705 = arith.constant 34 : i32
      %add3A_706 = vector.broadcast %add3A_705 : i32 to vector<16xi32>
      %add3A_707 = arith.addi %mul3A_34, %add3A_706 : vector<16xi32>
      %gather3A_708 = tpu.vector_load_idx %arg5[%add3A_707] : memref<65536xf32, #tpu.memory_space<vmem>>[vector<16xi32>], vector<16xf32>,
      %bitcast3A_709 = vector.bitcast %gather3A_708 : vector<16xf32> to vector<16xi32>
      %broadcast_in_dim3A_710 = arith.constant 29 : i32
      %broadcast_in_dim3A_711 = vector.broadcast %broadcast_in_dim3A_710 : i32 to vector<16xi32>
      %and3A_712 = arith.andi %bitcast3A_709, %broadcast_in_dim3A_7 : vector<16xi32>
      %or3A_713 = arith.ori %and3A_712, %broadcast_in_dim3A_711 : vector<16xi32>
      %bitcast3A_714 = vector.bitcast %or3A_713 : vector<16xi32> to vector<16xf32>
      %add3A_715 = arith.constant 35 : i32
      %add3A_716 = vector.broadcast %add3A_715 : i32 to vector<16xi32>
      %add3A_717 = arith.addi %mul3A_34, %add3A_716 : vector<16xi32>
      %gather3A_718 = tpu.vector_load_idx %arg5[%add3A_717] : memref<65536xf32, #tpu.memory_space<vmem>>[vector<16xi32>], vector<16xf32>,
      %bitcast3A_719 = vector.bitcast %gather3A_718 : vector<16xf32> to vector<16xi32>
      %broadcast_in_dim3A_720 = arith.constant 28 : i32
      %broadcast_in_dim3A_721 = vector.broadcast %broadcast_in_dim3A_720 : i32 to vector<16xi32>
      %and3A_722 = arith.andi %bitcast3A_719, %broadcast_in_dim3A_7 : vector<16xi32>
      %or3A_723 = arith.ori %and3A_722, %broadcast_in_dim3A_721 : vector<16xi32>
      %bitcast3A_724 = vector.bitcast %or3A_723 : vector<16xi32> to vector<16xf32>
      %add3A_725 = arith.constant 36 : i32
      %add3A_726 = vector.broadcast %add3A_725 : i32 to vector<16xi32>
      %add3A_727 = arith.addi %mul3A_34, %add3A_726 : vector<16xi32>
      %gather3A_728 = tpu.vector_load_idx %arg5[%add3A_727] : memref<65536xf32, #tpu.memory_space<vmem>>[vector<16xi32>], vector<16xf32>,
      %bitcast3A_729 = vector.bitcast %gather3A_728 : vector<16xf32> to vector<16xi32>
      %broadcast_in_dim3A_730 = arith.constant 27 : i32
      %broadcast_in_dim3A_731 = vector.broadcast %broadcast_in_dim3A_730 : i32 to vector<16xi32>
      %and3A_732 = arith.andi %bitcast3A_729, %broadcast_in_dim3A_7 : vector<16xi32>
      %or3A_733 = arith.ori %and3A_732, %broadcast_in_dim3A_731 : vector<16xi32>
      %bitcast3A_734 = vector.bitcast %or3A_733 : vector<16xi32> to vector<16xf32>
      %add3A_735 = arith.constant 37 : i32
      %add3A_736 = vector.broadcast %add3A_735 : i32 to vector<16xi32>
      %add3A_737 = arith.addi %mul3A_34, %add3A_736 : vector<16xi32>
      %gather3A_738 = tpu.vector_load_idx %arg5[%add3A_737] : memref<65536xf32, #tpu.memory_space<vmem>>[vector<16xi32>], vector<16xf32>,
      %bitcast3A_739 = vector.bitcast %gather3A_738 : vector<16xf32> to vector<16xi32>
      %broadcast_in_dim3A_740 = arith.constant 26 : i32
      %broadcast_in_dim3A_741 = vector.broadcast %broadcast_in_dim3A_740 : i32 to vector<16xi32>
      %and3A_742 = arith.andi %bitcast3A_739, %broadcast_in_dim3A_7 : vector<16xi32>
      %or3A_743 = arith.ori %and3A_742, %broadcast_in_dim3A_741 : vector<16xi32>
      %bitcast3A_744 = vector.bitcast %or3A_743 : vector<16xi32> to vector<16xf32>
      %add3A_745 = arith.constant 38 : i32
      %add3A_746 = vector.broadcast %add3A_745 : i32 to vector<16xi32>
      %add3A_747 = arith.addi %mul3A_34, %add3A_746 : vector<16xi32>
      %gather3A_748 = tpu.vector_load_idx %arg5[%add3A_747] : memref<65536xf32, #tpu.memory_space<vmem>>[vector<16xi32>], vector<16xf32>,
      %bitcast3A_749 = vector.bitcast %gather3A_748 : vector<16xf32> to vector<16xi32>
      %broadcast_in_dim3A_750 = arith.constant 25 : i32
      %broadcast_in_dim3A_751 = vector.broadcast %broadcast_in_dim3A_750 : i32 to vector<16xi32>
      %and3A_752 = arith.andi %bitcast3A_749, %broadcast_in_dim3A_7 : vector<16xi32>
      %or3A_753 = arith.ori %and3A_752, %broadcast_in_dim3A_751 : vector<16xi32>
      %bitcast3A_754 = vector.bitcast %or3A_753 : vector<16xi32> to vector<16xf32>
      %add3A_755 = arith.constant 39 : i32
      %add3A_756 = vector.broadcast %add3A_755 : i32 to vector<16xi32>
      %add3A_757 = arith.addi %mul3A_34, %add3A_756 : vector<16xi32>
      %gather3A_758 = tpu.vector_load_idx %arg5[%add3A_757] : memref<65536xf32, #tpu.memory_space<vmem>>[vector<16xi32>], vector<16xf32>,
      %bitcast3A_759 = vector.bitcast %gather3A_758 : vector<16xf32> to vector<16xi32>
      %broadcast_in_dim3A_760 = arith.constant 24 : i32
      %broadcast_in_dim3A_761 = vector.broadcast %broadcast_in_dim3A_760 : i32 to vector<16xi32>
      %and3A_762 = arith.andi %bitcast3A_759, %broadcast_in_dim3A_7 : vector<16xi32>
      %or3A_763 = arith.ori %and3A_762, %broadcast_in_dim3A_761 : vector<16xi32>
      %bitcast3A_764 = vector.bitcast %or3A_763 : vector<16xi32> to vector<16xf32>
      %add3A_765 = arith.constant 40 : i32
      %add3A_766 = vector.broadcast %add3A_765 : i32 to vector<16xi32>
      %add3A_767 = arith.addi %mul3A_34, %add3A_766 : vector<16xi32>
      %gather3A_768 = tpu.vector_load_idx %arg5[%add3A_767] : memref<65536xf32, #tpu.memory_space<vmem>>[vector<16xi32>], vector<16xf32>,
      %bitcast3A_769 = vector.bitcast %gather3A_768 : vector<16xf32> to vector<16xi32>
      %broadcast_in_dim3A_770 = arith.constant 23 : i32
      %broadcast_in_dim3A_771 = vector.broadcast %broadcast_in_dim3A_770 : i32 to vector<16xi32>
      %and3A_772 = arith.andi %bitcast3A_769, %broadcast_in_dim3A_7 : vector<16xi32>
      %or3A_773 = arith.ori %and3A_772, %broadcast_in_dim3A_771 : vector<16xi32>
      %bitcast3A_774 = vector.bitcast %or3A_773 : vector<16xi32> to vector<16xf32>
      %add3A_775 = arith.constant 41 : i32
      %add3A_776 = vector.broadcast %add3A_775 : i32 to vector<16xi32>
      %add3A_777 = arith.addi %mul3A_34, %add3A_776 : vector<16xi32>
      %gather3A_778 = tpu.vector_load_idx %arg5[%add3A_777] : memref<65536xf32, #tpu.memory_space<vmem>>[vector<16xi32>], vector<16xf32>,
      %bitcast3A_779 = vector.bitcast %gather3A_778 : vector<16xf32> to vector<16xi32>
      %broadcast_in_dim3A_780 = arith.constant 22 : i32
      %broadcast_in_dim3A_781 = vector.broadcast %broadcast_in_dim3A_780 : i32 to vector<16xi32>
      %and3A_782 = arith.andi %bitcast3A_779, %broadcast_in_dim3A_7 : vector<16xi32>
      %or3A_783 = arith.ori %and3A_782, %broadcast_in_dim3A_781 : vector<16xi32>
      %bitcast3A_784 = vector.bitcast %or3A_783 : vector<16xi32> to vector<16xf32>
      %add3A_785 = arith.constant 42 : i32
      %add3A_786 = vector.broadcast %add3A_785 : i32 to vector<16xi32>
      %add3A_787 = arith.addi %mul3A_34, %add3A_786 : vector<16xi32>
      %gather3A_788 = tpu.vector_load_idx %arg5[%add3A_787] : memref<65536xf32, #tpu.memory_space<vmem>>[vector<16xi32>], vector<16xf32>,
      %bitcast3A_789 = vector.bitcast %gather3A_788 : vector<16xf32> to vector<16xi32>
      %broadcast_in_dim3A_790 = arith.constant 21 : i32
      %broadcast_in_dim3A_791 = vector.broadcast %broadcast_in_dim3A_790 : i32 to vector<16xi32>
      %and3A_792 = arith.andi %bitcast3A_789, %broadcast_in_dim3A_7 : vector<16xi32>
      %or3A_793 = arith.ori %and3A_792, %broadcast_in_dim3A_791 : vector<16xi32>
      %bitcast3A_794 = vector.bitcast %or3A_793 : vector<16xi32> to vector<16xf32>
      %add3A_795 = arith.constant 43 : i32
      %add3A_796 = vector.broadcast %add3A_795 : i32 to vector<16xi32>
      %add3A_797 = arith.addi %mul3A_34, %add3A_796 : vector<16xi32>
      %gather3A_798 = tpu.vector_load_idx %arg5[%add3A_797] : memref<65536xf32, #tpu.memory_space<vmem>>[vector<16xi32>], vector<16xf32>,
      %bitcast3A_799 = vector.bitcast %gather3A_798 : vector<16xf32> to vector<16xi32>
      %broadcast_in_dim3A_800 = arith.constant 20 : i32
      %broadcast_in_dim3A_801 = vector.broadcast %broadcast_in_dim3A_800 : i32 to vector<16xi32>
      %and3A_802 = arith.andi %bitcast3A_799, %broadcast_in_dim3A_7 : vector<16xi32>
      %or3A_803 = arith.ori %and3A_802, %broadcast_in_dim3A_801 : vector<16xi32>
      %bitcast3A_804 = vector.bitcast %or3A_803 : vector<16xi32> to vector<16xf32>
      %add3A_805 = arith.constant 44 : i32
      %add3A_806 = vector.broadcast %add3A_805 : i32 to vector<16xi32>
      %add3A_807 = arith.addi %mul3A_34, %add3A_806 : vector<16xi32>
      %gather3A_808 = tpu.vector_load_idx %arg5[%add3A_807] : memref<65536xf32, #tpu.memory_space<vmem>>[vector<16xi32>], vector<16xf32>,
      %bitcast3A_809 = vector.bitcast %gather3A_808 : vector<16xf32> to vector<16xi32>
      %broadcast_in_dim3A_810 = arith.constant 19 : i32
      %broadcast_in_dim3A_811 = vector.broadcast %broadcast_in_dim3A_810 : i32 to vector<16xi32>
      %and3A_812 = arith.andi %bitcast3A_809, %broadcast_in_dim3A_7 : vector<16xi32>
      %or3A_813 = arith.ori %and3A_812, %broadcast_in_dim3A_811 : vector<16xi32>
      %bitcast3A_814 = vector.bitcast %or3A_813 : vector<16xi32> to vector<16xf32>
      %add3A_815 = arith.constant 45 : i32
      %add3A_816 = vector.broadcast %add3A_815 : i32 to vector<16xi32>
      %add3A_817 = arith.addi %mul3A_34, %add3A_816 : vector<16xi32>
      %gather3A_818 = tpu.vector_load_idx %arg5[%add3A_817] : memref<65536xf32, #tpu.memory_space<vmem>>[vector<16xi32>], vector<16xf32>,
      %bitcast3A_819 = vector.bitcast %gather3A_818 : vector<16xf32> to vector<16xi32>
      %broadcast_in_dim3A_820 = arith.constant 18 : i32
      %broadcast_in_dim3A_821 = vector.broadcast %broadcast_in_dim3A_820 : i32 to vector<16xi32>
      %and3A_822 = arith.andi %bitcast3A_819, %broadcast_in_dim3A_7 : vector<16xi32>
      %or3A_823 = arith.ori %and3A_822, %broadcast_in_dim3A_821 : vector<16xi32>
      %bitcast3A_824 = vector.bitcast %or3A_823 : vector<16xi32> to vector<16xf32>
      %add3A_825 = arith.constant 46 : i32
      %add3A_826 = vector.broadcast %add3A_825 : i32 to vector<16xi32>
      %add3A_827 = arith.addi %mul3A_34, %add3A_826 : vector<16xi32>
      %gather3A_828 = tpu.vector_load_idx %arg5[%add3A_827] : memref<65536xf32, #tpu.memory_space<vmem>>[vector<16xi32>], vector<16xf32>,
      %bitcast3A_829 = vector.bitcast %gather3A_828 : vector<16xf32> to vector<16xi32>
      %broadcast_in_dim3A_830 = arith.constant 17 : i32
      %broadcast_in_dim3A_831 = vector.broadcast %broadcast_in_dim3A_830 : i32 to vector<16xi32>
      %and3A_832 = arith.andi %bitcast3A_829, %broadcast_in_dim3A_7 : vector<16xi32>
      %or3A_833 = arith.ori %and3A_832, %broadcast_in_dim3A_831 : vector<16xi32>
      %bitcast3A_834 = vector.bitcast %or3A_833 : vector<16xi32> to vector<16xf32>
      %add3A_835 = arith.constant 47 : i32
      %add3A_836 = vector.broadcast %add3A_835 : i32 to vector<16xi32>
      %add3A_837 = arith.addi %mul3A_34, %add3A_836 : vector<16xi32>
      %gather3A_838 = tpu.vector_load_idx %arg5[%add3A_837] : memref<65536xf32, #tpu.memory_space<vmem>>[vector<16xi32>], vector<16xf32>,
      %bitcast3A_839 = vector.bitcast %gather3A_838 : vector<16xf32> to vector<16xi32>
      %broadcast_in_dim3A_840 = arith.constant 16 : i32
      %broadcast_in_dim3A_841 = vector.broadcast %broadcast_in_dim3A_840 : i32 to vector<16xi32>
      %and3A_842 = arith.andi %bitcast3A_839, %broadcast_in_dim3A_7 : vector<16xi32>
      %or3A_843 = arith.ori %and3A_842, %broadcast_in_dim3A_841 : vector<16xi32>
      %bitcast3A_844 = vector.bitcast %or3A_843 : vector<16xi32> to vector<16xf32>
      %max3A_845 = arith.maximumf %bitcast3A_694, %bitcast3A_704 : vector<16xf32>
      %max3A_846 = arith.maximumf %max3A_665, %max3A_845 : vector<16xf32>
      %min3A_847 = arith.minimumf %max3A_665, %max3A_845 : vector<16xf32>
      %max3A_848 = arith.maximumf %max3A_667, %min3A_847 : vector<16xf32>
      %min3A_849 = arith.minimumf %max3A_667, %min3A_847 : vector<16xf32>
      %max3A_850 = arith.maximumf %max3A_669, %min3A_849 : vector<16xf32>
      %min3A_851 = arith.minimumf %max3A_669, %min3A_849 : vector<16xf32>
      %max3A_852 = arith.maximumf %max3A_671, %min3A_851 : vector<16xf32>
      %min3A_853 = arith.minimumf %max3A_671, %min3A_851 : vector<16xf32>
      %max3A_854 = arith.maximumf %max3A_673, %min3A_853 : vector<16xf32>
      %min3A_855 = arith.minimumf %max3A_673, %min3A_853 : vector<16xf32>
      %max3A_856 = arith.maximumf %max3A_675, %min3A_855 : vector<16xf32>
      %min3A_857 = arith.minimumf %max3A_675, %min3A_855 : vector<16xf32>
      %max3A_858 = arith.maximumf %max3A_677, %min3A_857 : vector<16xf32>
      %min3A_859 = arith.minimumf %max3A_677, %min3A_857 : vector<16xf32>
      %max3A_860 = arith.maximumf %max3A_679, %min3A_859 : vector<16xf32>
      %min3A_861 = arith.minimumf %max3A_679, %min3A_859 : vector<16xf32>
      %max3A_862 = arith.maximumf %max3A_681, %min3A_861 : vector<16xf32>
      %min3A_863 = arith.minimumf %max3A_681, %min3A_861 : vector<16xf32>
      %max3A_864 = arith.maximumf %max3A_683, %min3A_863 : vector<16xf32>
      %min3A_865 = arith.minimumf %max3A_683, %min3A_863 : vector<16xf32>
      %max3A_866 = arith.maximumf %bitcast3A_714, %bitcast3A_724 : vector<16xf32>
      %max3A_867 = arith.maximumf %max3A_846, %max3A_866 : vector<16xf32>
      %min3A_868 = arith.minimumf %max3A_846, %max3A_866 : vector<16xf32>
      %max3A_869 = arith.maximumf %max3A_848, %min3A_868 : vector<16xf32>
      %min3A_870 = arith.minimumf %max3A_848, %min3A_868 : vector<16xf32>
      %max3A_871 = arith.maximumf %max3A_850, %min3A_870 : vector<16xf32>
      %min3A_872 = arith.minimumf %max3A_850, %min3A_870 : vector<16xf32>
      %max3A_873 = arith.maximumf %max3A_852, %min3A_872 : vector<16xf32>
      %min3A_874 = arith.minimumf %max3A_852, %min3A_872 : vector<16xf32>
      %max3A_875 = arith.maximumf %max3A_854, %min3A_874 : vector<16xf32>
      %min3A_876 = arith.minimumf %max3A_854, %min3A_874 : vector<16xf32>
      %max3A_877 = arith.maximumf %max3A_856, %min3A_876 : vector<16xf32>
      %min3A_878 = arith.minimumf %max3A_856, %min3A_876 : vector<16xf32>
      %max3A_879 = arith.maximumf %max3A_858, %min3A_878 : vector<16xf32>
      %min3A_880 = arith.minimumf %max3A_858, %min3A_878 : vector<16xf32>
      %max3A_881 = arith.maximumf %max3A_860, %min3A_880 : vector<16xf32>
      %min3A_882 = arith.minimumf %max3A_860, %min3A_880 : vector<16xf32>
      %max3A_883 = arith.maximumf %max3A_862, %min3A_882 : vector<16xf32>
      %min3A_884 = arith.minimumf %max3A_862, %min3A_882 : vector<16xf32>
      %max3A_885 = arith.maximumf %max3A_864, %min3A_884 : vector<16xf32>
      %min3A_886 = arith.minimumf %max3A_864, %min3A_884 : vector<16xf32>
      %max3A_887 = arith.maximumf %bitcast3A_734, %bitcast3A_744 : vector<16xf32>
      %max3A_888 = arith.maximumf %max3A_867, %max3A_887 : vector<16xf32>
      %min3A_889 = arith.minimumf %max3A_867, %max3A_887 : vector<16xf32>
      %max3A_890 = arith.maximumf %max3A_869, %min3A_889 : vector<16xf32>
      %min3A_891 = arith.minimumf %max3A_869, %min3A_889 : vector<16xf32>
      %max3A_892 = arith.maximumf %max3A_871, %min3A_891 : vector<16xf32>
      %min3A_893 = arith.minimumf %max3A_871, %min3A_891 : vector<16xf32>
      %max3A_894 = arith.maximumf %max3A_873, %min3A_893 : vector<16xf32>
      %min3A_895 = arith.minimumf %max3A_873, %min3A_893 : vector<16xf32>
      %max3A_896 = arith.maximumf %max3A_875, %min3A_895 : vector<16xf32>
      %min3A_897 = arith.minimumf %max3A_875, %min3A_895 : vector<16xf32>
      %max3A_898 = arith.maximumf %max3A_877, %min3A_897 : vector<16xf32>
      %min3A_899 = arith.minimumf %max3A_877, %min3A_897 : vector<16xf32>
      %max3A_900 = arith.maximumf %max3A_879, %min3A_899 : vector<16xf32>
      %min3A_901 = arith.minimumf %max3A_879, %min3A_899 : vector<16xf32>
      %max3A_902 = arith.maximumf %max3A_881, %min3A_901 : vector<16xf32>
      %min3A_903 = arith.minimumf %max3A_881, %min3A_901 : vector<16xf32>
      %max3A_904 = arith.maximumf %max3A_883, %min3A_903 : vector<16xf32>
      %min3A_905 = arith.minimumf %max3A_883, %min3A_903 : vector<16xf32>
      %max3A_906 = arith.maximumf %max3A_885, %min3A_905 : vector<16xf32>
      %min3A_907 = arith.minimumf %max3A_885, %min3A_905 : vector<16xf32>
      %max3A_908 = arith.maximumf %bitcast3A_754, %bitcast3A_764 : vector<16xf32>
      %max3A_909 = arith.maximumf %max3A_888, %max3A_908 : vector<16xf32>
      %min3A_910 = arith.minimumf %max3A_888, %max3A_908 : vector<16xf32>
      %max3A_911 = arith.maximumf %max3A_890, %min3A_910 : vector<16xf32>
      %min3A_912 = arith.minimumf %max3A_890, %min3A_910 : vector<16xf32>
      %max3A_913 = arith.maximumf %max3A_892, %min3A_912 : vector<16xf32>
      %min3A_914 = arith.minimumf %max3A_892, %min3A_912 : vector<16xf32>
      %max3A_915 = arith.maximumf %max3A_894, %min3A_914 : vector<16xf32>
      %min3A_916 = arith.minimumf %max3A_894, %min3A_914 : vector<16xf32>
      %max3A_917 = arith.maximumf %max3A_896, %min3A_916 : vector<16xf32>
      %min3A_918 = arith.minimumf %max3A_896, %min3A_916 : vector<16xf32>
      %max3A_919 = arith.maximumf %max3A_898, %min3A_918 : vector<16xf32>
      %min3A_920 = arith.minimumf %max3A_898, %min3A_918 : vector<16xf32>
      %max3A_921 = arith.maximumf %max3A_900, %min3A_920 : vector<16xf32>
      %min3A_922 = arith.minimumf %max3A_900, %min3A_920 : vector<16xf32>
      %max3A_923 = arith.maximumf %max3A_902, %min3A_922 : vector<16xf32>
      %min3A_924 = arith.minimumf %max3A_902, %min3A_922 : vector<16xf32>
      %max3A_925 = arith.maximumf %max3A_904, %min3A_924 : vector<16xf32>
      %min3A_926 = arith.minimumf %max3A_904, %min3A_924 : vector<16xf32>
      %max3A_927 = arith.maximumf %max3A_906, %min3A_926 : vector<16xf32>
      %min3A_928 = arith.minimumf %max3A_906, %min3A_926 : vector<16xf32>
      %max3A_929 = arith.maximumf %bitcast3A_774, %bitcast3A_784 : vector<16xf32>
      %max3A_930 = arith.maximumf %max3A_909, %max3A_929 : vector<16xf32>
      %min3A_931 = arith.minimumf %max3A_909, %max3A_929 : vector<16xf32>
      %max3A_932 = arith.maximumf %max3A_911, %min3A_931 : vector<16xf32>
      %min3A_933 = arith.minimumf %max3A_911, %min3A_931 : vector<16xf32>
      %max3A_934 = arith.maximumf %max3A_913, %min3A_933 : vector<16xf32>
      %min3A_935 = arith.minimumf %max3A_913, %min3A_933 : vector<16xf32>
      %max3A_936 = arith.maximumf %max3A_915, %min3A_935 : vector<16xf32>
      %min3A_937 = arith.minimumf %max3A_915, %min3A_935 : vector<16xf32>
      %max3A_938 = arith.maximumf %max3A_917, %min3A_937 : vector<16xf32>
      %min3A_939 = arith.minimumf %max3A_917, %min3A_937 : vector<16xf32>
      %max3A_940 = arith.maximumf %max3A_919, %min3A_939 : vector<16xf32>
      %min3A_941 = arith.minimumf %max3A_919, %min3A_939 : vector<16xf32>
      %max3A_942 = arith.maximumf %max3A_921, %min3A_941 : vector<16xf32>
      %min3A_943 = arith.minimumf %max3A_921, %min3A_941 : vector<16xf32>
      %max3A_944 = arith.maximumf %max3A_923, %min3A_943 : vector<16xf32>
      %min3A_945 = arith.minimumf %max3A_923, %min3A_943 : vector<16xf32>
      %max3A_946 = arith.maximumf %max3A_925, %min3A_945 : vector<16xf32>
      %min3A_947 = arith.minimumf %max3A_925, %min3A_945 : vector<16xf32>
      %max3A_948 = arith.maximumf %max3A_927, %min3A_947 : vector<16xf32>
      %min3A_949 = arith.minimumf %max3A_927, %min3A_947 : vector<16xf32>
      %max3A_950 = arith.maximumf %bitcast3A_794, %bitcast3A_804 : vector<16xf32>
      %max3A_951 = arith.maximumf %max3A_930, %max3A_950 : vector<16xf32>
      %min3A_952 = arith.minimumf %max3A_930, %max3A_950 : vector<16xf32>
      %max3A_953 = arith.maximumf %max3A_932, %min3A_952 : vector<16xf32>
      %min3A_954 = arith.minimumf %max3A_932, %min3A_952 : vector<16xf32>
      %max3A_955 = arith.maximumf %max3A_934, %min3A_954 : vector<16xf32>
      %min3A_956 = arith.minimumf %max3A_934, %min3A_954 : vector<16xf32>
      %max3A_957 = arith.maximumf %max3A_936, %min3A_956 : vector<16xf32>
      %min3A_958 = arith.minimumf %max3A_936, %min3A_956 : vector<16xf32>
      %max3A_959 = arith.maximumf %max3A_938, %min3A_958 : vector<16xf32>
      %min3A_960 = arith.minimumf %max3A_938, %min3A_958 : vector<16xf32>
      %max3A_961 = arith.maximumf %max3A_940, %min3A_960 : vector<16xf32>
      %min3A_962 = arith.minimumf %max3A_940, %min3A_960 : vector<16xf32>
      %max3A_963 = arith.maximumf %max3A_942, %min3A_962 : vector<16xf32>
      %min3A_964 = arith.minimumf %max3A_942, %min3A_962 : vector<16xf32>
      %max3A_965 = arith.maximumf %max3A_944, %min3A_964 : vector<16xf32>
      %min3A_966 = arith.minimumf %max3A_944, %min3A_964 : vector<16xf32>
      %max3A_967 = arith.maximumf %max3A_946, %min3A_966 : vector<16xf32>
      %min3A_968 = arith.minimumf %max3A_946, %min3A_966 : vector<16xf32>
      %max3A_969 = arith.maximumf %max3A_948, %min3A_968 : vector<16xf32>
      %min3A_970 = arith.minimumf %max3A_948, %min3A_968 : vector<16xf32>
      %max3A_971 = arith.maximumf %bitcast3A_814, %bitcast3A_824 : vector<16xf32>
      %max3A_972 = arith.maximumf %max3A_951, %max3A_971 : vector<16xf32>
      %min3A_973 = arith.minimumf %max3A_951, %max3A_971 : vector<16xf32>
      %max3A_974 = arith.maximumf %max3A_953, %min3A_973 : vector<16xf32>
      %min3A_975 = arith.minimumf %max3A_953, %min3A_973 : vector<16xf32>
      %max3A_976 = arith.maximumf %max3A_955, %min3A_975 : vector<16xf32>
      %min3A_977 = arith.minimumf %max3A_955, %min3A_975 : vector<16xf32>
      %max3A_978 = arith.maximumf %max3A_957, %min3A_977 : vector<16xf32>
      %min3A_979 = arith.minimumf %max3A_957, %min3A_977 : vector<16xf32>
      %max3A_980 = arith.maximumf %max3A_959, %min3A_979 : vector<16xf32>
      %min3A_981 = arith.minimumf %max3A_959, %min3A_979 : vector<16xf32>
      %max3A_982 = arith.maximumf %max3A_961, %min3A_981 : vector<16xf32>
      %min3A_983 = arith.minimumf %max3A_961, %min3A_981 : vector<16xf32>
      %max3A_984 = arith.maximumf %max3A_963, %min3A_983 : vector<16xf32>
      %min3A_985 = arith.minimumf %max3A_963, %min3A_983 : vector<16xf32>
      %max3A_986 = arith.maximumf %max3A_965, %min3A_985 : vector<16xf32>
      %min3A_987 = arith.minimumf %max3A_965, %min3A_985 : vector<16xf32>
      %max3A_988 = arith.maximumf %max3A_967, %min3A_987 : vector<16xf32>
      %min3A_989 = arith.minimumf %max3A_967, %min3A_987 : vector<16xf32>
      %max3A_990 = arith.maximumf %max3A_969, %min3A_989 : vector<16xf32>
      %min3A_991 = arith.minimumf %max3A_969, %min3A_989 : vector<16xf32>
      %max3A_992 = arith.maximumf %bitcast3A_834, %bitcast3A_844 : vector<16xf32>
      %max3A_993 = arith.maximumf %max3A_972, %max3A_992 : vector<16xf32>
      %min3A_994 = arith.minimumf %max3A_972, %max3A_992 : vector<16xf32>
      %max3A_995 = arith.maximumf %max3A_974, %min3A_994 : vector<16xf32>
      %min3A_996 = arith.minimumf %max3A_974, %min3A_994 : vector<16xf32>
      %max3A_997 = arith.maximumf %max3A_976, %min3A_996 : vector<16xf32>
      %min3A_998 = arith.minimumf %max3A_976, %min3A_996 : vector<16xf32>
      %max3A_999 = arith.maximumf %max3A_978, %min3A_998 : vector<16xf32>
      %min3A_1000 = arith.minimumf %max3A_978, %min3A_998 : vector<16xf32>
      %max3A_1001 = arith.maximumf %max3A_980, %min3A_1000 : vector<16xf32>
      %min3A_1002 = arith.minimumf %max3A_980, %min3A_1000 : vector<16xf32>
      %max3A_1003 = arith.maximumf %max3A_982, %min3A_1002 : vector<16xf32>
      %min3A_1004 = arith.minimumf %max3A_982, %min3A_1002 : vector<16xf32>
      %max3A_1005 = arith.maximumf %max3A_984, %min3A_1004 : vector<16xf32>
      %min3A_1006 = arith.minimumf %max3A_984, %min3A_1004 : vector<16xf32>
      %max3A_1007 = arith.maximumf %max3A_986, %min3A_1006 : vector<16xf32>
      %min3A_1008 = arith.minimumf %max3A_986, %min3A_1006 : vector<16xf32>
      %max3A_1009 = arith.maximumf %max3A_988, %min3A_1008 : vector<16xf32>
      %min3A_1010 = arith.minimumf %max3A_988, %min3A_1008 : vector<16xf32>
      %max3A_1011 = arith.maximumf %max3A_990, %min3A_1010 : vector<16xf32>
      %min3A_1012 = arith.minimumf %max3A_990, %min3A_1010 : vector<16xf32>
      %add3A_1013 = arith.constant 48 : i32
      %add3A_1014 = vector.broadcast %add3A_1013 : i32 to vector<16xi32>
      %add3A_1015 = arith.addi %mul3A_34, %add3A_1014 : vector<16xi32>
      %gather3A_1016 = tpu.vector_load_idx %arg5[%add3A_1015] : memref<65536xf32, #tpu.memory_space<vmem>>[vector<16xi32>], vector<16xf32>,
      %bitcast3A_1017 = vector.bitcast %gather3A_1016 : vector<16xf32> to vector<16xi32>
      %broadcast_in_dim3A_1018 = arith.constant 15 : i32
      %broadcast_in_dim3A_1019 = vector.broadcast %broadcast_in_dim3A_1018 : i32 to vector<16xi32>
      %and3A_1020 = arith.andi %bitcast3A_1017, %broadcast_in_dim3A_7 : vector<16xi32>
      %or3A_1021 = arith.ori %and3A_1020, %broadcast_in_dim3A_1019 : vector<16xi32>
      %bitcast3A_1022 = vector.bitcast %or3A_1021 : vector<16xi32> to vector<16xf32>
      %add3A_1023 = arith.constant 49 : i32
      %add3A_1024 = vector.broadcast %add3A_1023 : i32 to vector<16xi32>
      %add3A_1025 = arith.addi %mul3A_34, %add3A_1024 : vector<16xi32>
      %gather3A_1026 = tpu.vector_load_idx %arg5[%add3A_1025] : memref<65536xf32, #tpu.memory_space<vmem>>[vector<16xi32>], vector<16xf32>,
      %bitcast3A_1027 = vector.bitcast %gather3A_1026 : vector<16xf32> to vector<16xi32>
      %broadcast_in_dim3A_1028 = arith.constant 14 : i32
      %broadcast_in_dim3A_1029 = vector.broadcast %broadcast_in_dim3A_1028 : i32 to vector<16xi32>
      %and3A_1030 = arith.andi %bitcast3A_1027, %broadcast_in_dim3A_7 : vector<16xi32>
      %or3A_1031 = arith.ori %and3A_1030, %broadcast_in_dim3A_1029 : vector<16xi32>
      %bitcast3A_1032 = vector.bitcast %or3A_1031 : vector<16xi32> to vector<16xf32>
      %add3A_1033 = arith.constant 50 : i32
      %add3A_1034 = vector.broadcast %add3A_1033 : i32 to vector<16xi32>
      %add3A_1035 = arith.addi %mul3A_34, %add3A_1034 : vector<16xi32>
      %gather3A_1036 = tpu.vector_load_idx %arg5[%add3A_1035] : memref<65536xf32, #tpu.memory_space<vmem>>[vector<16xi32>], vector<16xf32>,
      %bitcast3A_1037 = vector.bitcast %gather3A_1036 : vector<16xf32> to vector<16xi32>
      %broadcast_in_dim3A_1038 = arith.constant 13 : i32
      %broadcast_in_dim3A_1039 = vector.broadcast %broadcast_in_dim3A_1038 : i32 to vector<16xi32>
      %and3A_1040 = arith.andi %bitcast3A_1037, %broadcast_in_dim3A_7 : vector<16xi32>
      %or3A_1041 = arith.ori %and3A_1040, %broadcast_in_dim3A_1039 : vector<16xi32>
      %bitcast3A_1042 = vector.bitcast %or3A_1041 : vector<16xi32> to vector<16xf32>
      %add3A_1043 = arith.constant 51 : i32
      %add3A_1044 = vector.broadcast %add3A_1043 : i32 to vector<16xi32>
      %add3A_1045 = arith.addi %mul3A_34, %add3A_1044 : vector<16xi32>
      %gather3A_1046 = tpu.vector_load_idx %arg5[%add3A_1045] : memref<65536xf32, #tpu.memory_space<vmem>>[vector<16xi32>], vector<16xf32>,
      %bitcast3A_1047 = vector.bitcast %gather3A_1046 : vector<16xf32> to vector<16xi32>
      %broadcast_in_dim3A_1048 = arith.constant 12 : i32
      %broadcast_in_dim3A_1049 = vector.broadcast %broadcast_in_dim3A_1048 : i32 to vector<16xi32>
      %and3A_1050 = arith.andi %bitcast3A_1047, %broadcast_in_dim3A_7 : vector<16xi32>
      %or3A_1051 = arith.ori %and3A_1050, %broadcast_in_dim3A_1049 : vector<16xi32>
      %bitcast3A_1052 = vector.bitcast %or3A_1051 : vector<16xi32> to vector<16xf32>
      %add3A_1053 = arith.constant 52 : i32
      %add3A_1054 = vector.broadcast %add3A_1053 : i32 to vector<16xi32>
      %add3A_1055 = arith.addi %mul3A_34, %add3A_1054 : vector<16xi32>
      %gather3A_1056 = tpu.vector_load_idx %arg5[%add3A_1055] : memref<65536xf32, #tpu.memory_space<vmem>>[vector<16xi32>], vector<16xf32>,
      %bitcast3A_1057 = vector.bitcast %gather3A_1056 : vector<16xf32> to vector<16xi32>
      %broadcast_in_dim3A_1058 = arith.constant 11 : i32
      %broadcast_in_dim3A_1059 = vector.broadcast %broadcast_in_dim3A_1058 : i32 to vector<16xi32>
      %and3A_1060 = arith.andi %bitcast3A_1057, %broadcast_in_dim3A_7 : vector<16xi32>
      %or3A_1061 = arith.ori %and3A_1060, %broadcast_in_dim3A_1059 : vector<16xi32>
      %bitcast3A_1062 = vector.bitcast %or3A_1061 : vector<16xi32> to vector<16xf32>
      %add3A_1063 = arith.constant 53 : i32
      %add3A_1064 = vector.broadcast %add3A_1063 : i32 to vector<16xi32>
      %add3A_1065 = arith.addi %mul3A_34, %add3A_1064 : vector<16xi32>
      %gather3A_1066 = tpu.vector_load_idx %arg5[%add3A_1065] : memref<65536xf32, #tpu.memory_space<vmem>>[vector<16xi32>], vector<16xf32>,
      %bitcast3A_1067 = vector.bitcast %gather3A_1066 : vector<16xf32> to vector<16xi32>
      %broadcast_in_dim3A_1068 = arith.constant 10 : i32
      %broadcast_in_dim3A_1069 = vector.broadcast %broadcast_in_dim3A_1068 : i32 to vector<16xi32>
      %and3A_1070 = arith.andi %bitcast3A_1067, %broadcast_in_dim3A_7 : vector<16xi32>
      %or3A_1071 = arith.ori %and3A_1070, %broadcast_in_dim3A_1069 : vector<16xi32>
      %bitcast3A_1072 = vector.bitcast %or3A_1071 : vector<16xi32> to vector<16xf32>
      %add3A_1073 = arith.constant 54 : i32
      %add3A_1074 = vector.broadcast %add3A_1073 : i32 to vector<16xi32>
      %add3A_1075 = arith.addi %mul3A_34, %add3A_1074 : vector<16xi32>
      %gather3A_1076 = tpu.vector_load_idx %arg5[%add3A_1075] : memref<65536xf32, #tpu.memory_space<vmem>>[vector<16xi32>], vector<16xf32>,
      %bitcast3A_1077 = vector.bitcast %gather3A_1076 : vector<16xf32> to vector<16xi32>
      %broadcast_in_dim3A_1078 = arith.constant 9 : i32
      %broadcast_in_dim3A_1079 = vector.broadcast %broadcast_in_dim3A_1078 : i32 to vector<16xi32>
      %and3A_1080 = arith.andi %bitcast3A_1077, %broadcast_in_dim3A_7 : vector<16xi32>
      %or3A_1081 = arith.ori %and3A_1080, %broadcast_in_dim3A_1079 : vector<16xi32>
      %bitcast3A_1082 = vector.bitcast %or3A_1081 : vector<16xi32> to vector<16xf32>
      %add3A_1083 = arith.constant 55 : i32
      %add3A_1084 = vector.broadcast %add3A_1083 : i32 to vector<16xi32>
      %add3A_1085 = arith.addi %mul3A_34, %add3A_1084 : vector<16xi32>
      %gather3A_1086 = tpu.vector_load_idx %arg5[%add3A_1085] : memref<65536xf32, #tpu.memory_space<vmem>>[vector<16xi32>], vector<16xf32>,
      %bitcast3A_1087 = vector.bitcast %gather3A_1086 : vector<16xf32> to vector<16xi32>
      %broadcast_in_dim3A_1088 = arith.constant 8 : i32
      %broadcast_in_dim3A_1089 = vector.broadcast %broadcast_in_dim3A_1088 : i32 to vector<16xi32>
      %and3A_1090 = arith.andi %bitcast3A_1087, %broadcast_in_dim3A_7 : vector<16xi32>
      %or3A_1091 = arith.ori %and3A_1090, %broadcast_in_dim3A_1089 : vector<16xi32>
      %bitcast3A_1092 = vector.bitcast %or3A_1091 : vector<16xi32> to vector<16xf32>
      %add3A_1093 = arith.constant 56 : i32
      %add3A_1094 = vector.broadcast %add3A_1093 : i32 to vector<16xi32>
      %add3A_1095 = arith.addi %mul3A_34, %add3A_1094 : vector<16xi32>
      %gather3A_1096 = tpu.vector_load_idx %arg5[%add3A_1095] : memref<65536xf32, #tpu.memory_space<vmem>>[vector<16xi32>], vector<16xf32>,
      %bitcast3A_1097 = vector.bitcast %gather3A_1096 : vector<16xf32> to vector<16xi32>
      %broadcast_in_dim3A_1098 = arith.constant 7 : i32
      %broadcast_in_dim3A_1099 = vector.broadcast %broadcast_in_dim3A_1098 : i32 to vector<16xi32>
      %and3A_1100 = arith.andi %bitcast3A_1097, %broadcast_in_dim3A_7 : vector<16xi32>
      %or3A_1101 = arith.ori %and3A_1100, %broadcast_in_dim3A_1099 : vector<16xi32>
      %bitcast3A_1102 = vector.bitcast %or3A_1101 : vector<16xi32> to vector<16xf32>
      %add3A_1103 = arith.constant 57 : i32
      %add3A_1104 = vector.broadcast %add3A_1103 : i32 to vector<16xi32>
      %add3A_1105 = arith.addi %mul3A_34, %add3A_1104 : vector<16xi32>
      %gather3A_1106 = tpu.vector_load_idx %arg5[%add3A_1105] : memref<65536xf32, #tpu.memory_space<vmem>>[vector<16xi32>], vector<16xf32>,
      %bitcast3A_1107 = vector.bitcast %gather3A_1106 : vector<16xf32> to vector<16xi32>
      %broadcast_in_dim3A_1108 = arith.constant 6 : i32
      %broadcast_in_dim3A_1109 = vector.broadcast %broadcast_in_dim3A_1108 : i32 to vector<16xi32>
      %and3A_1110 = arith.andi %bitcast3A_1107, %broadcast_in_dim3A_7 : vector<16xi32>
      %or3A_1111 = arith.ori %and3A_1110, %broadcast_in_dim3A_1109 : vector<16xi32>
      %bitcast3A_1112 = vector.bitcast %or3A_1111 : vector<16xi32> to vector<16xf32>
      %add3A_1113 = arith.constant 58 : i32
      %add3A_1114 = vector.broadcast %add3A_1113 : i32 to vector<16xi32>
      %add3A_1115 = arith.addi %mul3A_34, %add3A_1114 : vector<16xi32>
      %gather3A_1116 = tpu.vector_load_idx %arg5[%add3A_1115] : memref<65536xf32, #tpu.memory_space<vmem>>[vector<16xi32>], vector<16xf32>,
      %bitcast3A_1117 = vector.bitcast %gather3A_1116 : vector<16xf32> to vector<16xi32>
      %broadcast_in_dim3A_1118 = arith.constant 5 : i32
      %broadcast_in_dim3A_1119 = vector.broadcast %broadcast_in_dim3A_1118 : i32 to vector<16xi32>
      %and3A_1120 = arith.andi %bitcast3A_1117, %broadcast_in_dim3A_7 : vector<16xi32>
      %or3A_1121 = arith.ori %and3A_1120, %broadcast_in_dim3A_1119 : vector<16xi32>
      %bitcast3A_1122 = vector.bitcast %or3A_1121 : vector<16xi32> to vector<16xf32>
      %add3A_1123 = arith.constant 59 : i32
      %add3A_1124 = vector.broadcast %add3A_1123 : i32 to vector<16xi32>
      %add3A_1125 = arith.addi %mul3A_34, %add3A_1124 : vector<16xi32>
      %gather3A_1126 = tpu.vector_load_idx %arg5[%add3A_1125] : memref<65536xf32, #tpu.memory_space<vmem>>[vector<16xi32>], vector<16xf32>,
      %bitcast3A_1127 = vector.bitcast %gather3A_1126 : vector<16xf32> to vector<16xi32>
      %broadcast_in_dim3A_1128 = arith.constant 4 : i32
      %broadcast_in_dim3A_1129 = vector.broadcast %broadcast_in_dim3A_1128 : i32 to vector<16xi32>
      %and3A_1130 = arith.andi %bitcast3A_1127, %broadcast_in_dim3A_7 : vector<16xi32>
      %or3A_1131 = arith.ori %and3A_1130, %broadcast_in_dim3A_1129 : vector<16xi32>
      %bitcast3A_1132 = vector.bitcast %or3A_1131 : vector<16xi32> to vector<16xf32>
      %add3A_1133 = arith.constant 60 : i32
      %add3A_1134 = vector.broadcast %add3A_1133 : i32 to vector<16xi32>
      %add3A_1135 = arith.addi %mul3A_34, %add3A_1134 : vector<16xi32>
      %gather3A_1136 = tpu.vector_load_idx %arg5[%add3A_1135] : memref<65536xf32, #tpu.memory_space<vmem>>[vector<16xi32>], vector<16xf32>,
      %bitcast3A_1137 = vector.bitcast %gather3A_1136 : vector<16xf32> to vector<16xi32>
      %broadcast_in_dim3A_1138 = arith.constant 3 : i32
      %broadcast_in_dim3A_1139 = vector.broadcast %broadcast_in_dim3A_1138 : i32 to vector<16xi32>
      %and3A_1140 = arith.andi %bitcast3A_1137, %broadcast_in_dim3A_7 : vector<16xi32>
      %or3A_1141 = arith.ori %and3A_1140, %broadcast_in_dim3A_1139 : vector<16xi32>
      %bitcast3A_1142 = vector.bitcast %or3A_1141 : vector<16xi32> to vector<16xf32>
      %add3A_1143 = arith.constant 61 : i32
      %add3A_1144 = vector.broadcast %add3A_1143 : i32 to vector<16xi32>
      %add3A_1145 = arith.addi %mul3A_34, %add3A_1144 : vector<16xi32>
      %gather3A_1146 = tpu.vector_load_idx %arg5[%add3A_1145] : memref<65536xf32, #tpu.memory_space<vmem>>[vector<16xi32>], vector<16xf32>,
      %bitcast3A_1147 = vector.bitcast %gather3A_1146 : vector<16xf32> to vector<16xi32>
      %broadcast_in_dim3A_1148 = arith.constant 2 : i32
      %broadcast_in_dim3A_1149 = vector.broadcast %broadcast_in_dim3A_1148 : i32 to vector<16xi32>
      %and3A_1150 = arith.andi %bitcast3A_1147, %broadcast_in_dim3A_7 : vector<16xi32>
      %or3A_1151 = arith.ori %and3A_1150, %broadcast_in_dim3A_1149 : vector<16xi32>
      %bitcast3A_1152 = vector.bitcast %or3A_1151 : vector<16xi32> to vector<16xf32>
      %add3A_1153 = arith.constant 62 : i32
      %add3A_1154 = vector.broadcast %add3A_1153 : i32 to vector<16xi32>
      %add3A_1155 = arith.addi %mul3A_34, %add3A_1154 : vector<16xi32>
      %gather3A_1156 = tpu.vector_load_idx %arg5[%add3A_1155] : memref<65536xf32, #tpu.memory_space<vmem>>[vector<16xi32>], vector<16xf32>,
      %bitcast3A_1157 = vector.bitcast %gather3A_1156 : vector<16xf32> to vector<16xi32>
      %broadcast_in_dim3A_1158 = arith.constant 1 : i32
      %broadcast_in_dim3A_1159 = vector.broadcast %broadcast_in_dim3A_1158 : i32 to vector<16xi32>
      %and3A_1160 = arith.andi %bitcast3A_1157, %broadcast_in_dim3A_7 : vector<16xi32>
      %or3A_1161 = arith.ori %and3A_1160, %broadcast_in_dim3A_1159 : vector<16xi32>
      %bitcast3A_1162 = vector.bitcast %or3A_1161 : vector<16xi32> to vector<16xf32>
      %add3A_1163 = arith.constant 63 : i32
      %add3A_1164 = vector.broadcast %add3A_1163 : i32 to vector<16xi32>
      %add3A_1165 = arith.addi %mul3A_34, %add3A_1164 : vector<16xi32>
      %gather3A_1166 = tpu.vector_load_idx %arg5[%add3A_1165] : memref<65536xf32, #tpu.memory_space<vmem>>[vector<16xi32>], vector<16xf32>,
      %bitcast3A_1167 = vector.bitcast %gather3A_1166 : vector<16xf32> to vector<16xi32>
      %broadcast_in_dim3A_1168 = arith.constant 0 : i32
      %broadcast_in_dim3A_1169 = vector.broadcast %broadcast_in_dim3A_1168 : i32 to vector<16xi32>
      %and3A_1170 = arith.andi %bitcast3A_1167, %broadcast_in_dim3A_7 : vector<16xi32>
      %or3A_1171 = arith.ori %and3A_1170, %broadcast_in_dim3A_1169 : vector<16xi32>
      %bitcast3A_1172 = vector.bitcast %or3A_1171 : vector<16xi32> to vector<16xf32>
      %max3A_1173 = arith.maximumf %bitcast3A_1022, %bitcast3A_1032 : vector<16xf32>
      %max3A_1174 = arith.maximumf %max3A_993, %max3A_1173 : vector<16xf32>
      %min3A_1175 = arith.minimumf %max3A_993, %max3A_1173 : vector<16xf32>
      %max3A_1176 = arith.maximumf %max3A_995, %min3A_1175 : vector<16xf32>
      %min3A_1177 = arith.minimumf %max3A_995, %min3A_1175 : vector<16xf32>
      %max3A_1178 = arith.maximumf %max3A_997, %min3A_1177 : vector<16xf32>
      %min3A_1179 = arith.minimumf %max3A_997, %min3A_1177 : vector<16xf32>
      %max3A_1180 = arith.maximumf %max3A_999, %min3A_1179 : vector<16xf32>
      %min3A_1181 = arith.minimumf %max3A_999, %min3A_1179 : vector<16xf32>
      %max3A_1182 = arith.maximumf %max3A_1001, %min3A_1181 : vector<16xf32>
      %min3A_1183 = arith.minimumf %max3A_1001, %min3A_1181 : vector<16xf32>
      %max3A_1184 = arith.maximumf %max3A_1003, %min3A_1183 : vector<16xf32>
      %min3A_1185 = arith.minimumf %max3A_1003, %min3A_1183 : vector<16xf32>
      %max3A_1186 = arith.maximumf %max3A_1005, %min3A_1185 : vector<16xf32>
      %min3A_1187 = arith.minimumf %max3A_1005, %min3A_1185 : vector<16xf32>
      %max3A_1188 = arith.maximumf %max3A_1007, %min3A_1187 : vector<16xf32>
      %min3A_1189 = arith.minimumf %max3A_1007, %min3A_1187 : vector<16xf32>
      %max3A_1190 = arith.maximumf %max3A_1009, %min3A_1189 : vector<16xf32>
      %min3A_1191 = arith.minimumf %max3A_1009, %min3A_1189 : vector<16xf32>
      %max3A_1192 = arith.maximumf %max3A_1011, %min3A_1191 : vector<16xf32>
      %min3A_1193 = arith.minimumf %max3A_1011, %min3A_1191 : vector<16xf32>
      %max3A_1194 = arith.maximumf %bitcast3A_1042, %bitcast3A_1052 : vector<16xf32>
      %max3A_1195 = arith.maximumf %max3A_1174, %max3A_1194 : vector<16xf32>
      %min3A_1196 = arith.minimumf %max3A_1174, %max3A_1194 : vector<16xf32>
      %max3A_1197 = arith.maximumf %max3A_1176, %min3A_1196 : vector<16xf32>
      %min3A_1198 = arith.minimumf %max3A_1176, %min3A_1196 : vector<16xf32>
      %max3A_1199 = arith.maximumf %max3A_1178, %min3A_1198 : vector<16xf32>
      %min3A_1200 = arith.minimumf %max3A_1178, %min3A_1198 : vector<16xf32>
      %max3A_1201 = arith.maximumf %max3A_1180, %min3A_1200 : vector<16xf32>
      %min3A_1202 = arith.minimumf %max3A_1180, %min3A_1200 : vector<16xf32>
      %max3A_1203 = arith.maximumf %max3A_1182, %min3A_1202 : vector<16xf32>
      %min3A_1204 = arith.minimumf %max3A_1182, %min3A_1202 : vector<16xf32>
      %max3A_1205 = arith.maximumf %max3A_1184, %min3A_1204 : vector<16xf32>
      %min3A_1206 = arith.minimumf %max3A_1184, %min3A_1204 : vector<16xf32>
      %max3A_1207 = arith.maximumf %max3A_1186, %min3A_1206 : vector<16xf32>
      %min3A_1208 = arith.minimumf %max3A_1186, %min3A_1206 : vector<16xf32>
      %max3A_1209 = arith.maximumf %max3A_1188, %min3A_1208 : vector<16xf32>
      %min3A_1210 = arith.minimumf %max3A_1188, %min3A_1208 : vector<16xf32>
      %max3A_1211 = arith.maximumf %max3A_1190, %min3A_1210 : vector<16xf32>
      %min3A_1212 = arith.minimumf %max3A_1190, %min3A_1210 : vector<16xf32>
      %max3A_1213 = arith.maximumf %max3A_1192, %min3A_1212 : vector<16xf32>
      %min3A_1214 = arith.minimumf %max3A_1192, %min3A_1212 : vector<16xf32>
      %max3A_1215 = arith.maximumf %bitcast3A_1062, %bitcast3A_1072 : vector<16xf32>
      %max3A_1216 = arith.maximumf %max3A_1195, %max3A_1215 : vector<16xf32>
      %min3A_1217 = arith.minimumf %max3A_1195, %max3A_1215 : vector<16xf32>
      %max3A_1218 = arith.maximumf %max3A_1197, %min3A_1217 : vector<16xf32>
      %min3A_1219 = arith.minimumf %max3A_1197, %min3A_1217 : vector<16xf32>
      %max3A_1220 = arith.maximumf %max3A_1199, %min3A_1219 : vector<16xf32>
      %min3A_1221 = arith.minimumf %max3A_1199, %min3A_1219 : vector<16xf32>
      %max3A_1222 = arith.maximumf %max3A_1201, %min3A_1221 : vector<16xf32>
      %min3A_1223 = arith.minimumf %max3A_1201, %min3A_1221 : vector<16xf32>
      %max3A_1224 = arith.maximumf %max3A_1203, %min3A_1223 : vector<16xf32>
      %min3A_1225 = arith.minimumf %max3A_1203, %min3A_1223 : vector<16xf32>
      %max3A_1226 = arith.maximumf %max3A_1205, %min3A_1225 : vector<16xf32>
      %min3A_1227 = arith.minimumf %max3A_1205, %min3A_1225 : vector<16xf32>
      %max3A_1228 = arith.maximumf %max3A_1207, %min3A_1227 : vector<16xf32>
      %min3A_1229 = arith.minimumf %max3A_1207, %min3A_1227 : vector<16xf32>
      %max3A_1230 = arith.maximumf %max3A_1209, %min3A_1229 : vector<16xf32>
      %min3A_1231 = arith.minimumf %max3A_1209, %min3A_1229 : vector<16xf32>
      %max3A_1232 = arith.maximumf %max3A_1211, %min3A_1231 : vector<16xf32>
      %min3A_1233 = arith.minimumf %max3A_1211, %min3A_1231 : vector<16xf32>
      %max3A_1234 = arith.maximumf %max3A_1213, %min3A_1233 : vector<16xf32>
      %min3A_1235 = arith.minimumf %max3A_1213, %min3A_1233 : vector<16xf32>
      %max3A_1236 = arith.maximumf %bitcast3A_1082, %bitcast3A_1092 : vector<16xf32>
      %max3A_1237 = arith.maximumf %max3A_1216, %max3A_1236 : vector<16xf32>
      %min3A_1238 = arith.minimumf %max3A_1216, %max3A_1236 : vector<16xf32>
      %max3A_1239 = arith.maximumf %max3A_1218, %min3A_1238 : vector<16xf32>
      %min3A_1240 = arith.minimumf %max3A_1218, %min3A_1238 : vector<16xf32>
      %max3A_1241 = arith.maximumf %max3A_1220, %min3A_1240 : vector<16xf32>
      %min3A_1242 = arith.minimumf %max3A_1220, %min3A_1240 : vector<16xf32>
      %max3A_1243 = arith.maximumf %max3A_1222, %min3A_1242 : vector<16xf32>
      %min3A_1244 = arith.minimumf %max3A_1222, %min3A_1242 : vector<16xf32>
      %max3A_1245 = arith.maximumf %max3A_1224, %min3A_1244 : vector<16xf32>
      %min3A_1246 = arith.minimumf %max3A_1224, %min3A_1244 : vector<16xf32>
      %max3A_1247 = arith.maximumf %max3A_1226, %min3A_1246 : vector<16xf32>
      %min3A_1248 = arith.minimumf %max3A_1226, %min3A_1246 : vector<16xf32>
      %max3A_1249 = arith.maximumf %max3A_1228, %min3A_1248 : vector<16xf32>
      %min3A_1250 = arith.minimumf %max3A_1228, %min3A_1248 : vector<16xf32>
      %max3A_1251 = arith.maximumf %max3A_1230, %min3A_1250 : vector<16xf32>
      %min3A_1252 = arith.minimumf %max3A_1230, %min3A_1250 : vector<16xf32>
      %max3A_1253 = arith.maximumf %max3A_1232, %min3A_1252 : vector<16xf32>
      %min3A_1254 = arith.minimumf %max3A_1232, %min3A_1252 : vector<16xf32>
      %max3A_1255 = arith.maximumf %max3A_1234, %min3A_1254 : vector<16xf32>
      %min3A_1256 = arith.minimumf %max3A_1234, %min3A_1254 : vector<16xf32>
      %max3A_1257 = arith.maximumf %bitcast3A_1102, %bitcast3A_1112 : vector<16xf32>
      %max3A_1258 = arith.maximumf %max3A_1237, %max3A_1257 : vector<16xf32>
      %min3A_1259 = arith.minimumf %max3A_1237, %max3A_1257 : vector<16xf32>
      %max3A_1260 = arith.maximumf %max3A_1239, %min3A_1259 : vector<16xf32>
      %min3A_1261 = arith.minimumf %max3A_1239, %min3A_1259 : vector<16xf32>
      %max3A_1262 = arith.maximumf %max3A_1241, %min3A_1261 : vector<16xf32>
      %min3A_1263 = arith.minimumf %max3A_1241, %min3A_1261 : vector<16xf32>
      %max3A_1264 = arith.maximumf %max3A_1243, %min3A_1263 : vector<16xf32>
      %min3A_1265 = arith.minimumf %max3A_1243, %min3A_1263 : vector<16xf32>
      %max3A_1266 = arith.maximumf %max3A_1245, %min3A_1265 : vector<16xf32>
      %min3A_1267 = arith.minimumf %max3A_1245, %min3A_1265 : vector<16xf32>
      %max3A_1268 = arith.maximumf %max3A_1247, %min3A_1267 : vector<16xf32>
      %min3A_1269 = arith.minimumf %max3A_1247, %min3A_1267 : vector<16xf32>
      %max3A_1270 = arith.maximumf %max3A_1249, %min3A_1269 : vector<16xf32>
      %min3A_1271 = arith.minimumf %max3A_1249, %min3A_1269 : vector<16xf32>
      %max3A_1272 = arith.maximumf %max3A_1251, %min3A_1271 : vector<16xf32>
      %min3A_1273 = arith.minimumf %max3A_1251, %min3A_1271 : vector<16xf32>
      %max3A_1274 = arith.maximumf %max3A_1253, %min3A_1273 : vector<16xf32>
      %min3A_1275 = arith.minimumf %max3A_1253, %min3A_1273 : vector<16xf32>
      %max3A_1276 = arith.maximumf %max3A_1255, %min3A_1275 : vector<16xf32>
      %min3A_1277 = arith.minimumf %max3A_1255, %min3A_1275 : vector<16xf32>
      %max3A_1278 = arith.maximumf %bitcast3A_1122, %bitcast3A_1132 : vector<16xf32>
      %max3A_1279 = arith.maximumf %max3A_1258, %max3A_1278 : vector<16xf32>
      %min3A_1280 = arith.minimumf %max3A_1258, %max3A_1278 : vector<16xf32>
      %max3A_1281 = arith.maximumf %max3A_1260, %min3A_1280 : vector<16xf32>
      %min3A_1282 = arith.minimumf %max3A_1260, %min3A_1280 : vector<16xf32>
      %max3A_1283 = arith.maximumf %max3A_1262, %min3A_1282 : vector<16xf32>
      %min3A_1284 = arith.minimumf %max3A_1262, %min3A_1282 : vector<16xf32>
      %max3A_1285 = arith.maximumf %max3A_1264, %min3A_1284 : vector<16xf32>
      %min3A_1286 = arith.minimumf %max3A_1264, %min3A_1284 : vector<16xf32>
      %max3A_1287 = arith.maximumf %max3A_1266, %min3A_1286 : vector<16xf32>
      %min3A_1288 = arith.minimumf %max3A_1266, %min3A_1286 : vector<16xf32>
      %max3A_1289 = arith.maximumf %max3A_1268, %min3A_1288 : vector<16xf32>
      %min3A_1290 = arith.minimumf %max3A_1268, %min3A_1288 : vector<16xf32>
      %max3A_1291 = arith.maximumf %max3A_1270, %min3A_1290 : vector<16xf32>
      %min3A_1292 = arith.minimumf %max3A_1270, %min3A_1290 : vector<16xf32>
      %max3A_1293 = arith.maximumf %max3A_1272, %min3A_1292 : vector<16xf32>
      %min3A_1294 = arith.minimumf %max3A_1272, %min3A_1292 : vector<16xf32>
      %max3A_1295 = arith.maximumf %max3A_1274, %min3A_1294 : vector<16xf32>
      %min3A_1296 = arith.minimumf %max3A_1274, %min3A_1294 : vector<16xf32>
      %max3A_1297 = arith.maximumf %max3A_1276, %min3A_1296 : vector<16xf32>
      %min3A_1298 = arith.minimumf %max3A_1276, %min3A_1296 : vector<16xf32>
      %max3A_1299 = arith.maximumf %bitcast3A_1142, %bitcast3A_1152 : vector<16xf32>
      %max3A_1300 = arith.maximumf %max3A_1279, %max3A_1299 : vector<16xf32>
      %min3A_1301 = arith.minimumf %max3A_1279, %max3A_1299 : vector<16xf32>
      %max3A_1302 = arith.maximumf %max3A_1281, %min3A_1301 : vector<16xf32>
      %min3A_1303 = arith.minimumf %max3A_1281, %min3A_1301 : vector<16xf32>
      %max3A_1304 = arith.maximumf %max3A_1283, %min3A_1303 : vector<16xf32>
      %min3A_1305 = arith.minimumf %max3A_1283, %min3A_1303 : vector<16xf32>
      %max3A_1306 = arith.maximumf %max3A_1285, %min3A_1305 : vector<16xf32>
      %min3A_1307 = arith.minimumf %max3A_1285, %min3A_1305 : vector<16xf32>
      %max3A_1308 = arith.maximumf %max3A_1287, %min3A_1307 : vector<16xf32>
      %min3A_1309 = arith.minimumf %max3A_1287, %min3A_1307 : vector<16xf32>
      %max3A_1310 = arith.maximumf %max3A_1289, %min3A_1309 : vector<16xf32>
      %min3A_1311 = arith.minimumf %max3A_1289, %min3A_1309 : vector<16xf32>
      %max3A_1312 = arith.maximumf %max3A_1291, %min3A_1311 : vector<16xf32>
      %min3A_1313 = arith.minimumf %max3A_1291, %min3A_1311 : vector<16xf32>
      %max3A_1314 = arith.maximumf %max3A_1293, %min3A_1313 : vector<16xf32>
      %min3A_1315 = arith.minimumf %max3A_1293, %min3A_1313 : vector<16xf32>
      %max3A_1316 = arith.maximumf %max3A_1295, %min3A_1315 : vector<16xf32>
      %min3A_1317 = arith.minimumf %max3A_1295, %min3A_1315 : vector<16xf32>
      %max3A_1318 = arith.maximumf %max3A_1297, %min3A_1317 : vector<16xf32>
      %min3A_1319 = arith.minimumf %max3A_1297, %min3A_1317 : vector<16xf32>
      %max3A_1320 = arith.maximumf %bitcast3A_1162, %bitcast3A_1172 : vector<16xf32>
      %max3A_1321 = arith.maximumf %max3A_1300, %max3A_1320 : vector<16xf32>
      %min3A_1322 = arith.minimumf %max3A_1300, %max3A_1320 : vector<16xf32>
      %max3A_1323 = arith.maximumf %max3A_1302, %min3A_1322 : vector<16xf32>
      %min3A_1324 = arith.minimumf %max3A_1302, %min3A_1322 : vector<16xf32>
      %max3A_1325 = arith.maximumf %max3A_1304, %min3A_1324 : vector<16xf32>
      %min3A_1326 = arith.minimumf %max3A_1304, %min3A_1324 : vector<16xf32>
      %max3A_1327 = arith.maximumf %max3A_1306, %min3A_1326 : vector<16xf32>
      %min3A_1328 = arith.minimumf %max3A_1306, %min3A_1326 : vector<16xf32>
      %max3A_1329 = arith.maximumf %max3A_1308, %min3A_1328 : vector<16xf32>
      %min3A_1330 = arith.minimumf %max3A_1308, %min3A_1328 : vector<16xf32>
      %max3A_1331 = arith.maximumf %max3A_1310, %min3A_1330 : vector<16xf32>
      %min3A_1332 = arith.minimumf %max3A_1310, %min3A_1330 : vector<16xf32>
      %max3A_1333 = arith.maximumf %max3A_1312, %min3A_1332 : vector<16xf32>
      %min3A_1334 = arith.minimumf %max3A_1312, %min3A_1332 : vector<16xf32>
      %max3A_1335 = arith.maximumf %max3A_1314, %min3A_1334 : vector<16xf32>
      %min3A_1336 = arith.minimumf %max3A_1314, %min3A_1334 : vector<16xf32>
      %max3A_1337 = arith.maximumf %max3A_1316, %min3A_1336 : vector<16xf32>
      %min3A_1338 = arith.minimumf %max3A_1316, %min3A_1336 : vector<16xf32>
      %max3A_1339 = arith.maximumf %max3A_1318, %min3A_1338 : vector<16xf32>
      %min3A_1340 = arith.minimumf %max3A_1318, %min3A_1338 : vector<16xf32>
      %bitcast3A_1341 = vector.bitcast %max3A_1321 : vector<16xf32> to vector<16xi32>
      %and3A_1342 = arith.andi %bitcast3A_1341, %broadcast_in_dim3A_9 : vector<16xi32>
      %sub3A = arith.subi %broadcast_in_dim3A_11, %and3A_1342 : vector<16xi32>
      %xor3A = arith.xori %sub3A, %broadcast_in_dim3A_13 : vector<16xi32>
      %bitcast3A_1343 = vector.bitcast %max3A_1323 : vector<16xf32> to vector<16xi32>
      %and3A_1344 = arith.andi %bitcast3A_1343, %broadcast_in_dim3A_9 : vector<16xi32>
      %sub3A_1345 = arith.subi %broadcast_in_dim3A_11, %and3A_1344 : vector<16xi32>
      %xor3A_1346 = arith.xori %sub3A_1345, %broadcast_in_dim3A_13 : vector<16xi32>
      %bitcast3A_1347 = vector.bitcast %max3A_1325 : vector<16xf32> to vector<16xi32>
      %and3A_1348 = arith.andi %bitcast3A_1347, %broadcast_in_dim3A_9 : vector<16xi32>
      %sub3A_1349 = arith.subi %broadcast_in_dim3A_11, %and3A_1348 : vector<16xi32>
      %xor3A_1350 = arith.xori %sub3A_1349, %broadcast_in_dim3A_13 : vector<16xi32>
      %bitcast3A_1351 = vector.bitcast %max3A_1327 : vector<16xf32> to vector<16xi32>
      %and3A_1352 = arith.andi %bitcast3A_1351, %broadcast_in_dim3A_9 : vector<16xi32>
      %sub3A_1353 = arith.subi %broadcast_in_dim3A_11, %and3A_1352 : vector<16xi32>
      %xor3A_1354 = arith.xori %sub3A_1353, %broadcast_in_dim3A_13 : vector<16xi32>
      %bitcast3A_1355 = vector.bitcast %max3A_1329 : vector<16xf32> to vector<16xi32>
      %and3A_1356 = arith.andi %bitcast3A_1355, %broadcast_in_dim3A_9 : vector<16xi32>
      %sub3A_1357 = arith.subi %broadcast_in_dim3A_11, %and3A_1356 : vector<16xi32>
      %xor3A_1358 = arith.xori %sub3A_1357, %broadcast_in_dim3A_13 : vector<16xi32>
      %bitcast3A_1359 = vector.bitcast %max3A_1331 : vector<16xf32> to vector<16xi32>
      %and3A_1360 = arith.andi %bitcast3A_1359, %broadcast_in_dim3A_9 : vector<16xi32>
      %sub3A_1361 = arith.subi %broadcast_in_dim3A_11, %and3A_1360 : vector<16xi32>
      %xor3A_1362 = arith.xori %sub3A_1361, %broadcast_in_dim3A_13 : vector<16xi32>
      %bitcast3A_1363 = vector.bitcast %max3A_1333 : vector<16xf32> to vector<16xi32>
      %and3A_1364 = arith.andi %bitcast3A_1363, %broadcast_in_dim3A_9 : vector<16xi32>
      %sub3A_1365 = arith.subi %broadcast_in_dim3A_11, %and3A_1364 : vector<16xi32>
      %xor3A_1366 = arith.xori %sub3A_1365, %broadcast_in_dim3A_13 : vector<16xi32>
      %bitcast3A_1367 = vector.bitcast %max3A_1335 : vector<16xf32> to vector<16xi32>
      %and3A_1368 = arith.andi %bitcast3A_1367, %broadcast_in_dim3A_9 : vector<16xi32>
      %sub3A_1369 = arith.subi %broadcast_in_dim3A_11, %and3A_1368 : vector<16xi32>
      %xor3A_1370 = arith.xori %sub3A_1369, %broadcast_in_dim3A_13 : vector<16xi32>
      %bitcast3A_1371 = vector.bitcast %max3A_1337 : vector<16xf32> to vector<16xi32>
      %and3A_1372 = arith.andi %bitcast3A_1371, %broadcast_in_dim3A_9 : vector<16xi32>
      %sub3A_1373 = arith.subi %broadcast_in_dim3A_11, %and3A_1372 : vector<16xi32>
      %xor3A_1374 = arith.xori %sub3A_1373, %broadcast_in_dim3A_13 : vector<16xi32>
      %bitcast3A_1375 = vector.bitcast %max3A_1339 : vector<16xf32> to vector<16xi32>
      %and3A_1376 = arith.andi %bitcast3A_1375, %broadcast_in_dim3A_9 : vector<16xi32>
      %sub3A_1377 = arith.subi %broadcast_in_dim3A_11, %and3A_1376 : vector<16xi32>
      %xor3A_1378 = arith.xori %sub3A_1377, %broadcast_in_dim3A_13 : vector<16xi32>
      %add3A_1379 = arith.addi %mul3A_34, %xor3A : vector<16xi32>
      %gather3A_1380 = tpu.vector_load_idx %arg5[%add3A_1379] : memref<65536xf32, #tpu.memory_space<vmem>>[vector<16xi32>], vector<16xf32>,
      %bitcast3A_1381 = vector.bitcast %gather3A_1380 : vector<16xf32> to vector<16xi32>
      %and3A_1382 = arith.andi %bitcast3A_1381, %broadcast_in_dim3A_7 : vector<16xi32>
      %sub3A_1383 = arith.subi %broadcast_in_dim3A_11, %xor3A : vector<16xi32>
      %or3A_1384 = arith.ori %and3A_1382, %sub3A_1383 : vector<16xi32>
      %bitcast3A_1385 = vector.bitcast %or3A_1384 : vector<16xi32> to vector<16xf32>
      %max3A_1386 = arith.maximumf %max3A_1321, %bitcast3A_1385 : vector<16xf32>
      %min3A_1387 = arith.minimumf %max3A_1321, %bitcast3A_1385 : vector<16xf32>
      %max3A_1388 = arith.maximumf %max3A_1323, %min3A_1387 : vector<16xf32>
      %min3A_1389 = arith.minimumf %max3A_1323, %min3A_1387 : vector<16xf32>
      %max3A_1390 = arith.maximumf %max3A_1325, %min3A_1389 : vector<16xf32>
      %min3A_1391 = arith.minimumf %max3A_1325, %min3A_1389 : vector<16xf32>
      %max3A_1392 = arith.maximumf %max3A_1327, %min3A_1391 : vector<16xf32>
      %min3A_1393 = arith.minimumf %max3A_1327, %min3A_1391 : vector<16xf32>
      %max3A_1394 = arith.maximumf %max3A_1329, %min3A_1393 : vector<16xf32>
      %min3A_1395 = arith.minimumf %max3A_1329, %min3A_1393 : vector<16xf32>
      %max3A_1396 = arith.maximumf %max3A_1331, %min3A_1395 : vector<16xf32>
      %min3A_1397 = arith.minimumf %max3A_1331, %min3A_1395 : vector<16xf32>
      %max3A_1398 = arith.maximumf %max3A_1333, %min3A_1397 : vector<16xf32>
      %min3A_1399 = arith.minimumf %max3A_1333, %min3A_1397 : vector<16xf32>
      %max3A_1400 = arith.maximumf %max3A_1335, %min3A_1399 : vector<16xf32>
      %min3A_1401 = arith.minimumf %max3A_1335, %min3A_1399 : vector<16xf32>
      %max3A_1402 = arith.maximumf %max3A_1337, %min3A_1401 : vector<16xf32>
      %min3A_1403 = arith.minimumf %max3A_1337, %min3A_1401 : vector<16xf32>
      %max3A_1404 = arith.maximumf %max3A_1339, %min3A_1403 : vector<16xf32>
      %min3A_1405 = arith.minimumf %max3A_1339, %min3A_1403 : vector<16xf32>
      %add3A_1406 = arith.addi %mul3A_34, %xor3A_1346 : vector<16xi32>
      %gather3A_1407 = tpu.vector_load_idx %arg5[%add3A_1406] : memref<65536xf32, #tpu.memory_space<vmem>>[vector<16xi32>], vector<16xf32>,
      %bitcast3A_1408 = vector.bitcast %gather3A_1407 : vector<16xf32> to vector<16xi32>
      %and3A_1409 = arith.andi %bitcast3A_1408, %broadcast_in_dim3A_7 : vector<16xi32>
      %sub3A_1410 = arith.subi %broadcast_in_dim3A_11, %xor3A_1346 : vector<16xi32>
      %or3A_1411 = arith.ori %and3A_1409, %sub3A_1410 : vector<16xi32>
      %bitcast3A_1412 = vector.bitcast %or3A_1411 : vector<16xi32> to vector<16xf32>
      %max3A_1413 = arith.maximumf %max3A_1386, %bitcast3A_1412 : vector<16xf32>
      %min3A_1414 = arith.minimumf %max3A_1386, %bitcast3A_1412 : vector<16xf32>
      %max3A_1415 = arith.maximumf %max3A_1388, %min3A_1414 : vector<16xf32>
      %min3A_1416 = arith.minimumf %max3A_1388, %min3A_1414 : vector<16xf32>
      %max3A_1417 = arith.maximumf %max3A_1390, %min3A_1416 : vector<16xf32>
      %min3A_1418 = arith.minimumf %max3A_1390, %min3A_1416 : vector<16xf32>
      %max3A_1419 = arith.maximumf %max3A_1392, %min3A_1418 : vector<16xf32>
      %min3A_1420 = arith.minimumf %max3A_1392, %min3A_1418 : vector<16xf32>
      %max3A_1421 = arith.maximumf %max3A_1394, %min3A_1420 : vector<16xf32>
      %min3A_1422 = arith.minimumf %max3A_1394, %min3A_1420 : vector<16xf32>
      %max3A_1423 = arith.maximumf %max3A_1396, %min3A_1422 : vector<16xf32>
      %min3A_1424 = arith.minimumf %max3A_1396, %min3A_1422 : vector<16xf32>
      %max3A_1425 = arith.maximumf %max3A_1398, %min3A_1424 : vector<16xf32>
      %min3A_1426 = arith.minimumf %max3A_1398, %min3A_1424 : vector<16xf32>
      %max3A_1427 = arith.maximumf %max3A_1400, %min3A_1426 : vector<16xf32>
      %min3A_1428 = arith.minimumf %max3A_1400, %min3A_1426 : vector<16xf32>
      %max3A_1429 = arith.maximumf %max3A_1402, %min3A_1428 : vector<16xf32>
      %min3A_1430 = arith.minimumf %max3A_1402, %min3A_1428 : vector<16xf32>
      %max3A_1431 = arith.maximumf %max3A_1404, %min3A_1430 : vector<16xf32>
      %min3A_1432 = arith.minimumf %max3A_1404, %min3A_1430 : vector<16xf32>
      %add3A_1433 = arith.addi %mul3A_34, %xor3A_1350 : vector<16xi32>
      %gather3A_1434 = tpu.vector_load_idx %arg5[%add3A_1433] : memref<65536xf32, #tpu.memory_space<vmem>>[vector<16xi32>], vector<16xf32>,
      %bitcast3A_1435 = vector.bitcast %gather3A_1434 : vector<16xf32> to vector<16xi32>
      %and3A_1436 = arith.andi %bitcast3A_1435, %broadcast_in_dim3A_7 : vector<16xi32>
      %sub3A_1437 = arith.subi %broadcast_in_dim3A_11, %xor3A_1350 : vector<16xi32>
      %or3A_1438 = arith.ori %and3A_1436, %sub3A_1437 : vector<16xi32>
      %bitcast3A_1439 = vector.bitcast %or3A_1438 : vector<16xi32> to vector<16xf32>
      %max3A_1440 = arith.maximumf %max3A_1413, %bitcast3A_1439 : vector<16xf32>
      %min3A_1441 = arith.minimumf %max3A_1413, %bitcast3A_1439 : vector<16xf32>
      %max3A_1442 = arith.maximumf %max3A_1415, %min3A_1441 : vector<16xf32>
      %min3A_1443 = arith.minimumf %max3A_1415, %min3A_1441 : vector<16xf32>
      %max3A_1444 = arith.maximumf %max3A_1417, %min3A_1443 : vector<16xf32>
      %min3A_1445 = arith.minimumf %max3A_1417, %min3A_1443 : vector<16xf32>
      %max3A_1446 = arith.maximumf %max3A_1419, %min3A_1445 : vector<16xf32>
      %min3A_1447 = arith.minimumf %max3A_1419, %min3A_1445 : vector<16xf32>
      %max3A_1448 = arith.maximumf %max3A_1421, %min3A_1447 : vector<16xf32>
      %min3A_1449 = arith.minimumf %max3A_1421, %min3A_1447 : vector<16xf32>
      %max3A_1450 = arith.maximumf %max3A_1423, %min3A_1449 : vector<16xf32>
      %min3A_1451 = arith.minimumf %max3A_1423, %min3A_1449 : vector<16xf32>
      %max3A_1452 = arith.maximumf %max3A_1425, %min3A_1451 : vector<16xf32>
      %min3A_1453 = arith.minimumf %max3A_1425, %min3A_1451 : vector<16xf32>
      %max3A_1454 = arith.maximumf %max3A_1427, %min3A_1453 : vector<16xf32>
      %min3A_1455 = arith.minimumf %max3A_1427, %min3A_1453 : vector<16xf32>
      %max3A_1456 = arith.maximumf %max3A_1429, %min3A_1455 : vector<16xf32>
      %min3A_1457 = arith.minimumf %max3A_1429, %min3A_1455 : vector<16xf32>
      %max3A_1458 = arith.maximumf %max3A_1431, %min3A_1457 : vector<16xf32>
      %min3A_1459 = arith.minimumf %max3A_1431, %min3A_1457 : vector<16xf32>
      %add3A_1460 = arith.addi %mul3A_34, %xor3A_1354 : vector<16xi32>
      %gather3A_1461 = tpu.vector_load_idx %arg5[%add3A_1460] : memref<65536xf32, #tpu.memory_space<vmem>>[vector<16xi32>], vector<16xf32>,
      %bitcast3A_1462 = vector.bitcast %gather3A_1461 : vector<16xf32> to vector<16xi32>
      %and3A_1463 = arith.andi %bitcast3A_1462, %broadcast_in_dim3A_7 : vector<16xi32>
      %sub3A_1464 = arith.subi %broadcast_in_dim3A_11, %xor3A_1354 : vector<16xi32>
      %or3A_1465 = arith.ori %and3A_1463, %sub3A_1464 : vector<16xi32>
      %bitcast3A_1466 = vector.bitcast %or3A_1465 : vector<16xi32> to vector<16xf32>
      %max3A_1467 = arith.maximumf %max3A_1440, %bitcast3A_1466 : vector<16xf32>
      %min3A_1468 = arith.minimumf %max3A_1440, %bitcast3A_1466 : vector<16xf32>
      %max3A_1469 = arith.maximumf %max3A_1442, %min3A_1468 : vector<16xf32>
      %min3A_1470 = arith.minimumf %max3A_1442, %min3A_1468 : vector<16xf32>
      %max3A_1471 = arith.maximumf %max3A_1444, %min3A_1470 : vector<16xf32>
      %min3A_1472 = arith.minimumf %max3A_1444, %min3A_1470 : vector<16xf32>
      %max3A_1473 = arith.maximumf %max3A_1446, %min3A_1472 : vector<16xf32>
      %min3A_1474 = arith.minimumf %max3A_1446, %min3A_1472 : vector<16xf32>
      %max3A_1475 = arith.maximumf %max3A_1448, %min3A_1474 : vector<16xf32>
      %min3A_1476 = arith.minimumf %max3A_1448, %min3A_1474 : vector<16xf32>
      %max3A_1477 = arith.maximumf %max3A_1450, %min3A_1476 : vector<16xf32>
      %min3A_1478 = arith.minimumf %max3A_1450, %min3A_1476 : vector<16xf32>
      %max3A_1479 = arith.maximumf %max3A_1452, %min3A_1478 : vector<16xf32>
      %min3A_1480 = arith.minimumf %max3A_1452, %min3A_1478 : vector<16xf32>
      %max3A_1481 = arith.maximumf %max3A_1454, %min3A_1480 : vector<16xf32>
      %min3A_1482 = arith.minimumf %max3A_1454, %min3A_1480 : vector<16xf32>
      %max3A_1483 = arith.maximumf %max3A_1456, %min3A_1482 : vector<16xf32>
      %min3A_1484 = arith.minimumf %max3A_1456, %min3A_1482 : vector<16xf32>
      %max3A_1485 = arith.maximumf %max3A_1458, %min3A_1484 : vector<16xf32>
      %min3A_1486 = arith.minimumf %max3A_1458, %min3A_1484 : vector<16xf32>
      %add3A_1487 = arith.addi %mul3A_34, %xor3A_1358 : vector<16xi32>
      %gather3A_1488 = tpu.vector_load_idx %arg5[%add3A_1487] : memref<65536xf32, #tpu.memory_space<vmem>>[vector<16xi32>], vector<16xf32>,
      %bitcast3A_1489 = vector.bitcast %gather3A_1488 : vector<16xf32> to vector<16xi32>
      %and3A_1490 = arith.andi %bitcast3A_1489, %broadcast_in_dim3A_7 : vector<16xi32>
      %sub3A_1491 = arith.subi %broadcast_in_dim3A_11, %xor3A_1358 : vector<16xi32>
      %or3A_1492 = arith.ori %and3A_1490, %sub3A_1491 : vector<16xi32>
      %bitcast3A_1493 = vector.bitcast %or3A_1492 : vector<16xi32> to vector<16xf32>
      %max3A_1494 = arith.maximumf %max3A_1467, %bitcast3A_1493 : vector<16xf32>
      %min3A_1495 = arith.minimumf %max3A_1467, %bitcast3A_1493 : vector<16xf32>
      %max3A_1496 = arith.maximumf %max3A_1469, %min3A_1495 : vector<16xf32>
      %min3A_1497 = arith.minimumf %max3A_1469, %min3A_1495 : vector<16xf32>
      %max3A_1498 = arith.maximumf %max3A_1471, %min3A_1497 : vector<16xf32>
      %min3A_1499 = arith.minimumf %max3A_1471, %min3A_1497 : vector<16xf32>
      %max3A_1500 = arith.maximumf %max3A_1473, %min3A_1499 : vector<16xf32>
      %min3A_1501 = arith.minimumf %max3A_1473, %min3A_1499 : vector<16xf32>
      %max3A_1502 = arith.maximumf %max3A_1475, %min3A_1501 : vector<16xf32>
      %min3A_1503 = arith.minimumf %max3A_1475, %min3A_1501 : vector<16xf32>
      %max3A_1504 = arith.maximumf %max3A_1477, %min3A_1503 : vector<16xf32>
      %min3A_1505 = arith.minimumf %max3A_1477, %min3A_1503 : vector<16xf32>
      %max3A_1506 = arith.maximumf %max3A_1479, %min3A_1505 : vector<16xf32>
      %min3A_1507 = arith.minimumf %max3A_1479, %min3A_1505 : vector<16xf32>
      %max3A_1508 = arith.maximumf %max3A_1481, %min3A_1507 : vector<16xf32>
      %min3A_1509 = arith.minimumf %max3A_1481, %min3A_1507 : vector<16xf32>
      %max3A_1510 = arith.maximumf %max3A_1483, %min3A_1509 : vector<16xf32>
      %min3A_1511 = arith.minimumf %max3A_1483, %min3A_1509 : vector<16xf32>
      %max3A_1512 = arith.maximumf %max3A_1485, %min3A_1511 : vector<16xf32>
      %min3A_1513 = arith.minimumf %max3A_1485, %min3A_1511 : vector<16xf32>
      %add3A_1514 = arith.addi %mul3A_34, %xor3A_1362 : vector<16xi32>
      %gather3A_1515 = tpu.vector_load_idx %arg5[%add3A_1514] : memref<65536xf32, #tpu.memory_space<vmem>>[vector<16xi32>], vector<16xf32>,
      %bitcast3A_1516 = vector.bitcast %gather3A_1515 : vector<16xf32> to vector<16xi32>
      %and3A_1517 = arith.andi %bitcast3A_1516, %broadcast_in_dim3A_7 : vector<16xi32>
      %sub3A_1518 = arith.subi %broadcast_in_dim3A_11, %xor3A_1362 : vector<16xi32>
      %or3A_1519 = arith.ori %and3A_1517, %sub3A_1518 : vector<16xi32>
      %bitcast3A_1520 = vector.bitcast %or3A_1519 : vector<16xi32> to vector<16xf32>
      %max3A_1521 = arith.maximumf %max3A_1494, %bitcast3A_1520 : vector<16xf32>
      %min3A_1522 = arith.minimumf %max3A_1494, %bitcast3A_1520 : vector<16xf32>
      %max3A_1523 = arith.maximumf %max3A_1496, %min3A_1522 : vector<16xf32>
      %min3A_1524 = arith.minimumf %max3A_1496, %min3A_1522 : vector<16xf32>
      %max3A_1525 = arith.maximumf %max3A_1498, %min3A_1524 : vector<16xf32>
      %min3A_1526 = arith.minimumf %max3A_1498, %min3A_1524 : vector<16xf32>
      %max3A_1527 = arith.maximumf %max3A_1500, %min3A_1526 : vector<16xf32>
      %min3A_1528 = arith.minimumf %max3A_1500, %min3A_1526 : vector<16xf32>
      %max3A_1529 = arith.maximumf %max3A_1502, %min3A_1528 : vector<16xf32>
      %min3A_1530 = arith.minimumf %max3A_1502, %min3A_1528 : vector<16xf32>
      %max3A_1531 = arith.maximumf %max3A_1504, %min3A_1530 : vector<16xf32>
      %min3A_1532 = arith.minimumf %max3A_1504, %min3A_1530 : vector<16xf32>
      %max3A_1533 = arith.maximumf %max3A_1506, %min3A_1532 : vector<16xf32>
      %min3A_1534 = arith.minimumf %max3A_1506, %min3A_1532 : vector<16xf32>
      %max3A_1535 = arith.maximumf %max3A_1508, %min3A_1534 : vector<16xf32>
      %min3A_1536 = arith.minimumf %max3A_1508, %min3A_1534 : vector<16xf32>
      %max3A_1537 = arith.maximumf %max3A_1510, %min3A_1536 : vector<16xf32>
      %min3A_1538 = arith.minimumf %max3A_1510, %min3A_1536 : vector<16xf32>
      %max3A_1539 = arith.maximumf %max3A_1512, %min3A_1538 : vector<16xf32>
      %min3A_1540 = arith.minimumf %max3A_1512, %min3A_1538 : vector<16xf32>
      %add3A_1541 = arith.addi %mul3A_34, %xor3A_1366 : vector<16xi32>
      %gather3A_1542 = tpu.vector_load_idx %arg5[%add3A_1541] : memref<65536xf32, #tpu.memory_space<vmem>>[vector<16xi32>], vector<16xf32>,
      %bitcast3A_1543 = vector.bitcast %gather3A_1542 : vector<16xf32> to vector<16xi32>
      %and3A_1544 = arith.andi %bitcast3A_1543, %broadcast_in_dim3A_7 : vector<16xi32>
      %sub3A_1545 = arith.subi %broadcast_in_dim3A_11, %xor3A_1366 : vector<16xi32>
      %or3A_1546 = arith.ori %and3A_1544, %sub3A_1545 : vector<16xi32>
      %bitcast3A_1547 = vector.bitcast %or3A_1546 : vector<16xi32> to vector<16xf32>
      %max3A_1548 = arith.maximumf %max3A_1521, %bitcast3A_1547 : vector<16xf32>
      %min3A_1549 = arith.minimumf %max3A_1521, %bitcast3A_1547 : vector<16xf32>
      %max3A_1550 = arith.maximumf %max3A_1523, %min3A_1549 : vector<16xf32>
      %min3A_1551 = arith.minimumf %max3A_1523, %min3A_1549 : vector<16xf32>
      %max3A_1552 = arith.maximumf %max3A_1525, %min3A_1551 : vector<16xf32>
      %min3A_1553 = arith.minimumf %max3A_1525, %min3A_1551 : vector<16xf32>
      %max3A_1554 = arith.maximumf %max3A_1527, %min3A_1553 : vector<16xf32>
      %min3A_1555 = arith.minimumf %max3A_1527, %min3A_1553 : vector<16xf32>
      %max3A_1556 = arith.maximumf %max3A_1529, %min3A_1555 : vector<16xf32>
      %min3A_1557 = arith.minimumf %max3A_1529, %min3A_1555 : vector<16xf32>
      %max3A_1558 = arith.maximumf %max3A_1531, %min3A_1557 : vector<16xf32>
      %min3A_1559 = arith.minimumf %max3A_1531, %min3A_1557 : vector<16xf32>
      %max3A_1560 = arith.maximumf %max3A_1533, %min3A_1559 : vector<16xf32>
      %min3A_1561 = arith.minimumf %max3A_1533, %min3A_1559 : vector<16xf32>
      %max3A_1562 = arith.maximumf %max3A_1535, %min3A_1561 : vector<16xf32>
      %min3A_1563 = arith.minimumf %max3A_1535, %min3A_1561 : vector<16xf32>
      %max3A_1564 = arith.maximumf %max3A_1537, %min3A_1563 : vector<16xf32>
      %min3A_1565 = arith.minimumf %max3A_1537, %min3A_1563 : vector<16xf32>
      %max3A_1566 = arith.maximumf %max3A_1539, %min3A_1565 : vector<16xf32>
      %min3A_1567 = arith.minimumf %max3A_1539, %min3A_1565 : vector<16xf32>
      %add3A_1568 = arith.addi %mul3A_34, %xor3A_1370 : vector<16xi32>
      %gather3A_1569 = tpu.vector_load_idx %arg5[%add3A_1568] : memref<65536xf32, #tpu.memory_space<vmem>>[vector<16xi32>], vector<16xf32>,
      %bitcast3A_1570 = vector.bitcast %gather3A_1569 : vector<16xf32> to vector<16xi32>
      %and3A_1571 = arith.andi %bitcast3A_1570, %broadcast_in_dim3A_7 : vector<16xi32>
      %sub3A_1572 = arith.subi %broadcast_in_dim3A_11, %xor3A_1370 : vector<16xi32>
      %or3A_1573 = arith.ori %and3A_1571, %sub3A_1572 : vector<16xi32>
      %bitcast3A_1574 = vector.bitcast %or3A_1573 : vector<16xi32> to vector<16xf32>
      %max3A_1575 = arith.maximumf %max3A_1548, %bitcast3A_1574 : vector<16xf32>
      %min3A_1576 = arith.minimumf %max3A_1548, %bitcast3A_1574 : vector<16xf32>
      %max3A_1577 = arith.maximumf %max3A_1550, %min3A_1576 : vector<16xf32>
      %min3A_1578 = arith.minimumf %max3A_1550, %min3A_1576 : vector<16xf32>
      %max3A_1579 = arith.maximumf %max3A_1552, %min3A_1578 : vector<16xf32>
      %min3A_1580 = arith.minimumf %max3A_1552, %min3A_1578 : vector<16xf32>
      %max3A_1581 = arith.maximumf %max3A_1554, %min3A_1580 : vector<16xf32>
      %min3A_1582 = arith.minimumf %max3A_1554, %min3A_1580 : vector<16xf32>
      %max3A_1583 = arith.maximumf %max3A_1556, %min3A_1582 : vector<16xf32>
      %min3A_1584 = arith.minimumf %max3A_1556, %min3A_1582 : vector<16xf32>
      %max3A_1585 = arith.maximumf %max3A_1558, %min3A_1584 : vector<16xf32>
      %min3A_1586 = arith.minimumf %max3A_1558, %min3A_1584 : vector<16xf32>
      %max3A_1587 = arith.maximumf %max3A_1560, %min3A_1586 : vector<16xf32>
      %min3A_1588 = arith.minimumf %max3A_1560, %min3A_1586 : vector<16xf32>
      %max3A_1589 = arith.maximumf %max3A_1562, %min3A_1588 : vector<16xf32>
      %min3A_1590 = arith.minimumf %max3A_1562, %min3A_1588 : vector<16xf32>
      %max3A_1591 = arith.maximumf %max3A_1564, %min3A_1590 : vector<16xf32>
      %min3A_1592 = arith.minimumf %max3A_1564, %min3A_1590 : vector<16xf32>
      %max3A_1593 = arith.maximumf %max3A_1566, %min3A_1592 : vector<16xf32>
      %min3A_1594 = arith.minimumf %max3A_1566, %min3A_1592 : vector<16xf32>
      %add3A_1595 = arith.addi %mul3A_34, %xor3A_1374 : vector<16xi32>
      %gather3A_1596 = tpu.vector_load_idx %arg5[%add3A_1595] : memref<65536xf32, #tpu.memory_space<vmem>>[vector<16xi32>], vector<16xf32>,
      %bitcast3A_1597 = vector.bitcast %gather3A_1596 : vector<16xf32> to vector<16xi32>
      %and3A_1598 = arith.andi %bitcast3A_1597, %broadcast_in_dim3A_7 : vector<16xi32>
      %sub3A_1599 = arith.subi %broadcast_in_dim3A_11, %xor3A_1374 : vector<16xi32>
      %or3A_1600 = arith.ori %and3A_1598, %sub3A_1599 : vector<16xi32>
      %bitcast3A_1601 = vector.bitcast %or3A_1600 : vector<16xi32> to vector<16xf32>
      %max3A_1602 = arith.maximumf %max3A_1575, %bitcast3A_1601 : vector<16xf32>
      %min3A_1603 = arith.minimumf %max3A_1575, %bitcast3A_1601 : vector<16xf32>
      %max3A_1604 = arith.maximumf %max3A_1577, %min3A_1603 : vector<16xf32>
      %min3A_1605 = arith.minimumf %max3A_1577, %min3A_1603 : vector<16xf32>
      %max3A_1606 = arith.maximumf %max3A_1579, %min3A_1605 : vector<16xf32>
      %min3A_1607 = arith.minimumf %max3A_1579, %min3A_1605 : vector<16xf32>
      %max3A_1608 = arith.maximumf %max3A_1581, %min3A_1607 : vector<16xf32>
      %min3A_1609 = arith.minimumf %max3A_1581, %min3A_1607 : vector<16xf32>
      %max3A_1610 = arith.maximumf %max3A_1583, %min3A_1609 : vector<16xf32>
      %min3A_1611 = arith.minimumf %max3A_1583, %min3A_1609 : vector<16xf32>
      %max3A_1612 = arith.maximumf %max3A_1585, %min3A_1611 : vector<16xf32>
      %min3A_1613 = arith.minimumf %max3A_1585, %min3A_1611 : vector<16xf32>
      %max3A_1614 = arith.maximumf %max3A_1587, %min3A_1613 : vector<16xf32>
      %min3A_1615 = arith.minimumf %max3A_1587, %min3A_1613 : vector<16xf32>
      %max3A_1616 = arith.maximumf %max3A_1589, %min3A_1615 : vector<16xf32>
      %min3A_1617 = arith.minimumf %max3A_1589, %min3A_1615 : vector<16xf32>
      %max3A_1618 = arith.maximumf %max3A_1591, %min3A_1617 : vector<16xf32>
      %min3A_1619 = arith.minimumf %max3A_1591, %min3A_1617 : vector<16xf32>
      %max3A_1620 = arith.maximumf %max3A_1593, %min3A_1619 : vector<16xf32>
      %min3A_1621 = arith.minimumf %max3A_1593, %min3A_1619 : vector<16xf32>
      %add3A_1622 = arith.addi %mul3A_34, %xor3A_1378 : vector<16xi32>
      %gather3A_1623 = tpu.vector_load_idx %arg5[%add3A_1622] : memref<65536xf32, #tpu.memory_space<vmem>>[vector<16xi32>], vector<16xf32>,
      %bitcast3A_1624 = vector.bitcast %gather3A_1623 : vector<16xf32> to vector<16xi32>
      %and3A_1625 = arith.andi %bitcast3A_1624, %broadcast_in_dim3A_7 : vector<16xi32>
      %sub3A_1626 = arith.subi %broadcast_in_dim3A_11, %xor3A_1378 : vector<16xi32>
      %or3A_1627 = arith.ori %and3A_1625, %sub3A_1626 : vector<16xi32>
      %bitcast3A_1628 = vector.bitcast %or3A_1627 : vector<16xi32> to vector<16xf32>
      %max3A_1629 = arith.maximumf %max3A_1602, %bitcast3A_1628 : vector<16xf32>
      %min3A_1630 = arith.minimumf %max3A_1602, %bitcast3A_1628 : vector<16xf32>
      %max3A_1631 = arith.maximumf %max3A_1604, %min3A_1630 : vector<16xf32>
      %min3A_1632 = arith.minimumf %max3A_1604, %min3A_1630 : vector<16xf32>
      %max3A_1633 = arith.maximumf %max3A_1606, %min3A_1632 : vector<16xf32>
      %min3A_1634 = arith.minimumf %max3A_1606, %min3A_1632 : vector<16xf32>
      %max3A_1635 = arith.maximumf %max3A_1608, %min3A_1634 : vector<16xf32>
      %min3A_1636 = arith.minimumf %max3A_1608, %min3A_1634 : vector<16xf32>
      %max3A_1637 = arith.maximumf %max3A_1610, %min3A_1636 : vector<16xf32>
      %min3A_1638 = arith.minimumf %max3A_1610, %min3A_1636 : vector<16xf32>
      %max3A_1639 = arith.maximumf %max3A_1612, %min3A_1638 : vector<16xf32>
      %min3A_1640 = arith.minimumf %max3A_1612, %min3A_1638 : vector<16xf32>
      %max3A_1641 = arith.maximumf %max3A_1614, %min3A_1640 : vector<16xf32>
      %min3A_1642 = arith.minimumf %max3A_1614, %min3A_1640 : vector<16xf32>
      %max3A_1643 = arith.maximumf %max3A_1616, %min3A_1642 : vector<16xf32>
      %min3A_1644 = arith.minimumf %max3A_1616, %min3A_1642 : vector<16xf32>
      %max3A_1645 = arith.maximumf %max3A_1618, %min3A_1644 : vector<16xf32>
      %min3A_1646 = arith.minimumf %max3A_1618, %min3A_1644 : vector<16xf32>
      %max3A_1647 = arith.maximumf %max3A_1620, %min3A_1646 : vector<16xf32>
      %min3A_1648 = arith.minimumf %max3A_1620, %min3A_1646 : vector<16xf32>
      %bitcast3A_1649 = vector.bitcast %max3A_1629 : vector<16xf32> to vector<16xi32>
      %and3A_1650 = arith.andi %bitcast3A_1649, %broadcast_in_dim3A_9 : vector<16xi32>
      %sub3A_1651 = arith.subi %broadcast_in_dim3A_11, %and3A_1650 : vector<16xi32>
      %add3A_1652 = arith.addi %mul3A_34, %sub3A_1651 : vector<16xi32>
      %gather3A_1653 = tpu.vector_load_idx %arg5[%add3A_1652] : memref<65536xf32, #tpu.memory_space<vmem>>[vector<16xi32>], vector<16xf32>,
      %bitcast3A_1654 = vector.bitcast %max3A_1631 : vector<16xf32> to vector<16xi32>
      %and3A_1655 = arith.andi %bitcast3A_1654, %broadcast_in_dim3A_9 : vector<16xi32>
      %sub3A_1656 = arith.subi %broadcast_in_dim3A_11, %and3A_1655 : vector<16xi32>
      %add3A_1657 = arith.addi %mul3A_34, %sub3A_1656 : vector<16xi32>
      %gather3A_1658 = tpu.vector_load_idx %arg5[%add3A_1657] : memref<65536xf32, #tpu.memory_space<vmem>>[vector<16xi32>], vector<16xf32>,
      %bitcast3A_1659 = vector.bitcast %max3A_1633 : vector<16xf32> to vector<16xi32>
      %and3A_1660 = arith.andi %bitcast3A_1659, %broadcast_in_dim3A_9 : vector<16xi32>
      %sub3A_1661 = arith.subi %broadcast_in_dim3A_11, %and3A_1660 : vector<16xi32>
      %add3A_1662 = arith.addi %mul3A_34, %sub3A_1661 : vector<16xi32>
      %gather3A_1663 = tpu.vector_load_idx %arg5[%add3A_1662] : memref<65536xf32, #tpu.memory_space<vmem>>[vector<16xi32>], vector<16xf32>,
      %bitcast3A_1664 = vector.bitcast %max3A_1635 : vector<16xf32> to vector<16xi32>
      %and3A_1665 = arith.andi %bitcast3A_1664, %broadcast_in_dim3A_9 : vector<16xi32>
      %sub3A_1666 = arith.subi %broadcast_in_dim3A_11, %and3A_1665 : vector<16xi32>
      %add3A_1667 = arith.addi %mul3A_34, %sub3A_1666 : vector<16xi32>
      %gather3A_1668 = tpu.vector_load_idx %arg5[%add3A_1667] : memref<65536xf32, #tpu.memory_space<vmem>>[vector<16xi32>], vector<16xf32>,
      %bitcast3A_1669 = vector.bitcast %max3A_1637 : vector<16xf32> to vector<16xi32>
      %and3A_1670 = arith.andi %bitcast3A_1669, %broadcast_in_dim3A_9 : vector<16xi32>
      %sub3A_1671 = arith.subi %broadcast_in_dim3A_11, %and3A_1670 : vector<16xi32>
      %add3A_1672 = arith.addi %mul3A_34, %sub3A_1671 : vector<16xi32>
      %gather3A_1673 = tpu.vector_load_idx %arg5[%add3A_1672] : memref<65536xf32, #tpu.memory_space<vmem>>[vector<16xi32>], vector<16xf32>,
      %bitcast3A_1674 = vector.bitcast %max3A_1639 : vector<16xf32> to vector<16xi32>
      %and3A_1675 = arith.andi %bitcast3A_1674, %broadcast_in_dim3A_9 : vector<16xi32>
      %sub3A_1676 = arith.subi %broadcast_in_dim3A_11, %and3A_1675 : vector<16xi32>
      %add3A_1677 = arith.addi %mul3A_34, %sub3A_1676 : vector<16xi32>
      %gather3A_1678 = tpu.vector_load_idx %arg5[%add3A_1677] : memref<65536xf32, #tpu.memory_space<vmem>>[vector<16xi32>], vector<16xf32>,
      %bitcast3A_1679 = vector.bitcast %max3A_1641 : vector<16xf32> to vector<16xi32>
      %and3A_1680 = arith.andi %bitcast3A_1679, %broadcast_in_dim3A_9 : vector<16xi32>
      %sub3A_1681 = arith.subi %broadcast_in_dim3A_11, %and3A_1680 : vector<16xi32>
      %add3A_1682 = arith.addi %mul3A_34, %sub3A_1681 : vector<16xi32>
      %gather3A_1683 = tpu.vector_load_idx %arg5[%add3A_1682] : memref<65536xf32, #tpu.memory_space<vmem>>[vector<16xi32>], vector<16xf32>,
      %bitcast3A_1684 = vector.bitcast %max3A_1643 : vector<16xf32> to vector<16xi32>
      %and3A_1685 = arith.andi %bitcast3A_1684, %broadcast_in_dim3A_9 : vector<16xi32>
      %sub3A_1686 = arith.subi %broadcast_in_dim3A_11, %and3A_1685 : vector<16xi32>
      %add3A_1687 = arith.addi %mul3A_34, %sub3A_1686 : vector<16xi32>
      %gather3A_1688 = tpu.vector_load_idx %arg5[%add3A_1687] : memref<65536xf32, #tpu.memory_space<vmem>>[vector<16xi32>], vector<16xf32>,
      %bitcast3A_1689 = vector.bitcast %max3A_1645 : vector<16xf32> to vector<16xi32>
      %and3A_1690 = arith.andi %bitcast3A_1689, %broadcast_in_dim3A_9 : vector<16xi32>
      %sub3A_1691 = arith.subi %broadcast_in_dim3A_11, %and3A_1690 : vector<16xi32>
      %add3A_1692 = arith.addi %mul3A_34, %sub3A_1691 : vector<16xi32>
      %gather3A_1693 = tpu.vector_load_idx %arg5[%add3A_1692] : memref<65536xf32, #tpu.memory_space<vmem>>[vector<16xi32>], vector<16xf32>,
      %bitcast3A_1694 = vector.bitcast %max3A_1647 : vector<16xf32> to vector<16xi32>
      %and3A_1695 = arith.andi %bitcast3A_1694, %broadcast_in_dim3A_9 : vector<16xi32>
      %sub3A_1696 = arith.subi %broadcast_in_dim3A_11, %and3A_1695 : vector<16xi32>
      %add3A_1697 = arith.addi %mul3A_34, %sub3A_1696 : vector<16xi32>
      %gather3A_1698 = tpu.vector_load_idx %arg5[%add3A_1697] : memref<65536xf32, #tpu.memory_space<vmem>>[vector<16xi32>], vector<16xf32>,
      %gt3A = arith.cmpf ogt, %gather3A_1658, %gather3A_1653 : vector<16xf32>
      %select_n3A = arith.select %gt3A, %gather3A_1658, %gather3A_1653 : vector<16xi1>, vector<16xf32>
      %select_n3A_1699 = arith.select %gt3A, %gather3A_1653, %gather3A_1658 : vector<16xi1>, vector<16xf32>
      %select_n3A_1700 = arith.select %gt3A, %sub3A_1656, %sub3A_1651 : vector<16xi1>, vector<16xi32>
      %select_n3A_1701 = arith.select %gt3A, %sub3A_1651, %sub3A_1656 : vector<16xi1>, vector<16xi32>
      %gt3A_1702 = arith.cmpf ogt, %gather3A_1668, %gather3A_1663 : vector<16xf32>
      %select_n3A_1703 = arith.select %gt3A_1702, %gather3A_1668, %gather3A_1663 : vector<16xi1>, vector<16xf32>
      %select_n3A_1704 = arith.select %gt3A_1702, %gather3A_1663, %gather3A_1668 : vector<16xi1>, vector<16xf32>
      %select_n3A_1705 = arith.select %gt3A_1702, %sub3A_1666, %sub3A_1661 : vector<16xi1>, vector<16xi32>
      %select_n3A_1706 = arith.select %gt3A_1702, %sub3A_1661, %sub3A_1666 : vector<16xi1>, vector<16xi32>
      %gt3A_1707 = arith.cmpf ogt, %gather3A_1678, %gather3A_1673 : vector<16xf32>
      %select_n3A_1708 = arith.select %gt3A_1707, %gather3A_1678, %gather3A_1673 : vector<16xi1>, vector<16xf32>
      %select_n3A_1709 = arith.select %gt3A_1707, %gather3A_1673, %gather3A_1678 : vector<16xi1>, vector<16xf32>
      %select_n3A_1710 = arith.select %gt3A_1707, %sub3A_1676, %sub3A_1671 : vector<16xi1>, vector<16xi32>
      %select_n3A_1711 = arith.select %gt3A_1707, %sub3A_1671, %sub3A_1676 : vector<16xi1>, vector<16xi32>
      %gt3A_1712 = arith.cmpf ogt, %gather3A_1688, %gather3A_1683 : vector<16xf32>
      %select_n3A_1713 = arith.select %gt3A_1712, %gather3A_1688, %gather3A_1683 : vector<16xi1>, vector<16xf32>
      %select_n3A_1714 = arith.select %gt3A_1712, %gather3A_1683, %gather3A_1688 : vector<16xi1>, vector<16xf32>
      %select_n3A_1715 = arith.select %gt3A_1712, %sub3A_1686, %sub3A_1681 : vector<16xi1>, vector<16xi32>
      %select_n3A_1716 = arith.select %gt3A_1712, %sub3A_1681, %sub3A_1686 : vector<16xi1>, vector<16xi32>
      %gt3A_1717 = arith.cmpf ogt, %gather3A_1698, %gather3A_1693 : vector<16xf32>
      %select_n3A_1718 = arith.select %gt3A_1717, %gather3A_1698, %gather3A_1693 : vector<16xi1>, vector<16xf32>
      %select_n3A_1719 = arith.select %gt3A_1717, %gather3A_1693, %gather3A_1698 : vector<16xi1>, vector<16xf32>
      %select_n3A_1720 = arith.select %gt3A_1717, %sub3A_1696, %sub3A_1691 : vector<16xi1>, vector<16xi32>
      %select_n3A_1721 = arith.select %gt3A_1717, %sub3A_1691, %sub3A_1696 : vector<16xi1>, vector<16xi32>
      %gt3A_1722 = arith.cmpf ogt, %select_n3A_1703, %select_n3A_1699 : vector<16xf32>
      %select_n3A_1723 = arith.select %gt3A_1722, %select_n3A_1703, %select_n3A_1699 : vector<16xi1>, vector<16xf32>
      %select_n3A_1724 = arith.select %gt3A_1722, %select_n3A_1699, %select_n3A_1703 : vector<16xi1>, vector<16xf32>
      %select_n3A_1725 = arith.select %gt3A_1722, %select_n3A_1705, %select_n3A_1701 : vector<16xi1>, vector<16xi32>
      %select_n3A_1726 = arith.select %gt3A_1722, %select_n3A_1701, %select_n3A_1705 : vector<16xi1>, vector<16xi32>
      %gt3A_1727 = arith.cmpf ogt, %select_n3A_1708, %select_n3A_1704 : vector<16xf32>
      %select_n3A_1728 = arith.select %gt3A_1727, %select_n3A_1708, %select_n3A_1704 : vector<16xi1>, vector<16xf32>
      %select_n3A_1729 = arith.select %gt3A_1727, %select_n3A_1704, %select_n3A_1708 : vector<16xi1>, vector<16xf32>
      %select_n3A_1730 = arith.select %gt3A_1727, %select_n3A_1710, %select_n3A_1706 : vector<16xi1>, vector<16xi32>
      %select_n3A_1731 = arith.select %gt3A_1727, %select_n3A_1706, %select_n3A_1710 : vector<16xi1>, vector<16xi32>
      %gt3A_1732 = arith.cmpf ogt, %select_n3A_1713, %select_n3A_1709 : vector<16xf32>
      %select_n3A_1733 = arith.select %gt3A_1732, %select_n3A_1713, %select_n3A_1709 : vector<16xi1>, vector<16xf32>
      %select_n3A_1734 = arith.select %gt3A_1732, %select_n3A_1709, %select_n3A_1713 : vector<16xi1>, vector<16xf32>
      %select_n3A_1735 = arith.select %gt3A_1732, %select_n3A_1715, %select_n3A_1711 : vector<16xi1>, vector<16xi32>
      %select_n3A_1736 = arith.select %gt3A_1732, %select_n3A_1711, %select_n3A_1715 : vector<16xi1>, vector<16xi32>
      %gt3A_1737 = arith.cmpf ogt, %select_n3A_1718, %select_n3A_1714 : vector<16xf32>
      %select_n3A_1738 = arith.select %gt3A_1737, %select_n3A_1718, %select_n3A_1714 : vector<16xi1>, vector<16xf32>
      %select_n3A_1739 = arith.select %gt3A_1737, %select_n3A_1714, %select_n3A_1718 : vector<16xi1>, vector<16xf32>
      %select_n3A_1740 = arith.select %gt3A_1737, %select_n3A_1720, %select_n3A_1716 : vector<16xi1>, vector<16xi32>
      %select_n3A_1741 = arith.select %gt3A_1737, %select_n3A_1716, %select_n3A_1720 : vector<16xi1>, vector<16xi32>
      %gt3A_1742 = arith.cmpf ogt, %select_n3A_1723, %select_n3A : vector<16xf32>
      %select_n3A_1743 = arith.select %gt3A_1742, %select_n3A_1723, %select_n3A : vector<16xi1>, vector<16xf32>
      %select_n3A_1744 = arith.select %gt3A_1742, %select_n3A, %select_n3A_1723 : vector<16xi1>, vector<16xf32>
      %select_n3A_1745 = arith.select %gt3A_1742, %select_n3A_1725, %select_n3A_1700 : vector<16xi1>, vector<16xi32>
      %select_n3A_1746 = arith.select %gt3A_1742, %select_n3A_1700, %select_n3A_1725 : vector<16xi1>, vector<16xi32>
      %gt3A_1747 = arith.cmpf ogt, %select_n3A_1728, %select_n3A_1724 : vector<16xf32>
      %select_n3A_1748 = arith.select %gt3A_1747, %select_n3A_1728, %select_n3A_1724 : vector<16xi1>, vector<16xf32>
      %select_n3A_1749 = arith.select %gt3A_1747, %select_n3A_1724, %select_n3A_1728 : vector<16xi1>, vector<16xf32>
      %select_n3A_1750 = arith.select %gt3A_1747, %select_n3A_1730, %select_n3A_1726 : vector<16xi1>, vector<16xi32>
      %select_n3A_1751 = arith.select %gt3A_1747, %select_n3A_1726, %select_n3A_1730 : vector<16xi1>, vector<16xi32>
      %gt3A_1752 = arith.cmpf ogt, %select_n3A_1733, %select_n3A_1729 : vector<16xf32>
      %select_n3A_1753 = arith.select %gt3A_1752, %select_n3A_1733, %select_n3A_1729 : vector<16xi1>, vector<16xf32>
      %select_n3A_1754 = arith.select %gt3A_1752, %select_n3A_1729, %select_n3A_1733 : vector<16xi1>, vector<16xf32>
      %select_n3A_1755 = arith.select %gt3A_1752, %select_n3A_1735, %select_n3A_1731 : vector<16xi1>, vector<16xi32>
      %select_n3A_1756 = arith.select %gt3A_1752, %select_n3A_1731, %select_n3A_1735 : vector<16xi1>, vector<16xi32>
      %gt3A_1757 = arith.cmpf ogt, %select_n3A_1738, %select_n3A_1734 : vector<16xf32>
      %select_n3A_1758 = arith.select %gt3A_1757, %select_n3A_1738, %select_n3A_1734 : vector<16xi1>, vector<16xf32>
      %select_n3A_1759 = arith.select %gt3A_1757, %select_n3A_1734, %select_n3A_1738 : vector<16xi1>, vector<16xf32>
      %select_n3A_1760 = arith.select %gt3A_1757, %select_n3A_1740, %select_n3A_1736 : vector<16xi1>, vector<16xi32>
      %select_n3A_1761 = arith.select %gt3A_1757, %select_n3A_1736, %select_n3A_1740 : vector<16xi1>, vector<16xi32>
      %gt3A_1762 = arith.cmpf ogt, %select_n3A_1719, %select_n3A_1739 : vector<16xf32>
      %select_n3A_1763 = arith.select %gt3A_1762, %select_n3A_1719, %select_n3A_1739 : vector<16xi1>, vector<16xf32>
      %select_n3A_1764 = arith.select %gt3A_1762, %select_n3A_1739, %select_n3A_1719 : vector<16xi1>, vector<16xf32>
      %select_n3A_1765 = arith.select %gt3A_1762, %select_n3A_1721, %select_n3A_1741 : vector<16xi1>, vector<16xi32>
      %select_n3A_1766 = arith.select %gt3A_1762, %select_n3A_1741, %select_n3A_1721 : vector<16xi1>, vector<16xi32>
      %gt3A_1767 = arith.cmpf ogt, %select_n3A_1748, %select_n3A_1744 : vector<16xf32>
      %select_n3A_1768 = arith.select %gt3A_1767, %select_n3A_1748, %select_n3A_1744 : vector<16xi1>, vector<16xf32>
      %select_n3A_1769 = arith.select %gt3A_1767, %select_n3A_1744, %select_n3A_1748 : vector<16xi1>, vector<16xf32>
      %select_n3A_1770 = arith.select %gt3A_1767, %select_n3A_1750, %select_n3A_1746 : vector<16xi1>, vector<16xi32>
      %select_n3A_1771 = arith.select %gt3A_1767, %select_n3A_1746, %select_n3A_1750 : vector<16xi1>, vector<16xi32>
      %gt3A_1772 = arith.cmpf ogt, %select_n3A_1753, %select_n3A_1749 : vector<16xf32>
      %select_n3A_1773 = arith.select %gt3A_1772, %select_n3A_1753, %select_n3A_1749 : vector<16xi1>, vector<16xf32>
      %select_n3A_1774 = arith.select %gt3A_1772, %select_n3A_1749, %select_n3A_1753 : vector<16xi1>, vector<16xf32>
      %select_n3A_1775 = arith.select %gt3A_1772, %select_n3A_1755, %select_n3A_1751 : vector<16xi1>, vector<16xi32>
      %select_n3A_1776 = arith.select %gt3A_1772, %select_n3A_1751, %select_n3A_1755 : vector<16xi1>, vector<16xi32>
      %gt3A_1777 = arith.cmpf ogt, %select_n3A_1758, %select_n3A_1754 : vector<16xf32>
      %select_n3A_1778 = arith.select %gt3A_1777, %select_n3A_1758, %select_n3A_1754 : vector<16xi1>, vector<16xf32>
      %select_n3A_1779 = arith.select %gt3A_1777, %select_n3A_1754, %select_n3A_1758 : vector<16xi1>, vector<16xf32>
      %select_n3A_1780 = arith.select %gt3A_1777, %select_n3A_1760, %select_n3A_1756 : vector<16xi1>, vector<16xi32>
      %select_n3A_1781 = arith.select %gt3A_1777, %select_n3A_1756, %select_n3A_1760 : vector<16xi1>, vector<16xi32>
      %gt3A_1782 = arith.cmpf ogt, %select_n3A_1763, %select_n3A_1759 : vector<16xf32>
      %select_n3A_1783 = arith.select %gt3A_1782, %select_n3A_1763, %select_n3A_1759 : vector<16xi1>, vector<16xf32>
      %select_n3A_1784 = arith.select %gt3A_1782, %select_n3A_1759, %select_n3A_1763 : vector<16xi1>, vector<16xf32>
      %select_n3A_1785 = arith.select %gt3A_1782, %select_n3A_1765, %select_n3A_1761 : vector<16xi1>, vector<16xi32>
      %select_n3A_1786 = arith.select %gt3A_1782, %select_n3A_1761, %select_n3A_1765 : vector<16xi1>, vector<16xi32>
      %sub3A_1787 = arith.subf %select_n3A_1743, %select_n3A_1743 : vector<16xf32>
      %exp3A = math.exp %sub3A_1787 : vector<16xf32>
      %sub3A_1788 = arith.subf %select_n3A_1768, %select_n3A_1743 : vector<16xf32>
      %exp3A_1789 = math.exp %sub3A_1788 : vector<16xf32>
      %sub3A_1790 = arith.subf %select_n3A_1769, %select_n3A_1743 : vector<16xf32>
      %exp3A_1791 = math.exp %sub3A_1790 : vector<16xf32>
      %sub3A_1792 = arith.subf %select_n3A_1773, %select_n3A_1743 : vector<16xf32>
      %exp3A_1793 = math.exp %sub3A_1792 : vector<16xf32>
      %sub3A_1794 = arith.subf %select_n3A_1774, %select_n3A_1743 : vector<16xf32>
      %exp3A_1795 = math.exp %sub3A_1794 : vector<16xf32>
      %sub3A_1796 = arith.subf %select_n3A_1778, %select_n3A_1743 : vector<16xf32>
      %exp3A_1797 = math.exp %sub3A_1796 : vector<16xf32>
      %sub3A_1798 = arith.subf %select_n3A_1779, %select_n3A_1743 : vector<16xf32>
      %exp3A_1799 = math.exp %sub3A_1798 : vector<16xf32>
      %sub3A_1800 = arith.subf %select_n3A_1783, %select_n3A_1743 : vector<16xf32>
      %exp3A_1801 = math.exp %sub3A_1800 : vector<16xf32>
      %add3A_1802 = arith.addf %exp3A, %exp3A_1789 : vector<16xf32>
      %add3A_1803 = arith.addf %add3A_1802, %exp3A_1791 : vector<16xf32>
      %add3A_1804 = arith.addf %add3A_1803, %exp3A_1793 : vector<16xf32>
      %add3A_1805 = arith.addf %add3A_1804, %exp3A_1795 : vector<16xf32>
      %add3A_1806 = arith.addf %add3A_1805, %exp3A_1797 : vector<16xf32>
      %add3A_1807 = arith.addf %add3A_1806, %exp3A_1799 : vector<16xf32>
      %add3A_1808 = arith.addf %add3A_1807, %exp3A_1801 : vector<16xf32>
      %div3A = arith.constant 1.000000e+00 : f32
      %div3A_1809 = vector.broadcast %div3A : f32 to vector<16xf32>
      %div3A_1810 = arith.divf %div3A_1809, %add3A_1808 : vector<16xf32>
      %mul3A_1811 = arith.constant 8 : i32
      %mul3A_1812 = vector.broadcast %mul3A_1811 : i32 to vector<16xi32>
      %mul3A_1813 = arith.muli %add3A_31, %mul3A_1812 : vector<16xi32>
      %add3A_1814 = arith.constant 0 : i32
      %add3A_1815 = vector.broadcast %add3A_1814 : i32 to vector<16xi32>
      %add3A_1816 = arith.addi %mul3A_1813, %add3A_1815 : vector<16xi32>
      tpu.vector_store_idx %arg6[%add3A_1816], %select_n3A_1745 : memref<8192xi32, #tpu.memory_space<vmem>>[vector<16xi32>], vector<16xi32>,
      %add3A_1817 = arith.constant 0 : i32
      %add3A_1818 = vector.broadcast %add3A_1817 : i32 to vector<16xi32>
      %add3A_1819 = arith.addi %mul3A_1813, %add3A_1818 : vector<16xi32>
      %mul3A_1820 = arith.mulf %exp3A, %div3A_1810 : vector<16xf32>
      tpu.vector_store_idx %arg7[%add3A_1819], %mul3A_1820 : memref<8192xf32, #tpu.memory_space<vmem>>[vector<16xi32>], vector<16xf32>,
      %add3A_1821 = arith.constant 1 : i32
      %add3A_1822 = vector.broadcast %add3A_1821 : i32 to vector<16xi32>
      %add3A_1823 = arith.addi %mul3A_1813, %add3A_1822 : vector<16xi32>
      tpu.vector_store_idx %arg6[%add3A_1823], %select_n3A_1770 : memref<8192xi32, #tpu.memory_space<vmem>>[vector<16xi32>], vector<16xi32>,
      %add3A_1824 = arith.constant 1 : i32
      %add3A_1825 = vector.broadcast %add3A_1824 : i32 to vector<16xi32>
      %add3A_1826 = arith.addi %mul3A_1813, %add3A_1825 : vector<16xi32>
      %mul3A_1827 = arith.mulf %exp3A_1789, %div3A_1810 : vector<16xf32>
      tpu.vector_store_idx %arg7[%add3A_1826], %mul3A_1827 : memref<8192xf32, #tpu.memory_space<vmem>>[vector<16xi32>], vector<16xf32>,
      %add3A_1828 = arith.constant 2 : i32
      %add3A_1829 = vector.broadcast %add3A_1828 : i32 to vector<16xi32>
      %add3A_1830 = arith.addi %mul3A_1813, %add3A_1829 : vector<16xi32>
      tpu.vector_store_idx %arg6[%add3A_1830], %select_n3A_1771 : memref<8192xi32, #tpu.memory_space<vmem>>[vector<16xi32>], vector<16xi32>,
      %add3A_1831 = arith.constant 2 : i32
      %add3A_1832 = vector.broadcast %add3A_1831 : i32 to vector<16xi32>
      %add3A_1833 = arith.addi %mul3A_1813, %add3A_1832 : vector<16xi32>
      %mul3A_1834 = arith.mulf %exp3A_1791, %div3A_1810 : vector<16xf32>
      tpu.vector_store_idx %arg7[%add3A_1833], %mul3A_1834 : memref<8192xf32, #tpu.memory_space<vmem>>[vector<16xi32>], vector<16xf32>,
      %add3A_1835 = arith.constant 3 : i32
      %add3A_1836 = vector.broadcast %add3A_1835 : i32 to vector<16xi32>
      %add3A_1837 = arith.addi %mul3A_1813, %add3A_1836 : vector<16xi32>
      tpu.vector_store_idx %arg6[%add3A_1837], %select_n3A_1775 : memref<8192xi32, #tpu.memory_space<vmem>>[vector<16xi32>], vector<16xi32>,
      %add3A_1838 = arith.constant 3 : i32
      %add3A_1839 = vector.broadcast %add3A_1838 : i32 to vector<16xi32>
      %add3A_1840 = arith.addi %mul3A_1813, %add3A_1839 : vector<16xi32>
      %mul3A_1841 = arith.mulf %exp3A_1793, %div3A_1810 : vector<16xf32>
      tpu.vector_store_idx %arg7[%add3A_1840], %mul3A_1841 : memref<8192xf32, #tpu.memory_space<vmem>>[vector<16xi32>], vector<16xf32>,
      %add3A_1842 = arith.constant 4 : i32
      %add3A_1843 = vector.broadcast %add3A_1842 : i32 to vector<16xi32>
      %add3A_1844 = arith.addi %mul3A_1813, %add3A_1843 : vector<16xi32>
      tpu.vector_store_idx %arg6[%add3A_1844], %select_n3A_1776 : memref<8192xi32, #tpu.memory_space<vmem>>[vector<16xi32>], vector<16xi32>,
      %add3A_1845 = arith.constant 4 : i32
      %add3A_1846 = vector.broadcast %add3A_1845 : i32 to vector<16xi32>
      %add3A_1847 = arith.addi %mul3A_1813, %add3A_1846 : vector<16xi32>
      %mul3A_1848 = arith.mulf %exp3A_1795, %div3A_1810 : vector<16xf32>
      tpu.vector_store_idx %arg7[%add3A_1847], %mul3A_1848 : memref<8192xf32, #tpu.memory_space<vmem>>[vector<16xi32>], vector<16xf32>,
      %add3A_1849 = arith.constant 5 : i32
      %add3A_1850 = vector.broadcast %add3A_1849 : i32 to vector<16xi32>
      %add3A_1851 = arith.addi %mul3A_1813, %add3A_1850 : vector<16xi32>
      tpu.vector_store_idx %arg6[%add3A_1851], %select_n3A_1780 : memref<8192xi32, #tpu.memory_space<vmem>>[vector<16xi32>], vector<16xi32>,
      %add3A_1852 = arith.constant 5 : i32
      %add3A_1853 = vector.broadcast %add3A_1852 : i32 to vector<16xi32>
      %add3A_1854 = arith.addi %mul3A_1813, %add3A_1853 : vector<16xi32>
      %mul3A_1855 = arith.mulf %exp3A_1797, %div3A_1810 : vector<16xf32>
      tpu.vector_store_idx %arg7[%add3A_1854], %mul3A_1855 : memref<8192xf32, #tpu.memory_space<vmem>>[vector<16xi32>], vector<16xf32>,
      %add3A_1856 = arith.constant 6 : i32
      %add3A_1857 = vector.broadcast %add3A_1856 : i32 to vector<16xi32>
      %add3A_1858 = arith.addi %mul3A_1813, %add3A_1857 : vector<16xi32>
      tpu.vector_store_idx %arg6[%add3A_1858], %select_n3A_1781 : memref<8192xi32, #tpu.memory_space<vmem>>[vector<16xi32>], vector<16xi32>,
      %add3A_1859 = arith.constant 6 : i32
      %add3A_1860 = vector.broadcast %add3A_1859 : i32 to vector<16xi32>
      %add3A_1861 = arith.addi %mul3A_1813, %add3A_1860 : vector<16xi32>
      %mul3A_1862 = arith.mulf %exp3A_1799, %div3A_1810 : vector<16xf32>
      tpu.vector_store_idx %arg7[%add3A_1861], %mul3A_1862 : memref<8192xf32, #tpu.memory_space<vmem>>[vector<16xi32>], vector<16xf32>,
      %add3A_1863 = arith.constant 7 : i32
      %add3A_1864 = vector.broadcast %add3A_1863 : i32 to vector<16xi32>
      %add3A_1865 = arith.addi %mul3A_1813, %add3A_1864 : vector<16xi32>
      tpu.vector_store_idx %arg6[%add3A_1865], %select_n3A_1785 : memref<8192xi32, #tpu.memory_space<vmem>>[vector<16xi32>], vector<16xi32>,
      %add3A_1866 = arith.constant 7 : i32
      %add3A_1867 = vector.broadcast %add3A_1866 : i32 to vector<16xi32>
      %add3A_1868 = arith.addi %mul3A_1813, %add3A_1867 : vector<16xi32>
      %mul3A_1869 = arith.mulf %exp3A_1801, %div3A_1810 : vector<16xf32>
      tpu.vector_store_idx %arg7[%add3A_1868], %mul3A_1869 : memref<8192xf32, #tpu.memory_space<vmem>>[vector<16xi32>], vector<16xf32>,
    }
    %scan3A_18 = arith.constant 64 : i32
    %mul3A_19 = arith.constant 1024 : i32
    %mul3A_20 = arith.muli %add3A, %mul3A_19 : i32
    %mul3A_21 = arith.constant 8 : i32
    %mul3A_22 = arith.muli %mul3A_20, %mul3A_21 : i32
    "tpu.region"() ({
      %run_scoped3A = tpu.sem_alloc : memref<!tpu.dma_semaphore, #tpu.memory_space<semaphore_mem>>
      %dma_start3A = tpu.memref_slice %arg3[%mul3A_22] : memref<262144xi32, #tpu.memory_space<hbm>> -> memref<8192xi32, #tpu.memory_space<hbm>>
      %dma_start3A_27 = tpu.memref_slice %arg3[%mul3A_22] : memref<262144xi32, #tpu.memory_space<hbm>> -> memref<8192xi32, #tpu.memory_space<hbm>>
      tpu.enqueue_dma source(%arg6 : memref<8192xi32, #tpu.memory_space<vmem>>) target(%dma_start3A_27 : memref<8192xi32, #tpu.memory_space<hbm>>) target_semaphore(%run_scoped3A : memref<!tpu.dma_semaphore, #tpu.memory_space<semaphore_mem>>)
      %dma_wait3A = tpu.memref_slice %arg3[%mul3A_22] : memref<262144xi32, #tpu.memory_space<hbm>> -> memref<8192xi32, #tpu.memory_space<hbm>>
      %dma_wait3A_28 = tpu.memref_slice %arg3[%mul3A_22] : memref<262144xi32, #tpu.memory_space<hbm>> -> memref<8192xi32, #tpu.memory_space<hbm>>
      tpu.wait_dma2 semaphore(%run_scoped3A : memref<!tpu.dma_semaphore, #tpu.memory_space<semaphore_mem>>) src(%arg6 : memref<8192xi32, #tpu.memory_space<vmem>>) dst(%dma_wait3A_28 : memref<8192xi32, #tpu.memory_space<hbm>>)
      tpu.yield
    }) : () -> ()
    %mul3A_23 = arith.constant 1024 : i32
    %mul3A_24 = arith.muli %add3A, %mul3A_23 : i32
    %mul3A_25 = arith.constant 8 : i32
    %mul3A_26 = arith.muli %mul3A_24, %mul3A_25 : i32
    "tpu.region"() ({
      %run_scoped3A = tpu.sem_alloc : memref<!tpu.dma_semaphore, #tpu.memory_space<semaphore_mem>>
      %dma_start3A = tpu.memref_slice %arg4[%mul3A_26] : memref<262144xf32, #tpu.memory_space<hbm>> -> memref<8192xf32, #tpu.memory_space<hbm>>
      %dma_start3A_27 = tpu.memref_slice %arg4[%mul3A_26] : memref<262144xf32, #tpu.memory_space<hbm>> -> memref<8192xf32, #tpu.memory_space<hbm>>
      tpu.enqueue_dma source(%arg7 : memref<8192xf32, #tpu.memory_space<vmem>>) target(%dma_start3A_27 : memref<8192xf32, #tpu.memory_space<hbm>>) target_semaphore(%run_scoped3A : memref<!tpu.dma_semaphore, #tpu.memory_space<semaphore_mem>>)
      %dma_wait3A = tpu.memref_slice %arg4[%mul3A_26] : memref<262144xf32, #tpu.memory_space<hbm>> -> memref<8192xf32, #tpu.memory_space<hbm>>
      %dma_wait3A_28 = tpu.memref_slice %arg4[%mul3A_26] : memref<262144xf32, #tpu.memory_space<hbm>> -> memref<8192xf32, #tpu.memory_space<hbm>>
      tpu.wait_dma2 semaphore(%run_scoped3A : memref<!tpu.dma_semaphore, #tpu.memory_space<semaphore_mem>>) src(%arg7 : memref<8192xf32, #tpu.memory_space<vmem>>) dst(%dma_wait3A_28 : memref<8192xf32, #tpu.memory_space<hbm>>)
      tpu.yield
    }) : () -> ()
    return
  }
}

module attributes {stable_mosaic.version = 14 : i64} {
  func.func @_matmul_body(%arg0: i32, %arg1: memref<1024x4096xf32, #tpu.memory_space<vmem>>, %arg2: memref<64x4096xf32, #tpu.memory_space<vmem>>, %arg3: memref<1024x64xf32, #tpu.memory_space<vmem>>) attributes {dimension_semantics = [#tpu.dimension_semantics<arbitrary>], iteration_bounds = array<i64: 32>, scalar_prefetch = 0 : i64, scratch_operands = 0 : i64, tpu.core_type = #tpu.core_type<tc>, window_params = [{transform_indices = @transform_0, window_bounds = array<i64: 1024, 4096>}, {pipeline_mode = #tpu.pipeline_mode<synchronous>, transform_indices = @transform_1, window_bounds = array<i64: 64, 4096>}, {transform_indices = @transform_2, window_bounds = array<i64: 1024, 64>}]} {
    %get3A = arith.constant 0 : index
    %get3A_0 = arith.constant 0 : index
    %get3A_1 = vector.load %arg1[%get3A, %get3A_0] : memref<1024x4096xf32, #tpu.memory_space<vmem>>, vector<1024x4096xf32>
    %get3A_2 = arith.constant 0 : index
    %get3A_3 = arith.constant 0 : index
    %get3A_4 = vector.load %arg2[%get3A_2, %get3A_3] : memref<64x4096xf32, #tpu.memory_space<vmem>>, vector<64x4096xf32>
    %dot_general3A = arith.constant dense<0.000000e+00> : vector<1024x64xf32>
    %dot_general3A_5 = tpu.matmul %get3A_1, %get3A_4, %dot_general3A {dimension_numbers = #tpu.dot_dimension_numbers<[1], [1], [0], [0], [0, 0, 1, 0], [], []>, transpose_lhs_hint = false} : vector<1024x4096xf32>, vector<64x4096xf32>, vector<1024x64xf32> -> vector<1024x64xf32>
    %swap3A = arith.constant 0 : index
    %swap3A_6 = arith.constant 0 : index
    %swap3A_7 = vector.load %arg3[%swap3A, %swap3A_6] : memref<1024x64xf32, #tpu.memory_space<vmem>>, vector<1024x64xf32>
    tpu.vector_store %arg3[%swap3A, %swap3A_6], %dot_general3A_5 {strides = array<i32>} : memref<1024x64xf32, #tpu.memory_space<vmem>>, vector<1024x64xf32>,
    return
  }
  func.func @transform_0(%arg0: i32) -> (i32, i32) {
    %c0_i32 = arith.constant 0 : i32
    %c0_i32_0 = arith.constant 0 : i32
    return %arg0, %c0_i32 : i32, i32
  }
  func.func @transform_1(%arg0: i32) -> (i32, i32) {
    %c0_i32 = arith.constant 0 : i32
    %c0_i32_0 = arith.constant 0 : i32
    %c0_i32_1 = arith.constant 0 : i32
    return %c0_i32, %c0_i32_0 : i32, i32
  }
  func.func @transform_2(%arg0: i32) -> (i32, i32) {
    %c0_i32 = arith.constant 0 : i32
    %c0_i32_0 = arith.constant 0 : i32
    return %arg0, %c0_i32 : i32, i32
  }
}

</mosaic_0001>

<sc_bundles>
// kernel: kernel.4.cloned.1.call-start
scs
__scs_entry_jumppad:
0x0: {  	(pc) =	sbr.rel $0x88, $3  }
0x1: {  	(tag) =	ssettag $0x0;
	lr =	simm.s32 $0x1  }
0x2: {  	[smem:$0x3F9F] =	sst lr;
	_ =	strace $0xD0000000  }
0x3: {  	_ = 	snop  }
0x4: {  	_ = 	snop  }
0x5: {  	_ = 	snop  }
0x6: {  	_ = 	snop  }
0x7: {  	_ = 	snop  }
__scs_overlays_trampoline_lowered:
0x8: {  	[smem:$0x3FAE] =	sst s0  }
0x9: {  	[smem:$0x3FAF] =	sst s1  }
0xa: {  	[smem:$0x3FB0] =	sst s2  }
0xb: {  	[smem:$0x3FB1] =	sst s3  }
0xc: {  	[smem:$0x3FB2] =	sst s4  }
0xd: {  	[smem:$0x3FB3] =	sst s5  }
0xe: {  	[smem:$0x3FB4] =	sst s6  }
0xf: {  	[smem:$0x3FB5] =	sst s7  }
0x10: {  	[smem:$0x3FB6] =	sst s8  }
0x11: {  	[smem:$0x3FB7] =	sst s9;
	s0 =	simm.s32 @!p0 $0x0  }
0x12: {  	s1 =	sld [smem:$0x3F9D];
	s0 =	simm.s32 @p0 $0x1  }
0x13: {  	[smem:$0x3FB8] =	sst s0;
	s0 =	simm.s32 @!p1 $0x0  }
0x14: {  	s2 =	sld [smem:$0x3F9C];
	s0 =	simm.s32 @p1 $0x1  }
0x15: {  	[smem:$0x3FB9] =	sst s0;
	s0 =	simm.s32 @!p2 $0x0  }
0x16: {  	s3 =	sld [smem:$0x3FDB];
	s0 =	simm.s32 @p2 $0x1  }
0x17: {  	s4 =	simm.s32 $0x1BF5;
	[smem:$0x3FBB] =	sst s0  }
0x18: {  	s0 =	sld [smem:$0x3F9E];
	_ =	swait.ge [sflag:s4], $0x0  }
0x19: {  	s7 =	sld [smem:$0x3F9F]  }
0x1a: {  	s8 =	sadd.s32 $0xFFFFE003, lr  }
0x1b: {  	s9 =	sadd.s32 $0xFFFFFEF7, lr;
	s5 =	simm.s32 $0xFFFFFFFF;
	p2 =	slt.u32 s8, $0xFFFFF086  }
0x1c: {  	p1 =	slt.u32 s9, $0xF7A;
	s5 =	simm.s32 @!p2 $0x0  }
0x1d: {  	s5 =	simm.s32 @p1 $0x1;
	p0 =	seq.s32 s7, s2  }
0x1e: {  	s7 =	smul.u32 @!p0 $0xF7A, s2;
	p2 =	seq.s32 @!p0 s5, $0x0  }
0x1f: {  	s9 =	smul.u32 $0xF7A, s1;
	s8 =	simm.s32 @!p0 $0x1BF5;
	p2 =	por !p2, p0  }
0x20: {  	[sflag:s8] =	ssyncset.s32 @!p0 $0xFFFFF086;
	s6 =	sadd.s32 @!p0 s3, s7;
	s7 =	simm.s32 @!p0 $0x108  }
0x21: {  	s3 =	sadd.s32 s3, s9;
	s6 =	sadd.s32 @!p0 $0x88, s6;
	s7 =	simm.s32 @p2 $0x1082  }
0x22: {  	[simem:s7], [sflag:s8] =	dma.local @!p0 [hbm:s6], $0xF7A  }
0x23: {  	s9 =	sor.u32 $0xD0000000, s2;
	s6 =	simm.s32 $0x108;
	_ =	swait.ge @!p0 [sflag:s8], $0x0  }
0x24: {  	s3 =	sadd.s32 $0x88, s3;
	s6 =	simm.s32 @!p1 $0x1082;
	[sflag:s4] =	ssyncset.s32 $0xFFFFF086  }
0x25: {  	[simem:s6], [sflag:s4] =	dma.local [hbm:s3], $0xF7A  }
0x26: {  	[smem:$0x3F9F] =	sst s1;
	(tag) =	ssettag s2;
	_ =	strace s9  }
0x27: {  	s1 =	sld [smem:$0x3FAF]  }
0x28: {  	s2 =	sld [smem:$0x3FB0]  }
0x29: {  	s4 =	sld [smem:$0x3FB2]  }
0x2a: {  	p0 =	seq.s32 s5, $0x0;
	s5 =	sld [smem:$0x3FB3]  }
0x2b: {  	s6 =	sld [smem:$0x3FB4]  }
0x2c: {  	s7 =	sld [smem:$0x3FB5]  }
0x2d: {  	s3 =	simm.s32 $0x108;
	s8 =	sld [smem:$0x3FB6]  }
0x2e: {  	s3 =	simm.s32 @!p0 $0x1082;
	s9 =	sld [smem:$0x3FB7]  }
0x2f: {  	lr =	sadd.s32 s0, s3;
	s0 =	sld [smem:$0x3FAE]  }
0x30: {  	s3 =	sld [smem:$0x3FB1]  }
0x31: {  	[smem:$0x3FBA] =	sst s10  }
0x32: {  	s10 =	sld [smem:$0x3FB8];
	_ =	sdelay $0x3  }
0x33: {  	p0 =	seq.s32 s10, $0x1;
	s10 =	sld [smem:$0x3FBA];
	_ =	sdelay $0x3  }
0x34: {  	[smem:$0x3FBA] =	sst s10  }
0x35: {  	s10 =	sld [smem:$0x3FB9];
	_ =	sdelay $0x3  }
0x36: {  	p1 =	seq.s32 s10, $0x1;
	s10 =	sld [smem:$0x3FBA];
	_ =	sdelay $0x3  }
0x37: {  	[smem:$0x3FBA] =	sst s10  }
0x38: {  	s10 =	sld [smem:$0x3FBB]  }
0x39: {  	_ = 	snop;
	(pc) =	sbr.ind lr, $3  }
0x3a: {  	_ = 	snop  }
0x3b: {  	_ = 	snop  }
0x3c: {  	p2 =	seq.s32 s10, $0x1;
	s10 =	sld [smem:$0x3FBA]  }
0x3d: {  	_ =	shalt  }
0x3e: {  	_ =	shalt  }
0x3f: {  	_ =	shalt  }
0x40: {  	_ =	shalt  }
0x41: {  	_ =	shalt  }
0x42: {  	_ =	shalt  }
0x43: {  	_ =	shalt  }
0x44: {  	_ =	shalt  }
0x45: {  	_ =	shalt  }
0x46: {  	_ =	shalt  }
0x47: {  	_ =	shalt  }
0x48: {  	_ =	shalt  }
0x49: {  	_ =	shalt  }
0x4a: {  	_ =	shalt  }
0x4b: {  	_ =	shalt  }
0x4c: {  	_ =	shalt  }
0x4d: {  	_ =	shalt  }
0x4e: {  	_ =	shalt  }
0x4f: {  	_ =	shalt  }
0x50: {  	_ =	shalt  }
0x51: {  	_ =	shalt  }
0x52: {  	_ =	shalt  }
0x53: {  	_ =	shalt  }
0x54: {  	_ =	shalt  }
0x55: {  	_ =	shalt  }
0x56: {  	_ =	shalt  }
0x57: {  	_ =	shalt  }
0x58: {  	_ =	shalt  }
0x59: {  	_ =	shalt  }
0x5a: {  	_ =	shalt  }
0x5b: {  	_ =	shalt  }
0x5c: {  	_ =	shalt  }
0x5d: {  	_ =	shalt  }
0x5e: {  	_ =	shalt  }
0x5f: {  	_ =	shalt  }
0x60: {  	_ =	shalt  }
0x61: {  	_ =	shalt  }
0x62: {  	_ =	shalt  }
0x63: {  	_ =	shalt  }
0x64: {  	_ =	shalt  }
0x65: {  	_ =	shalt  }
0x66: {  	_ =	shalt  }
0x67: {  	_ =	shalt  }
0x68: {  	_ =	shalt  }
0x69: {  	_ =	shalt  }
0x6a: {  	_ =	shalt  }
0x6b: {  	_ =	shalt  }
0x6c: {  	_ =	shalt  }
0x6d: {  	_ =	shalt  }
0x6e: {  	_ =	shalt  }
0x6f: {  	_ =	shalt  }
0x70: {  	_ =	shalt  }
0x71: {  	_ =	shalt  }
0x72: {  	_ =	shalt  }
0x73: {  	_ =	shalt  }
0x74: {  	_ =	shalt  }
0x75: {  	_ =	shalt  }
0x76: {  	_ =	shalt  }
0x77: {  	_ =	shalt  }
0x78: {  	_ =	shalt  }
0x79: {  	_ =	shalt  }
0x7a: {  	_ =	shalt  }
0x7b: {  	_ =	shalt  }
0x7c: {  	_ =	shalt  }
0x7d: {  	_ =	shalt  }
0x7e: {  	_ =	shalt  }
0x7f: {  	_ =	shalt  }
0x80: {  	_ =	shalt  }
0x81: {  	_ =	shalt  }
0x82: {  	_ =	shalt  }
0x83: {  	_ =	shalt  }
0x84: {  	_ =	shalt  }
0x85: {  	_ =	shalt  }
0x86: {  	_ =	shalt  }
0x87: {  	_ =	shalt  }
.Lfunc_end0:
.L_simem_size_0:
called_computation_lowered:
.L_overlay_start_0:
0x88: {  	s2 =	sld [smem:$0x3FD9]  }
0x89: {  	s3 =	sld [smem:$0x3FFE];
	_ =	sdelay $0x1  }
0x8a: {  	s1 =	srdreg.scid  }
0x8b: {  	s0 =	sand.u32 $0x1, s1  }
0x8c: {  	s14 =	sshll.u32 s0, $0xA;
	s2 =	sadd.s32 s3, s2  }
0x8d: {  	s2 =	sadd.s32 s2, s14  }
0x8e: {  	[smem:$0x3FC6] =	sst s2  }
0x8f: {  	_ = 	snop  }
0x90: {  	s2 =	sld [smem:$0x3FD0];
	_ =	sdelay $0x2  }
0x91: {  	s15 =	simm.s32 $0xA;
	s4 =	simm.s32 $0x10  }
0x92: {  	[smem:s4], [sflag:s15] =	dma.local [hbm:s2], $0x1  }
0x93: {  	_ =	swait.eq [sflag:s15], $0x1  }
0x94: {  	[sflag:s15] =	ssyncset.done $0x0  }
0x95: {  	[sflag:s15] =	ssyncadd.s32 $0xFFFFFFFF  }
0x96: {  	s16 =	sld [smem:$0x11];
	(tm) =	ssettm $0x1  }
0x97: {  	s17 =	sld [smem:$0x3FFB];
	_ =	sdelay $0x3  }
0x98: {  	_ =	strace s17  }
0x99: {  	s3 =	sld [smem:$0x3FFC];
	_ =	sdelay $0x3  }
0x9a: {  	_ =	strace s3  }
0x9b: {  	s3 =	sld [smem:$0x3FFD];
	_ =	sdelay $0x3  }
0x9c: {  	_ =	strace s3  }
0x9d: {  	_ =	strace $0x8FFFFFFF  }
0x9e: {  	s18 =	sld [smem:$0x3FDB];
	_ =	sdelay $0x1  }
0x9f: {  	s19 =	simm.s32 $_scs_section_size  }
0xa0: {  	s5 =	simm.s32 $_size__tile_overlayer_lowered;
	s6 =	simm.s32 $_tile_overlayer_lowered  }
0xa1: {  	s22 =	simm.s32 $0x1BFF;
	s21 =	sshll.u32 s6, $0x1;
	s3 =	sadd.s32 s19, s18  }
0xa2: {  	s7 =	simm.s32 $0x0;
	s20 =	sshll.u32 s5, $0x1;
	s5 =	sadd.s32 s21, s3  }
0xa3: {  	[timem:s7], [sflag:s22] =	dma.local [hbm:s5], s20  }
0xa4: {  	_ =	swait.ge [sflag:s22], s20  }
0xa5: {  	s4 =	ssub.s32 $0x0, s20;
	[sflag:s22] =	ssyncset.done $0x0  }
0xa6: {  	[sflag:s22] =	ssyncadd.s32 s4;
	_ =	sdelay $0x1  }
0xa7: {  	s23 =	simm.s32 $0x1B8B  }
0xa8: {  	_ =	swait.ge [sflag:s23], $0x1  }
0xa9: {  	[sflag:s23] =	ssyncset.done $0x0  }
0xaa: {  	s25 =	simm.s32 $0x1B8E;
	s24 =	sld [smem:$0x3FFE];
	[sflag:s23] =	ssyncadd.s32 $0xFFFFFFFF  }
0xab: {  	s26 =	simm.s32 $execute0_lowered;
	[smem:$0x3FD2] =	sst s25  }
0xac: {  	s5 =	sshll.u32 s26, $0x1;
	_ =	strace $0x80000046;
	[dreg:$0x1] =	wrdreg $0xFFFFFFFF  }
0xad: {  	s28 =	simm.s32 $_size_execute0_lowered;
	s3 =	sadd.s32 s3, s5;
	[dreg:$0x0] =	wrdreg $0x0  }
0xae: {  	s5 =	sshll.u32 s28, $0x1;
	[dreg:$0x2] =	wrdreg s3  }
0xaf: {  	[dreg:$0x3] =	wrdreg s5  }
0xb0: {  	[dreg:$0x4] =	wrdreg $0xC0  }
0xb1: {  	_ =	task [dreg:s7], $0x5FFFF  }
0xb2: {  	[dreg:$0x1] =	wrdreg $0xFFFFFFFF  }
0xb3: {  	[dreg:$0x0] =	wrdreg $0x60  }
0xb4: {  	[dreg:$0x2] =	wrdreg s24  }
0xb5: {  	[dreg:$0x3] =	wrdreg s16  }
0xb6: {  	[dreg:$0x4] =	wrdreg $0x9  }
0xb7: {  	_ =	task.clear_ibuf [dreg:s7], $0x5FFFF;
	_ =	strace $0x90000046  }
0xb8: {  	s29 =	simm.s32 $0x9;
	_ =	strace $0x80000048  }
0xb9: {  	_ =	swait.ge [sflag:s29], $0x1  }
0xba: {  	[sflag:s29] =	ssyncadd.s32 $0xFFFFFFFF  }
0xbb: {  	_ =	strace $0x90000048  }
0xbc: {  	_ =	sfence  }
0xbd: {  	s30 =	sld [smem:$0x0];
	_ =	sdelay $0x2  }
0xbe: {  	s31 =	sshll.u32 s1, $0xD;
	s1 =	sshrl.u32 s1, $0x2  }
0xbf: {  	s3 =	sand.u32 $0x4000, s31;
	s1 =	sadd.s32 s1, s30  }
0xc0: {  	s0 =	sor.u32 s3, s0;
	s1 =	sshll.u32 s1, $0x11  }
0xc1: {  	s0 =	sor.u32 s1, s0  }
0xc2: {  	s0 =	sadd.s32 $0x8F2B, s0  }
0xc3: {  	[sflag:s0] =	ssyncadd.remote.s32 $0x1  }
0xc4: {  	_ =	sfence.sel $0xFFFF  }
0xc5: {  	[dreg:$0x0] =	wrdreg $0xFFFFFFFF;
	(pc) =	sbr.abs _section_cstart, $3  }
0xc6: {  	[dreg:$0x1] =	wrdreg $0xFFFFFFFF  }
0xc7: {  	_ =	task.clear_ibuf [dreg:s7], $0x2FFFF;
	_ =	strace $0x9FFFFFFF  }
0xc8: {  	(tm) =	ssettm $0x7FFFFFFF  }
0xc9: {  	_ =	shalt  }
tec
execute0_lowered:
.L_overlay_start_1:
0x0: {  	(tag) =	ssettag $0x1  }
0x1: {  	s3 =	rddreg [dreg:$0x0]  }
0x2: {  	s4 =	rddreg [dreg:$0x1]  }
0x3: {  	s0 =	rddreg [dreg:$0x2]  }
0x4: {  	s5 =	srdreg.scid;
	s1 =	stileid.u32  }
0x5: {  	s2 =	simm.s32 $0x0;
	s5 =	sand.u32 $0x1, s5;
	s6 =	sshll.u32 s1, $0x1  }
0x6: {  	s10 =	simm.s32 $0x0;
	[smem:$0x7FF] =	sst s2;
	s6 =	sor.u32 s5, s6  }
0x7: {  	_ =	strace $0x80000047;
	s5 =	ssub.s32 $0x2, s5;
	s7 =	sshll.u32 s6, $0xD  }
0x8: {  	s6 =	sshll.u32 s6, $0xA;
	s31 =	sshrl.u32 s5, $0x1;
	s7 =	sadd.s32 s7, s3  }
0x9: {  	s8 =	sadd.s32 s6, s3;
	s9 =	ssub.s32 s5, s31;
	s4 =	sadd.s32 s4, s6  }
0xa: {  	s3 =	sadd.s32 $0xC00, s7;
	s5 =	sadd.s32 $0x40C00, s8;
	s6 =	smax.u32 s9, $0x1  }
0xb: {  	v0 =	vlaneseq.u32;
	s7 =	simm.s32 $0x1;
	s8 =	simm.s32 $0x10000;
	s9 =	simm.s32 $0x12000  }
.LBB2_1:
0xc: {  	[tilespmem:s2], [sflag:$0x1] =	stream.linear.gather [hbm4b:s3+s2], $0x10000, $0x38;
	[tilespmem:$0x14000] =	vst v63  }
0xd: {  	_ =	swait.ge [sflag:s7], $0x10000  }
0xe: {  	[sflag:s7] =	ssyncset.done $0x0  }
0xf: {  	s11 =	simm.s32 $0x0;
	[sflag:s7] =	ssyncadd.s32 $0xFFFF0000  }
.LBB2_2:
0x10: {  	v1 =	vor.u32 s11, v0  }
0x11: {  	v2 =	vshll.u32 v1, $0x6  }
0x12: {  	v3 =	vor.u32 $0x1, v2  }
0x13: {  	v4 =	vor.u32 $0x2, v2  }
0x14: {  	v5 =	vor.u32 $0x3, v2  }
0x15: {  	v6 =	vor.u32 $0x4, v2  }
0x16: {  	v8 =	vor.u32 $0x5, v2;
	v7 =	vld.idx.msk [tilespmem:v2+s2+$0x0], $0xffff  }
0x17: {  	v9 =	vor.u32 $0x6, v2;
	v3 =	vld.idx.msk [tilespmem:v3+s2+$0x0], $0xffff  }
0x18: {  	v10 =	vor.u32 $0x7, v2;
	v4 =	vld.idx.msk [tilespmem:v4+s2+$0x0], $0xffff  }
0x19: {  	v11 =	vor.u32 $0x8, v2;
	v5 =	vld.idx.msk [tilespmem:v5+s2+$0x0], $0xffff  }
0x1a: {  	v12 =	vor.u32 $0x9, v2;
	v6 =	vld.idx.msk [tilespmem:v6+s2+$0x0], $0xffff  }
0x1b: {  	v13 =	vor.u32 $0xA, v2;
	v8 =	vld.idx.msk [tilespmem:v8+s2+$0x0], $0xffff  }
0x1c: {  	v14 =	vor.u32 $0xB, v2;
	v9 =	vld.idx.msk [tilespmem:v9+s2+$0x0], $0xffff  }
0x1d: {  	v15 =	vor.u32 $0xC, v2;
	v10 =	vld.idx.msk [tilespmem:v10+s2+$0x0], $0xffff  }
0x1e: {  	v16 =	vor.u32 $0xD, v2;
	v11 =	vld.idx.msk [tilespmem:v11+s2+$0x0], $0xffff  }
0x1f: {  	v17 =	vor.u32 $0xE, v2;
	v12 =	vld.idx.msk [tilespmem:v12+s2+$0x0], $0xffff  }
0x20: {  	v18 =	vor.u32 $0xF, v2;
	v13 =	vld.idx.msk [tilespmem:v13+s2+$0x0], $0xffff  }
0x21: {  	v19 =	vor.u32 $0x16, v2;
	v14 =	vld.idx.msk [tilespmem:v14+s2+$0x0], $0xffff  }
0x22: {  	v15 =	vld.idx.msk [tilespmem:v15+s2+$0x0], $0xffff  }
0x23: {  	v16 =	vld.idx.msk [tilespmem:v16+s2+$0x0], $0xffff  }
0x24: {  	v46 =	vor.u32 $0x10, v2;
	v48 =	vor.u32 $0x11, v2;
	v17 =	vld.idx.msk [tilespmem:v17+s2+$0x0], $0xffff  }
0x25: {  	v50 =	vor.u32 $0x12, v2;
	v52 =	vor.u32 $0x13, v2;
	v53 =	vor.u32 $0x14, v2;
	v18 =	vld.idx.msk [tilespmem:v18+s2+$0x0], $0xffff  }
0x26: {  	v55 =	vor.u32 $0x15, v2;
	v19 =	vld.idx.msk [tilespmem:v19+s2+$0x0], $0xffff;
	v7 =	vor.u32 $0x3F, v7;
	v3 =	vand.u32 $0xFFFFFFC0, v3  }
0x27: {  	v4 =	vand.u32 $0xFFFFFFC0, v4;
	v5 =	vand.u32 $0xFFFFFFC0, v5;
	v6 =	vand.u32 $0xFFFFFFC0, v6  }
0x28: {  	v8 =	vand.u32 $0xFFFFFFC0, v8;
	v9 =	vand.u32 $0xFFFFFFC0, v9;
	v10 =	vand.u32 $0xFFFFFFC0, v10  }
0x29: {  	v11 =	vand.u32 $0xFFFFFFC0, v11;
	v12 =	vand.u32 $0xFFFFFFC0, v12;
	v13 =	vand.u32 $0xFFFFFFC0, v13  }
0x2a: {  	v14 =	vand.u32 $0xFFFFFFC0, v14;
	v15 =	vand.u32 $0xFFFFFFC0, v15;
	v16 =	vand.u32 $0xFFFFFFC0, v16  }
0x2b: {  	v17 =	vand.u32 $0xFFFFFFC0, v17;
	v18 =	vand.u32 $0xFFFFFFC0, v18;
	v19 =	vand.u32 $0xFFFFFFC0, v19  }
0x2c: {  	v3 =	vor.u32 $0x3E, v3;
	v4 =	vor.u32 $0x3D, v4;
	v5 =	vor.u32 $0x3C, v5  }
0x2d: {  	v6 =	vor.u32 $0x3B, v6;
	v8 =	vor.u32 $0x3A, v8;
	v9 =	vor.u32 $0x39, v9  }
0x2e: {  	v10 =	vor.u32 $0x38, v10;
	v11 =	vor.u32 $0x37, v11;
	v12 =	vor.u32 $0x36, v12  }
0x2f: {  	v13 =	vor.u32 $0x35, v13;
	v14 =	vor.u32 $0x34, v14;
	v15 =	vor.u32 $0x33, v15  }
0x30: {  	v16 =	vor.u32 $0x32, v16;
	v17 =	vor.u32 $0x31, v17;
	v62 =	vor.u32 $0x30, v18  }
0x31: {  	v19 =	vor.u32 $0x29, v19;
	v3 =	vmax.f32 v7, v3;
	v4 =	vmax.f32 v4, v5  }
0x32: {  	v6 =	vmax.f32 v6, v8;
	v9 =	vmax.f32 v9, v10;
	v28 =	vmax.f32 v11, v12  }
0x33: {  	v31 =	vmax.f32 v13, v14;
	v40 =	vmax.f32 v15, v16;
	v5 =	vmax.f32 v17, v62  }
0x34: {  	v7 =	vmin.f32 v3, $-Inf;
	v63 =	vmin.f32 v3, v4;
	v3 =	vmax.f32 v3, v4  }
0x35: {  	v20 =	vmin.f32 v7, v63;
	v21 =	vmax.f32 v7, v63;
	v22 =	vmin.f32 v3, v6  }
0x36: {  	v18 =	vld.idx.msk [tilespmem:v55+s2+$0x0], $0xffff;
	v3 =	vmax.f32 v3, v6;
	v4 =	vmax.f32 v7, v20;
	v23 =	vmin.f32 v21, v22  }
0x37: {  	v13 =	vld.idx.msk [tilespmem:v46+s2+$0x0], $0xffff;
	v7 =	vmax.f32 v21, v22;
	v10 =	vmin.f32 v3, v9;
	v3 =	vmax.f32 v3, v9  }
0x38: {  	v15 =	vld.idx.msk [tilespmem:v50+s2+$0x0], $0xffff;
	v20 =	vor.u32 $0x17, v2;
	v21 =	vor.u32 $0x18, v2;
	v22 =	vor.u32 $0x19, v2  }
0x39: {  	v16 =	vld.idx.msk [tilespmem:v52+s2+$0x0], $0xffff;
	v24 =	vmin.f32 v4, v23;
	v6 =	vmax.f32 v4, v23;
	v25 =	vmin.f32 v7, v10  }
0x3a: {  	v17 =	vld.idx.msk [tilespmem:v53+s2+$0x0], $0xffff;
	v7 =	vmax.f32 v7, v10;
	v29 =	vmin.f32 v3, v28;
	v3 =	vmax.f32 v3, v28  }
0x3b: {  	v23 =	vor.u32 $0x1A, v2;
	v18 =	vand.u32 $0xFFFFFFC0, v18;
	v4 =	vmax.f32 v4, v24  }
0x3c: {  	v26 =	vmin.f32 v6, v25;
	v6 =	vmax.f32 v6, v25;
	v30 =	vmax.f32 v7, v29  }
0x3d: {  	v7 =	vmin.f32 v7, v29;
	v33 =	vmin.f32 v3, v31;
	v3 =	vmax.f32 v3, v31  }
0x3e: {  	v14 =	vld.idx.msk [tilespmem:v48+s2+$0x0], $0xffff;
	v24 =	vor.u32 $0x1B, v2;
	v25 =	vor.u32 $0x1C, v2;
	v13 =	vand.u32 $0xFFFFFFC0, v13  }
0x3f: {  	v15 =	vand.u32 $0xFFFFFFC0, v15;
	v16 =	vand.u32 $0xFFFFFFC0, v16;
	v17 =	vand.u32 $0xFFFFFFC0, v17  }
0x40: {  	v18 =	vor.u32 $0x2A, v18;
	v27 =	vmin.f32 v4, v26;
	v9 =	vmax.f32 v4, v26  }
0x41: {  	v8 =	vmax.f32 v6, v7;
	v6 =	vmin.f32 v6, v7;
	v35 =	vmin.f32 v30, v33  }
0x42: {  	v37 =	vmax.f32 v30, v33;
	v42 =	vmin.f32 v3, v40;
	v3 =	vmax.f32 v3, v40  }
0x43: {  	v26 =	vor.u32 $0x1D, v2;
	v63 =	vor.u32 $0x2F, v13;
	v30 =	vand.u32 $0xFFFFFFC0, v14  }
0x44: {  	v33 =	vor.u32 $0x1E, v2;
	v15 =	vor.u32 $0x2D, v15;
	v16 =	vor.u32 $0x2C, v16  }
0x45: {  	v17 =	vor.u32 $0x2B, v17;
	v4 =	vmax.f32 v4, v27;
	v32 =	vmax.f32 v9, v6  }
0x46: {  	v6 =	vmin.f32 v9, v6;
	v36 =	vmin.f32 v8, v35;
	v8 =	vmax.f32 v8, v35  }
0x47: {  	v43 =	vmin.f32 v37, v42;
	v7 =	vmax.f32 v37, v42;
	v54 =	vmin.f32 v3, v5  }
0x48: {  	v3 =	vmax.f32 v3, v5;
	v13 =	vor.u32 $0x2E, v30;
	v27 =	vor.u32 $0x1F, v2  }
0x49: {  	v15 =	vmax.f32 v15, v16;
	v17 =	vmax.f32 v17, v18;
	v34 =	vmax.f32 v4, v6  }
0x4a: {  	v6 =	vmin.f32 v4, v6;
	v38 =	vmin.f32 v32, v36;
	v44 =	vmin.f32 v8, v43  }
0x4b: {  	v8 =	vmax.f32 v8, v43;
	v56 =	vmin.f32 v7, v54;
	v7 =	vmax.f32 v7, v54  }
0x4c: {  	v4 =	vmax.f32 v4, v6;
	v6 =	vmax.f32 v32, v36;
	v39 =	vmin.f32 v34, v38  }
0x4d: {  	v20 =	vld.idx.msk [tilespmem:v20+s2+$0x0], $0xffff;
	v9 =	vmax.f32 v34, v38;
	v57 =	vmin.f32 v8, v56;
	v5 =	vmax.f32 v8, v56  }
0x4e: {  	v21 =	vld.idx.msk [tilespmem:v21+s2+$0x0], $0xffff;
	v41 =	vmin.f32 v4, v39;
	v10 =	vmax.f32 v4, v39;
	v45 =	vmin.f32 v6, v44  }
0x4f: {  	v31 =	vld.idx.msk [tilespmem:v22+s2+$0x0], $0xffff;
	v6 =	vmax.f32 v6, v44;
	v4 =	vmax.f32 v4, v41;
	v47 =	vmin.f32 v9, v45  }
0x50: {  	v9 =	vmax.f32 v9, v45;
	v58 =	vmin.f32 v6, v57;
	v6 =	vmax.f32 v6, v57  }
0x51: {  	v32 =	vld.idx.msk [tilespmem:v23+s2+$0x0], $0xffff;
	v49 =	vmin.f32 v10, v47;
	v10 =	vmax.f32 v10, v47;
	v59 =	vmin.f32 v9, v58  }
0x52: {  	v24 =	vld.idx.msk [tilespmem:v24+s2+$0x0], $0xffff;
	v8 =	vmax.f32 v9, v58;
	v51 =	vmax.f32 v4, v49;
	v12 =	vmin.f32 v4, v49  }
0x53: {  	v25 =	vld.idx.msk [tilespmem:v25+s2+$0x0], $0xffff;
	v60 =	vmin.f32 v10, v59;
	v10 =	vmax.f32 v10, v59;
	v20 =	vand.u32 $0xFFFFFFC0, v20  }
0x54: {  	v26 =	vld.idx.msk [tilespmem:v26+s2+$0x0], $0xffff;
	v21 =	vand.u32 $0xFFFFFFC0, v21;
	v14 =	vand.u32 $0xFFFFFFC0, v31;
	v4 =	vmax.f32 v4, v12  }
0x55: {  	v23 =	vld.idx.msk [tilespmem:v33+s2+$0x0], $0xffff;
	v61 =	vmin.f32 v51, v60;
	v9 =	vmax.f32 v51, v60;
	v20 =	vor.u32 $0x28, v20  }
0x56: {  	v21 =	vor.u32 $0x27, v21;
	v14 =	vor.u32 $0x26, v14;
	v22 =	vand.u32 $0xFFFFFFC0, v32  }
0x57: {  	v27 =	vld.idx.msk [tilespmem:v27+s2+$0x0], $0xffff;
	v62 =	vmax.f32 v4, v61;
	v12 =	vmin.f32 v4, v61;
	v24 =	vand.u32 $0xFFFFFFC0, v24  }
0x58: {  	v22 =	vor.u32 $0x25, v22;
	v34 =	vand.u32 $0xFFFFFFC0, v25;
	v58 =	vmax.f32 v19, v20  }
0x59: {  	v4 =	vmax.f32 v4, v12;
	v24 =	vor.u32 $0x24, v24;
	v12 =	vmax.f32 v63, v13  }
0x5a: {  	v35 =	vand.u32 $0xFFFFFFC0, v26;
	v13 =	vor.u32 $0x23, v34;
	v23 =	vand.u32 $0xFFFFFFC0, v23  }
0x5b: {  	v36 =	vmin.f32 v3, v12;
	v25 =	vor.u32 $0x22, v35;
	v12 =	vmax.f32 v3, v12  }
0x5c: {  	v3 =	vor.u32 $0x21, v23;
	v38 =	vand.u32 $0xFFFFFFC0, v27;
	v27 =	vmax.f32 v21, v14  }
0x5d: {  	v28 =	vmin.f32 v7, v36;
	v7 =	vmax.f32 v7, v36;
	v43 =	vmin.f32 v12, v15  }
0x5e: {  	v26 =	vor.u32 $0x20, v38;
	v12 =	vmax.f32 v12, v15;
	v29 =	vmin.f32 v5, v28  }
0x5f: {  	v5 =	vmax.f32 v5, v28;
	v45 =	vmin.f32 v7, v43;
	v7 =	vmax.f32 v7, v43  }
0x60: {  	v18 =	vmin.f32 v12, v17;
	v12 =	vmax.f32 v12, v17;
	v3 =	vmax.f32 v3, v26  }
0x61: {  	v37 =	vmin.f32 v6, v29;
	v6 =	vmax.f32 v6, v29;
	v46 =	vmin.f32 v5, v45  }
0x62: {  	v5 =	vmax.f32 v5, v45;
	v53 =	vmin.f32 v7, v18;
	v7 =	vmax.f32 v7, v18  }
0x63: {  	v60 =	vmin.f32 v12, v58;
	v63 =	vmax.f32 v12, v58;
	v39 =	vmin.f32 v8, v37  }
0x64: {  	v8 =	vmax.f32 v8, v37;
	v47 =	vmin.f32 v6, v46;
	v6 =	vmax.f32 v6, v46  }
0x65: {  	v54 =	vmin.f32 v5, v53;
	v5 =	vmax.f32 v5, v53;
	v29 =	vmin.f32 v63, v27  }
0x66: {  	v32 =	vmax.f32 v63, v27;
	v37 =	vmax.f32 v22, v24;
	v46 =	vmax.f32 v13, v25  }
0x67: {  	v40 =	vmin.f32 v10, v39;
	v10 =	vmax.f32 v10, v39;
	v48 =	vmin.f32 v8, v47  }
0x68: {  	v8 =	vmax.f32 v8, v47;
	v55 =	vmin.f32 v6, v54;
	v6 =	vmax.f32 v6, v54  }
0x69: {  	v39 =	vmin.f32 v32, v37;
	v54 =	vor.u32 $0x20, v2;
	v41 =	vmin.f32 v9, v40  }
0x6a: {  	v9 =	vmax.f32 v9, v40;
	v49 =	vmin.f32 v10, v48;
	v10 =	vmax.f32 v10, v48  }
0x6b: {  	v56 =	vmin.f32 v8, v55;
	v8 =	vmax.f32 v8, v55;
	v42 =	vmin.f32 v62, v41  }
0x6c: {  	v11 =	vmax.f32 v62, v41;
	v50 =	vmin.f32 v9, v49;
	v9 =	vmax.f32 v9, v49  }
0x6d: {  	v57 =	vmax.f32 v10, v56;
	v10 =	vmin.f32 v10, v56;
	v62 =	vmin.f32 v7, v60  }
0x6e: {  	v7 =	vmax.f32 v7, v60;
	v56 =	vor.u32 $0x21, v2;
	v60 =	vor.u32 $0x24, v2  }
0x6f: {  	v44 =	vmin.f32 v4, v42;
	v16 =	vmax.f32 v4, v42;
	v51 =	vmin.f32 v11, v50  }
0x70: {  	v11 =	vmax.f32 v11, v50;
	v12 =	vmin.f32 v5, v62;
	v5 =	vmax.f32 v5, v62  }
0x71: {  	v30 =	vmin.f32 v7, v29;
	v7 =	vmax.f32 v7, v29;
	v62 =	vor.u32 $0x25, v2  }
0x72: {  	v4 =	vmax.f32 v4, v44;
	v52 =	vmin.f32 v16, v51;
	v15 =	vmax.f32 v16, v51  }
0x73: {  	v16 =	vmax.f32 v9, v10;
	v9 =	vmin.f32 v9, v10;
	v20 =	vmin.f32 v6, v12  }
0x74: {  	v6 =	vmax.f32 v6, v12;
	v31 =	vmin.f32 v5, v30;
	v5 =	vmax.f32 v5, v30  }
0x75: {  	v41 =	vmin.f32 v7, v39;
	v7 =	vmax.f32 v7, v39;
	v39 =	vor.u32 $0x28, v2  }
0x76: {  	v4 =	vmax.f32 v4, v52;
	v59 =	vmax.f32 v11, v9;
	v9 =	vmin.f32 v11, v9  }
0x77: {  	v23 =	vmax.f32 v8, v20;
	v8 =	vmin.f32 v8, v20;
	v33 =	vmin.f32 v6, v31  }
0x78: {  	v6 =	vmax.f32 v6, v31;
	v42 =	vmin.f32 v5, v41;
	v5 =	vmax.f32 v5, v41  }
0x79: {  	v41 =	vor.u32 $0x29, v2;
	v61 =	vmax.f32 v15, v9;
	v9 =	vmin.f32 v15, v9  }
0x7a: {  	v11 =	vmax.f32 v57, v8;
	v8 =	vmin.f32 v57, v8;
	v34 =	vmin.f32 v23, v33  }
0x7b: {  	v43 =	vmin.f32 v6, v42;
	v6 =	vmax.f32 v6, v42;
	v57 =	vor.u32 $0x22, v2  }
0x7c: {  	v4 =	vmax.f32 v4, v9;
	v28 =	vmax.f32 v16, v8;
	v8 =	vmin.f32 v16, v8  }
0x7d: {  	v9 =	vmax.f32 v23, v33;
	v35 =	vmin.f32 v11, v34;
	v11 =	vmax.f32 v11, v34  }
0x7e: {  	v33 =	vor.u32 $0x26, v2;
	v16 =	vmax.f32 v59, v8;
	v8 =	vmin.f32 v59, v8  }
0x7f: {  	v36 =	vmin.f32 v28, v35;
	v10 =	vmax.f32 v28, v35;
	v44 =	vmin.f32 v9, v43  }
0x80: {  	v9 =	vmax.f32 v9, v43;
	v59 =	vor.u32 $0x23, v2;
	v18 =	vmax.f32 v61, v8  }
0x81: {  	v8 =	vmin.f32 v61, v8;
	v38 =	vmin.f32 v16, v36;
	v12 =	vmax.f32 v16, v36  }
0x82: {  	v45 =	vmax.f32 v11, v44;
	v11 =	vmin.f32 v11, v44;
	v36 =	vor.u32 $0x27, v2  }
0x83: {  	v61 =	vld.idx.msk [tilespmem:v54+s2+$0x0], $0xffff;
	v44 =	vor.u32 $0x2A, v2;
	v54 =	vor.u32 $0x2E, v2;
	v4 =	vmax.f32 v4, v8  }
0x84: {  	v40 =	vmin.f32 v18, v38;
	v14 =	vmax.f32 v18, v38;
	v8 =	vmax.f32 v32, v37  }
0x85: {  	v16 =	vmax.f32 v10, v11;
	v10 =	vmin.f32 v10, v11;
	v4 =	vmax.f32 v4, v40  }
0x86: {  	v47 =	vmax.f32 v12, v10;
	v10 =	vmin.f32 v12, v10;
	v48 =	vmin.f32 v8, v46  }
0x87: {  	v8 =	vmax.f32 v8, v46;
	v35 =	vld.idx.msk [tilespmem:v57+s2+$0x0], $0xffff;
	v57 =	vor.u32 $0x2F, v2;
	v49 =	vmax.f32 v14, v10  }
0x88: {  	v17 =	vld.idx.msk [tilespmem:v39+s2+$0x0], $0xffff;
	v10 =	vmin.f32 v14, v10;
	v50 =	vmin.f32 v7, v48;
	v7 =	vmax.f32 v7, v48  }
0x89: {  	v19 =	vmax.f32 v8, v3;
	v3 =	vmin.f32 v8, v3;
	v4 =	vmax.f32 v4, v10  }
0x8a: {  	v32 =	vld.idx.msk [tilespmem:v56+s2+$0x0], $0xffff;
	v51 =	vmin.f32 v5, v50;
	v5 =	vmax.f32 v5, v50;
	v63 =	vmax.f32 v7, v3  }
0x8b: {  	v3 =	vmin.f32 v7, v3;
	v52 =	vmin.f32 v6, v51;
	v6 =	vmax.f32 v6, v51  }
0x8c: {  	v34 =	vmax.f32 v5, v3;
	v3 =	vmin.f32 v5, v3;
	v8 =	vand.u32 $0xFFFFFFC0, v61  }
0x8d: {  	v43 =	vld.idx.msk [tilespmem:v62+s2+$0x0], $0xffff;
	v51 =	vor.u32 $0x2D, v2;
	v17 =	vand.u32 $0xFFFFFFC0, v17;
	v53 =	vmax.f32 v9, v52  }
0x8e: {  	v46 =	vld.idx.msk [tilespmem:v33+s2+$0x0], $0xffff;
	v9 =	vmin.f32 v9, v52;
	v37 =	vmax.f32 v6, v3;
	v3 =	vmin.f32 v6, v3  }
0x8f: {  	v7 =	vand.u32 $0xFFFFFFC0, v32;
	v17 =	vor.u32 $0x17, v17;
	v11 =	vmax.f32 v45, v9  }
0x90: {  	v38 =	vld.idx.msk [tilespmem:v59+s2+$0x0], $0xffff;
	v9 =	vmin.f32 v45, v9;
	v40 =	vmax.f32 v53, v3;
	v3 =	vmin.f32 v53, v3  }
0x91: {  	v5 =	vand.u32 $0xFFFFFFC0, v35;
	v7 =	vor.u32 $0x1E, v7;
	v55 =	vmax.f32 v16, v9  }
0x92: {  	v9 =	vmin.f32 v16, v9;
	v42 =	vmax.f32 v11, v3;
	v3 =	vmin.f32 v11, v3  }
0x93: {  	v13 =	vld.idx.msk [tilespmem:v36+s2+$0x0], $0xffff;
	v5 =	vor.u32 $0x1D, v5;
	v11 =	vand.u32 $0xFFFFFFC0, v43;
	v14 =	vand.u32 $0xFFFFFFC0, v46  }
0x94: {  	v10 =	vld.idx.msk [tilespmem:v54+s2+$0x0], $0xffff;
	v16 =	vmax.f32 v47, v9;
	v9 =	vmin.f32 v47, v9;
	v45 =	vmax.f32 v55, v3  }
0x95: {  	v3 =	vmin.f32 v55, v3;
	v47 =	vor.u32 $0x2B, v2;
	v6 =	vand.u32 $0xFFFFFFC0, v38  }
0x96: {  	v52 =	vld.idx.msk [tilespmem:v41+s2+$0x0], $0xffff;
	v11 =	vor.u32 $0x1A, v11;
	v14 =	vor.u32 $0x19, v14;
	v58 =	vmax.f32 v49, v9  }
0x97: {  	v53 =	vld.idx.msk [tilespmem:v44+s2+$0x0], $0xffff;
	v9 =	vmin.f32 v49, v9;
	v48 =	vmax.f32 v16, v3;
	v3 =	vmin.f32 v16, v3  }
0x98: {  	v49 =	vor.u32 $0x2C, v2;
	v6 =	vor.u32 $0x1C, v6;
	v13 =	vand.u32 $0xFFFFFFC0, v13  }
0x99: {  	v59 =	vld.idx.msk [tilespmem:v57+s2+$0x0], $0xffff;
	v10 =	vand.u32 $0xFFFFFFC0, v10;
	v4 =	vmax.f32 v4, v9;
	v50 =	vmin.f32 v58, v3  }
0x9a: {  	v18 =	vmax.f32 v58, v3;
	v3 =	vor.u32 $0x1F, v8;
	v13 =	vor.u32 $0x18, v13  }
0x9b: {  	v5 =	vmax.f32 v5, v6;
	v27 =	vmax.f32 v4, v50;
	v4 =	vand.u32 $0xFFFFFFC0, v52  }
0x9c: {  	v28 =	vld.idx.msk [tilespmem:v51+s2+$0x0], $0xffff;
	v8 =	vand.u32 $0xFFFFFFC0, v53;
	v3 =	vmax.f32 v3, v7;
	v13 =	vmax.f32 v14, v13  }
0x9d: {  	v9 =	vld.idx.msk [tilespmem:v60+s2+$0x0], $0xffff;
	v58 =	vor.u32 $0x16, v4;
	v8 =	vor.u32 $0x15, v8;
	v61 =	vmin.f32 v19, v3  }
0x9e: {  	v19 =	vmax.f32 v19, v3;
	v3 =	vor.u32 $0x11, v10;
	v4 =	vand.u32 $0xFFFFFFC0, v59  }
0x9f: {  	v62 =	vmin.f32 v63, v61;
	v63 =	vmax.f32 v63, v61;
	v4 =	vor.u32 $0x10, v4  }
0xa0: {  	v36 =	vmin.f32 v19, v5;
	v5 =	vmax.f32 v19, v5;
	v17 =	vmax.f32 v17, v58  }
0xa1: {  	v60 =	vand.u32 $0xFFFFFFC0, v28;
	v30 =	vmin.f32 v34, v62;
	v31 =	vmax.f32 v34, v62  }
0xa2: {  	v55 =	vld.idx.msk [tilespmem:v47+s2+$0x0], $0xffff;
	v10 =	vmax.f32 v63, v36;
	v3 =	vmax.f32 v3, v4;
	v9 =	vand.u32 $0xFFFFFFC0, v9  }
0xa3: {  	v32 =	vmin.f32 v37, v30;
	v16 =	vmax.f32 v37, v30;
	v37 =	vmin.f32 v63, v36  }
0xa4: {  	v9 =	vor.u32 $0x1B, v9;
	v33 =	vmin.f32 v40, v32;
	v21 =	vmax.f32 v40, v32  }
0xa5: {  	v56 =	vld.idx.msk [tilespmem:v49+s2+$0x0], $0xffff;
	v38 =	vmin.f32 v31, v37;
	v20 =	vmax.f32 v31, v37;
	v34 =	vmax.f32 v42, v33  }
0xa6: {  	v22 =	vmin.f32 v42, v33;
	v39 =	vmin.f32 v16, v38;
	v16 =	vmax.f32 v16, v38  }
0xa7: {  	v9 =	vmax.f32 v9, v11;
	v12 =	vand.u32 $0xFFFFFFC0, v55;
	v24 =	vmax.f32 v45, v22  }
0xa8: {  	v22 =	vmin.f32 v45, v22;
	v40 =	vmax.f32 v21, v39;
	v21 =	vmin.f32 v21, v39  }
0xa9: {  	v42 =	vmin.f32 v5, v9;
	v5 =	vmax.f32 v5, v9;
	v12 =	vor.u32 $0x14, v12  }
0xaa: {  	v15 =	vand.u32 $0xFFFFFFC0, v56;
	v35 =	vmax.f32 v48, v22;
	v22 =	vmin.f32 v48, v22  }
0xab: {  	v43 =	vmin.f32 v10, v42;
	v10 =	vmax.f32 v10, v42;
	v52 =	vmin.f32 v5, v13  }
0xac: {  	v5 =	vmax.f32 v5, v13;
	v7 =	vor.u32 $0x13, v15;
	v15 =	vor.u32 $0x12, v60  }
0xad: {  	v26 =	vmax.f32 v18, v22;
	v18 =	vmin.f32 v18, v22;
	v22 =	vmax.f32 v34, v21  }
0xae: {  	v21 =	vmin.f32 v34, v21;
	v45 =	vmin.f32 v20, v43;
	v47 =	vmax.f32 v20, v43  }
0xaf: {  	v23 =	vmin.f32 v10, v52;
	v10 =	vmax.f32 v10, v52;
	v58 =	vmin.f32 v5, v17  }
0xb0: {  	v5 =	vmax.f32 v5, v17;
	v8 =	vmax.f32 v8, v12;
	v18 =	vmax.f32 v27, v18  }
0xb1: {  	v41 =	vmax.f32 v24, v21;
	v21 =	vmin.f32 v24, v21;
	v46 =	vmin.f32 v16, v45  }
0xb2: {  	v16 =	vmax.f32 v16, v45;
	v54 =	vmin.f32 v47, v23;
	v60 =	vmin.f32 v10, v58  }
0xb3: {  	v10 =	vmax.f32 v10, v58;
	v25 =	vmin.f32 v5, v8;
	v5 =	vmax.f32 v5, v8  }
0xb4: {  	v7 =	vmax.f32 v7, v15;
	v24 =	vmax.f32 v35, v21;
	v6 =	vmin.f32 v35, v21  }
0xb5: {  	v48 =	vmin.f32 v40, v46;
	v9 =	vmax.f32 v40, v46;
	v55 =	vmin.f32 v16, v54  }
0xb6: {  	v16 =	vmax.f32 v16, v54;
	v27 =	vmin.f32 v10, v25;
	v31 =	vmax.f32 v10, v25  }
0xb7: {  	v15 =	vmin.f32 v5, v7;
	v5 =	vmax.f32 v5, v7;
	v46 =	vor.u32 $0x31, v2  }
0xb8: {  	v54 =	vor.u32 $0x35, v2;
	v44 =	vmax.f32 v26, v6;
	v6 =	vmin.f32 v26, v6  }
0xb9: {  	v49 =	vmin.f32 v22, v48;
	v20 =	vmax.f32 v22, v48;
	v56 =	vmin.f32 v9, v55  }
0xba: {  	v9 =	vmax.f32 v9, v55;
	v38 =	vmin.f32 v31, v15;
	v40 =	vmax.f32 v31, v15  }
0xbb: {  	v48 =	vor.u32 $0x32, v2;
	v6 =	vmax.f32 v18, v6;
	v50 =	vmin.f32 v41, v49  }
0xbc: {  	v11 =	vmax.f32 v41, v49;
	v18 =	vmax.f32 v47, v23;
	v57 =	vmax.f32 v20, v56  }
0xbd: {  	v19 =	vmin.f32 v20, v56;
	v49 =	vor.u32 $0x33, v2;
	v51 =	vmin.f32 v24, v50  }
0xbe: {  	v21 =	vmax.f32 v24, v50;
	v20 =	vmax.f32 v11, v19;
	v11 =	vmin.f32 v11, v19  }
0xbf: {  	v61 =	vmin.f32 v18, v60;
	v50 =	vmax.f32 v5, v3;
	v3 =	vmin.f32 v5, v3  }
0xc0: {  	v53 =	vmin.f32 v44, v51;
	v14 =	vmax.f32 v44, v51;
	v19 =	vmax.f32 v21, v11  }
0xc1: {  	v11 =	vmin.f32 v21, v11;
	v62 =	vmin.f32 v16, v61;
	v44 =	vor.u32 $0x30, v2  }
0xc2: {  	v51 =	vor.u32 $0x34, v2;
	v52 =	vmax.f32 v40, v3;
	v3 =	vmin.f32 v40, v3  }
0xc3: {  	v6 =	vmax.f32 v6, v53;
	v59 =	vmax.f32 v14, v11;
	v11 =	vmin.f32 v14, v11  }
0xc4: {  	v14 =	vmax.f32 v18, v60;
	v63 =	vmax.f32 v9, v62;
	v9 =	vmin.f32 v9, v62  }
0xc5: {  	v60 =	vor.u32 $0x37, v2;
	v62 =	vor.u32 $0x38, v2;
	v6 =	vmax.f32 v6, v11  }
0xc6: {  	v11 =	vmax.f32 v16, v61;
	v17 =	vmax.f32 v57, v9;
	v9 =	vmin.f32 v57, v9  }
0xc7: {  	v29 =	vmin.f32 v14, v27;
	v32 =	vmax.f32 v14, v27;
	v57 =	vor.u32 $0x36, v2  }
0xc8: {  	v24 =	vmax.f32 v20, v9;
	v9 =	vmin.f32 v20, v9;
	v30 =	vmin.f32 v11, v29  }
0xc9: {  	v11 =	vmax.f32 v11, v29;
	v39 =	vmin.f32 v32, v38;
	v10 =	vmax.f32 v32, v38  }
0xca: {  	v32 =	vor.u32 $0x39, v2;
	v38 =	vor.u32 $0x3C, v2;
	v26 =	vmax.f32 v19, v9  }
0xcb: {  	v9 =	vmin.f32 v19, v9;
	v33 =	vmin.f32 v63, v30;
	v8 =	vmax.f32 v63, v30  }
0xcc: {  	v41 =	vmin.f32 v11, v39;
	v11 =	vmax.f32 v11, v39;
	v55 =	vmax.f32 v10, v3  }
0xcd: {  	v3 =	vmin.f32 v10, v3;
	v39 =	vor.u32 $0x3D, v2;
	v28 =	vmax.f32 v59, v9  }
0xce: {  	v56 =	vld.idx.msk [tilespmem:v46+s2+$0x0], $0xffff;
	v9 =	vmin.f32 v59, v9;
	v34 =	vmin.f32 v17, v33;
	v13 =	vmax.f32 v17, v33  }
0xcf: {  	v42 =	vmin.f32 v8, v41;
	v8 =	vmax.f32 v8, v41;
	v58 =	vmax.f32 v11, v3  }
0xd0: {  	v53 =	vld.idx.msk [tilespmem:v44+s2+$0x0], $0xffff;
	v3 =	vmin.f32 v11, v3;
	v44 =	vor.u32 $0x3E, v2;
	v6 =	vmax.f32 v6, v9  }
0xd1: {  	v35 =	vmin.f32 v24, v34;
	v12 =	vmax.f32 v24, v34;
	v43 =	vmax.f32 v13, v42  }
0xd2: {  	v13 =	vmin.f32 v13, v42;
	v61 =	vmax.f32 v8, v3;
	v3 =	vmin.f32 v8, v3  }
0xd3: {  	v4 =	vld.idx.msk [tilespmem:v49+s2+$0x0], $0xffff;
	v34 =	vor.u32 $0x3A, v2;
	v10 =	vand.u32 $0xFFFFFFC0, v56;
	v36 =	vmin.f32 v26, v35  }
0xd4: {  	v16 =	vmax.f32 v26, v35;
	v15 =	vmax.f32 v12, v13;
	v12 =	vmin.f32 v12, v13  }
0xd5: {  	v63 =	vmax.f32 v43, v3;
	v3 =	vmin.f32 v43, v3;
	v41 =	vor.u32 $0xE, v10  }
0xd6: {  	v59 =	vld.idx.msk [tilespmem:v48+s2+$0x0], $0xffff;
	v37 =	vmin.f32 v28, v36;
	v14 =	vmax.f32 v28, v36;
	v45 =	vmax.f32 v16, v12  }
0xd7: {  	v5 =	vld.idx.msk [tilespmem:v51+s2+$0x0], $0xffff;
	v12 =	vmin.f32 v16, v12;
	v33 =	vmax.f32 v15, v3;
	v3 =	vmin.f32 v15, v3  }
0xd8: {  	v8 =	vld.idx.msk [tilespmem:v62+s2+$0x0], $0xffff;
	v36 =	vor.u32 $0x3B, v2;
	v4 =	vand.u32 $0xFFFFFFC0, v4;
	v6 =	vmax.f32 v6, v37  }
0xd9: {  	v13 =	vld.idx.msk [tilespmem:v54+s2+$0x0], $0xffff;
	v47 =	vmax.f32 v14, v12;
	v12 =	vmin.f32 v14, v12;
	v35 =	vmax.f32 v45, v3  }
0xda: {  	v16 =	vld.idx.msk [tilespmem:v57+s2+$0x0], $0xffff;
	v3 =	vmin.f32 v45, v3;
	v4 =	vor.u32 $0xC, v4;
	v45 =	vor.u32 $0x3F, v2  }
0xdb: {  	v9 =	vld.idx.msk [tilespmem:v32+s2+$0x0], $0xffff;
	v6 =	vmax.f32 v6, v12;
	v37 =	vmax.f32 v47, v3;
	v3 =	vmin.f32 v47, v3  }
0xdc: {  	v18 =	vld.idx.msk [tilespmem:v38+s2+$0x0], $0xffff;
	v7 =	vand.u32 $0xFFFFFFC0, v53;
	v42 =	vand.u32 $0xFFFFFFC0, v59;
	v5 =	vand.u32 $0xFFFFFFC0, v5  }
0xdd: {  	v14 =	vld.idx.msk [tilespmem:v60+s2+$0x0], $0xffff;
	v3 =	vmax.f32 v6, v3;
	v40 =	vor.u32 $0xF, v7;
	v10 =	vor.u32 $0xD, v42  }
0xde: {  	v27 =	vld.idx.msk [tilespmem:v39+s2+$0x0], $0xffff;
	v5 =	vor.u32 $0xB, v5;
	v8 =	vand.u32 $0xFFFFFFC0, v8;
	v13 =	vand.u32 $0xFFFFFFC0, v13  }
0xdf: {  	v8 =	vor.u32 $0x7, v8;
	v6 =	vmax.f32 v40, v41;
	v4 =	vmax.f32 v10, v4  }
0xe0: {  	v13 =	vor.u32 $0xA, v13;
	v16 =	vand.u32 $0xFFFFFFC0, v16;
	v9 =	vand.u32 $0xFFFFFFC0, v9  }
0xe1: {  	v15 =	vld.idx.msk [tilespmem:v44+s2+$0x0], $0xffff;
	v18 =	vand.u32 $0xFFFFFFC0, v18;
	v47 =	vmin.f32 v50, v6;
	v6 =	vmax.f32 v50, v6  }
0xe2: {  	v14 =	vand.u32 $0xFFFFFFC0, v14;
	v16 =	vor.u32 $0x9, v16;
	v9 =	vor.u32 $0x6, v9  }
0xe3: {  	v43 =	vld.idx.msk [tilespmem:v34+s2+$0x0], $0xffff;
	v7 =	vor.u32 $0x3, v18;
	v46 =	vand.u32 $0xFFFFFFC0, v27;
	v48 =	vmin.f32 v52, v47  }
0xe4: {  	v19 =	vmax.f32 v52, v47;
	v54 =	vmin.f32 v6, v4;
	v4 =	vmax.f32 v6, v4  }
0xe5: {  	v5 =	vmax.f32 v5, v13;
	v14 =	vor.u32 $0x8, v14;
	v18 =	vor.u32 $0x2, v46  }
0xe6: {  	v15 =	vand.u32 $0xFFFFFFC0, v15;
	v49 =	vmin.f32 v55, v48;
	v12 =	vmax.f32 v55, v48  }
0xe7: {  	v55 =	vmin.f32 v19, v54;
	v19 =	vmax.f32 v19, v54;
	v60 =	vmin.f32 v4, v5  }
0xe8: {  	v4 =	vmax.f32 v4, v5;
	v8 =	vmax.f32 v8, v9;
	v11 =	vand.u32 $0xFFFFFFC0, v43  }
0xe9: {  	v15 =	vor.u32 $0x1, v15;
	v50 =	vmin.f32 v58, v49;
	v21 =	vmax.f32 v58, v49  }
0xea: {  	v17 =	vld.idx.msk [tilespmem:v36+s2+$0x0], $0xffff;
	v56 =	vmin.f32 v12, v55;
	v12 =	vmax.f32 v12, v55;
	v62 =	vmin.f32 v19, v60  }
0xeb: {  	v31 =	vmax.f32 v19, v60;
	v14 =	vmax.f32 v16, v14;
	v7 =	vmax.f32 v7, v18  }
0xec: {  	v11 =	vor.u32 $0x5, v11;
	v51 =	vmin.f32 v61, v50;
	v20 =	vmax.f32 v61, v50  }
0xed: {  	v28 =	vld.idx.msk [tilespmem:v45+s2+$0x0], $0xffff;
	v57 =	vmin.f32 v21, v56;
	v6 =	vmax.f32 v21, v56;
	v29 =	vmin.f32 v12, v62  }
0xee: {  	v12 =	vmax.f32 v12, v62;
	v36 =	vmin.f32 v4, v14;
	v4 =	vmax.f32 v4, v14  }
0xef: {  	v17 =	vand.u32 $0xFFFFFFC0, v17;
	v52 =	vmax.f32 v63, v51;
	v23 =	vmin.f32 v63, v51  }
0xf0: {  	v58 =	vmax.f32 v20, v57;
	v20 =	vmin.f32 v20, v57;
	v30 =	vmin.f32 v6, v29  }
0xf1: {  	v6 =	vmax.f32 v6, v29;
	v38 =	vmin.f32 v31, v36;
	v44 =	vmin.f32 v4, v8  }
0xf2: {  	v4 =	vmax.f32 v4, v8;
	v17 =	vor.u32 $0x4, v17;
	v28 =	vand.u32 $0xFFFFFFC0, v28  }
0xf3: {  	v27 =	vmax.f32 v33, v23;
	v23 =	vmin.f32 v33, v23;
	v32 =	vmin.f32 v58, v30  }
0xf4: {  	v5 =	vmax.f32 v58, v30;
	v39 =	vmin.f32 v12, v38;
	v12 =	vmax.f32 v12, v38  }
0xf5: {  	v53 =	vmax.f32 v35, v23;
	v23 =	vmin.f32 v35, v23;
	v40 =	vmin.f32 v6, v39  }
0xf6: {  	v6 =	vmax.f32 v6, v39;
	v11 =	vmax.f32 v11, v17;
	v15 =	vmax.f32 v15, v28  }
0xf7: {  	v25 =	vmax.f32 v37, v23;
	v23 =	vmin.f32 v37, v23;
	v41 =	vmin.f32 v5, v40  }
0xf8: {  	v5 =	vmax.f32 v5, v40;
	v49 =	vmin.f32 v4, v11;
	v4 =	vmax.f32 v4, v11  }
0xf9: {  	v3 =	vmax.f32 v3, v23;
	v23 =	vmax.f32 v52, v20;
	v20 =	vmin.f32 v52, v20  }
0xfa: {  	v60 =	vmin.f32 v4, v7;
	v4 =	vmax.f32 v4, v7;
	v59 =	vmax.f32 v27, v20  }
0xfb: {  	v20 =	vmin.f32 v27, v20;
	v33 =	vmin.f32 v23, v32;
	v19 =	vmax.f32 v23, v32  }
0xfc: {  	v61 =	vmax.f32 v53, v20;
	v10 =	vmin.f32 v53, v20;
	v34 =	vmin.f32 v59, v33  }
0xfd: {  	v13 =	vmax.f32 v59, v33;
	v42 =	vmax.f32 v19, v41;
	v19 =	vmin.f32 v19, v41  }
0xfe: {  	v63 =	vmax.f32 v25, v10;
	v10 =	vmin.f32 v25, v10;
	v35 =	vmin.f32 v61, v34  }
0xff: {  	v21 =	vmax.f32 v61, v34;
	v20 =	vmax.f32 v13, v19;
	v13 =	vmin.f32 v13, v19  }
0x100: {  	v3 =	vmax.f32 v3, v10;
	v37 =	vmin.f32 v63, v35;
	v16 =	vmax.f32 v63, v35  }
0x101: {  	v10 =	vmax.f32 v31, v36;
	v43 =	vmax.f32 v21, v13;
	v13 =	vmin.f32 v21, v13  }
0x102: {  	v63 =	vmax.f32 v4, v15;
	v4 =	vmin.f32 v4, v15;
	v3 =	vmax.f32 v3, v37  }
0x103: {  	v21 =	vmax.f32 v16, v13;
	v13 =	vmin.f32 v16, v13;
	v45 =	vmin.f32 v10, v44  }
0x104: {  	v10 =	vmax.f32 v10, v44;
	v25 =	vand.u32 $0x3F, v63;
	v3 =	vmax.f32 v3, v13  }
0x105: {  	v46 =	vmin.f32 v12, v45;
	v12 =	vmax.f32 v12, v45;
	v51 =	vmin.f32 v10, v49  }
0x106: {  	v10 =	vmax.f32 v10, v49;
	v27 =	vor.u32 v2, v25;
	v47 =	vmin.f32 v6, v46  }
0x107: {  	v6 =	vmax.f32 v6, v46;
	v53 =	vmin.f32 v12, v51;
	v9 =	vmax.f32 v12, v51  }
0x108: {  	v61 =	vmin.f32 v10, v60;
	v10 =	vmax.f32 v10, v60;
	v19 =	vxor.u32 $0x3E, v27  }
0x109: {  	v48 =	vmax.f32 v5, v47;
	v5 =	vmin.f32 v5, v47;
	v54 =	vmin.f32 v6, v53  }
0x10a: {  	v6 =	vmax.f32 v6, v53;
	v62 =	vmin.f32 v9, v61;
	v7 =	vmax.f32 v9, v61  }
0x10b: {  	v15 =	vmin.f32 v10, v4;
	v10 =	vmax.f32 v10, v4;
	v13 =	vmax.f32 v42, v5  }
0x10c: {  	v5 =	vmin.f32 v42, v5;
	v55 =	vmin.f32 v48, v54;
	v24 =	vmin.f32 v6, v62  }
0x10d: {  	v6 =	vmax.f32 v6, v62;
	v32 =	vmin.f32 v7, v15;
	v7 =	vmax.f32 v7, v15  }
0x10e: {  	v37 =	vand.u32 $0x3F, v10;
	v14 =	vmax.f32 v20, v5;
	v5 =	vmin.f32 v20, v5  }
0x10f: {  	v56 =	vmin.f32 v13, v55;
	v11 =	vmax.f32 v13, v55;
	v33 =	vmin.f32 v6, v32  }
0x110: {  	v13 =	vmax.f32 v6, v32;
	v39 =	vor.u32 v2, v37;
	v50 =	vmax.f32 v43, v5  }
0x111: {  	v5 =	vmin.f32 v43, v5;
	v57 =	vmax.f32 v14, v56;
	v8 =	vmin.f32 v14, v56  }
0x112: {  	v40 =	vxor.u32 $0x3E, v39;
	v43 =	vand.u32 $0x3F, v7;
	v44 =	vand.u32 $0x3F, v13  }
0x113: {  	v52 =	vmax.f32 v21, v5;
	v5 =	vmin.f32 v21, v5;
	v58 =	vmax.f32 v50, v8  }
0x114: {  	v8 =	vmin.f32 v50, v8;
	v49 =	vor.u32 v2, v43;
	v3 =	vmax.f32 v3, v5  }
0x115: {  	v5 =	vmax.f32 v48, v54;
	v59 =	vmax.f32 v52, v8;
	v8 =	vmin.f32 v52, v8  }
0x116: {  	v34 =	vld.idx.msk [tilespmem:v19+s2+$0x0], $0xffff;
	v27 =	vxor.u32 $0x3E, v49;
	v3 =	vmax.f32 v3, v8;
	v26 =	vmin.f32 v5, v24  }
0x117: {  	v5 =	vmax.f32 v5, v24;
	v28 =	vmin.f32 v11, v26;
	v9 =	vmax.f32 v11, v26  }
0x118: {  	v35 =	vmax.f32 v5, v33;
	v4 =	vmin.f32 v5, v33;
	v29 =	vmin.f32 v57, v28  }
0x119: {  	v8 =	vmax.f32 v57, v28;
	v36 =	vmax.f32 v9, v4;
	v4 =	vmin.f32 v9, v4  }
0x11a: {  	v21 =	vand.u32 $0x3F, v35;
	v30 =	vmin.f32 v58, v29;
	v11 =	vmax.f32 v58, v29  }
0x11b: {  	v38 =	vmax.f32 v8, v4;
	v4 =	vmin.f32 v8, v4;
	v42 =	vand.u32 $0xFFFFFFC0, v34  }
0x11c: {  	v23 =	vand.u32 $0x3F, v36;
	v33 =	vor.u32 v2, v21;
	v31 =	vmin.f32 v59, v30  }
0x11d: {  	v12 =	vmax.f32 v59, v30;
	v8 =	vmax.f32 v11, v4;
	v4 =	vmin.f32 v11, v4;
	v11 =	vld.idx.msk [tilespmem:v40+s2+$0x0], $0xffff  }
0x11e: {  	v56 =	vld.idx.msk [tilespmem:v27+s2+$0x0], $0xffff;
	v3 =	vmax.f32 v3, v31;
	v41 =	vmax.f32 v12, v4;
	v4 =	vmin.f32 v12, v4  }
0x11f: {  	v6 =	vand.u32 $0x3F, v38;
	v12 =	vmax.f32 v3, v4;
	v3 =	vor.u32 v42, v25  }
0x120: {  	v59 =	vor.u32 v2, v44;
	v5 =	vand.u32 $0x3F, v8;
	v45 =	vxor.u32 $0x1, v3  }
0x121: {  	v4 =	vand.u32 $0x3F, v41;
	v25 =	vxor.u32 $0x3E, v33;
	v46 =	vmin.f32 v63, v45  }
0x122: {  	v3 =	vand.u32 $0x3F, v12;
	v17 =	vmax.f32 v63, v45;
	v47 =	vmin.f32 v10, v46  }
0x123: {  	v10 =	vmax.f32 v10, v46;
	v11 =	vand.u32 $0xFFFFFFC0, v11;
	v61 =	vand.u32 $0xFFFFFFC0, v56  }
0x124: {  	v48 =	vmin.f32 v7, v47;
	v7 =	vmax.f32 v7, v47;
	v9 =	vor.u32 v11, v37  }
0x125: {  	v14 =	vor.u32 v61, v43;
	v43 =	vor.u32 v2, v23;
	v50 =	vmin.f32 v13, v48  }
0x126: {  	v13 =	vmax.f32 v13, v48;
	v9 =	vxor.u32 $0x1, v9;
	v14 =	vxor.u32 $0x1, v14  }
0x127: {  	v45 =	vxor.u32 $0x3E, v43;
	v51 =	vmin.f32 v35, v50;
	v15 =	vmax.f32 v35, v50  }
0x128: {  	v40 =	vld.idx.msk [tilespmem:v25+s2+$0x0], $0xffff;
	v57 =	vmin.f32 v17, v9;
	v9 =	vmax.f32 v17, v9;
	v52 =	vmin.f32 v36, v51  }
0x129: {  	v16 =	vmax.f32 v36, v51;
	v58 =	vmax.f32 v10, v57;
	v10 =	vmin.f32 v10, v57  }
0x12a: {  	v29 =	vmin.f32 v9, v14;
	v9 =	vmax.f32 v9, v14;
	v53 =	vmin.f32 v38, v52  }
0x12b: {  	v19 =	vmax.f32 v38, v52;
	v31 =	vmin.f32 v58, v29;
	v54 =	vmin.f32 v8, v53  }
0x12c: {  	v8 =	vmax.f32 v8, v53;
	v53 =	vor.u32 v2, v6;
	v55 =	vmin.f32 v41, v54  }
0x12d: {  	v20 =	vmax.f32 v41, v54;
	v47 =	vand.u32 $0xFFFFFFC0, v40;
	v11 =	vmax.f32 v12, v55  }
0x12e: {  	v12 =	vmax.f32 v7, v10;
	v7 =	vmin.f32 v7, v10;
	v10 =	vxor.u32 $0x3E, v59  }
0x12f: {  	v22 =	vxor.u32 $0x3E, v53;
	v60 =	vmax.f32 v13, v7;
	v7 =	vmin.f32 v13, v7  }
0x130: {  	v32 =	vmin.f32 v12, v31;
	v13 =	vmax.f32 v15, v7;
	v7 =	vmin.f32 v15, v7  }
0x131: {  	v12 =	vmax.f32 v12, v31;
	v34 =	vmin.f32 v60, v32;
	v62 =	vmax.f32 v16, v7  }
0x132: {  	v7 =	vmin.f32 v16, v7;
	v35 =	vmin.f32 v13, v34;
	v13 =	vmax.f32 v13, v34  }
0x133: {  	v34 =	vor.u32 v2, v4;
	v63 =	vmax.f32 v19, v7;
	v7 =	vmin.f32 v19, v7;
	v10 =	vld.idx.msk [tilespmem:v10+s2+$0x0], $0xffff  }
0x134: {  	v36 =	vmin.f32 v62, v35;
	v28 =	vmax.f32 v8, v7;
	v7 =	vmin.f32 v8, v7  }
0x135: {  	v17 =	vmax.f32 v62, v35;
	v30 =	vmax.f32 v20, v7;
	v7 =	vmin.f32 v20, v7  }
0x136: {  	v8 =	vmax.f32 v58, v29;
	v7 =	vmax.f32 v11, v7;
	v11 =	vmax.f32 v60, v32;
	v60 =	vld.idx.msk [tilespmem:v22+s2+$0x0], $0xffff  }
0x137: {  	v37 =	vmin.f32 v63, v36;
	v14 =	vmax.f32 v63, v36;
	v63 =	vor.u32 v2, v5  }
0x138: {  	v38 =	vmin.f32 v28, v37;
	v16 =	vmax.f32 v28, v37;
	v10 =	vand.u32 $0xFFFFFFC0, v10  }
0x139: {  	v25 =	vxor.u32 $0x3E, v63;
	v39 =	vmin.f32 v30, v38;
	v10 =	vor.u32 v10, v44  }
0x13a: {  	v15 =	vmax.f32 v30, v38;
	v7 =	vmax.f32 v7, v39;
	v10 =	vxor.u32 $0x1, v10  }
0x13b: {  	v27 =	vand.u32 $0xFFFFFFC0, v60;
	v41 =	vmin.f32 v9, v10;
	v9 =	vmax.f32 v9, v10  }
0x13c: {  	v6 =	vor.u32 v27, v6;
	v42 =	vmax.f32 v8, v41;
	v8 =	vmin.f32 v8, v41  }
0x13d: {  	v6 =	vxor.u32 $0x1, v6;
	v18 =	vmax.f32 v12, v8;
	v8 =	vmin.f32 v12, v8  }
0x13e: {  	v44 =	vmax.f32 v11, v8;
	v8 =	vmin.f32 v11, v8;
	v11 =	vld.idx.msk [tilespmem:v45+s2+$0x0], $0xffff;
	v45 =	vor.u32 v2, v3  }
0x13f: {  	v46 =	vmax.f32 v13, v8;
	v8 =	vmin.f32 v13, v8;
	v13 =	vor.u32 v47, v21  }
0x140: {  	v21 =	vxor.u32 $0x3E, v34;
	v48 =	vmax.f32 v17, v8;
	v8 =	vmin.f32 v17, v8  }
0x141: {  	v19 =	vxor.u32 $0x3E, v45;
	v13 =	vxor.u32 $0x1, v13;
	v17 =	vmax.f32 v14, v8  }
0x142: {  	v8 =	vmin.f32 v14, v8;
	v49 =	vmin.f32 v9, v13;
	v9 =	vmax.f32 v9, v13  }
0x143: {  	v14 =	vmax.f32 v16, v8;
	v8 =	vmin.f32 v16, v8;
	v51 =	vmin.f32 v42, v49  }
0x144: {  	v10 =	vmax.f32 v42, v49;
	v50 =	vmax.f32 v15, v8;
	v8 =	vmin.f32 v15, v8  }
0x145: {  	v52 =	vmin.f32 v18, v51;
	v15 =	vmax.f32 v18, v51;
	v11 =	vand.u32 $0xFFFFFFC0, v11  }
0x146: {  	v7 =	vmax.f32 v7, v8;
	v54 =	vmin.f32 v44, v52;
	v8 =	vmax.f32 v44, v52  }
0x147: {  	v11 =	vor.u32 v11, v23;
	v55 =	vmin.f32 v46, v54;
	v12 =	vmax.f32 v46, v54  }
0x148: {  	v11 =	vxor.u32 $0x1, v11;
	v56 =	vmin.f32 v48, v55;
	v16 =	vmax.f32 v48, v55  }
0x149: {  	v61 =	vmin.f32 v9, v11;
	v9 =	vmax.f32 v9, v11;
	v57 =	vmin.f32 v17, v56  }
0x14a: {  	v43 =	vld.idx.msk [tilespmem:v21+s2+$0x0], $0xffff;
	v13 =	vmax.f32 v17, v56;
	v62 =	vmax.f32 v10, v61;
	v10 =	vmin.f32 v10, v61  }
0x14b: {  	v30 =	vmin.f32 v9, v6;
	v6 =	vmax.f32 v9, v6;
	v58 =	vmin.f32 v14, v57  }
0x14c: {  	v14 =	vmax.f32 v14, v57;
	v18 =	vmax.f32 v15, v10;
	v10 =	vmin.f32 v15, v10  }
0x14d: {  	v32 =	vmin.f32 v62, v30;
	v11 =	vmax.f32 v62, v30;
	v59 =	vmin.f32 v50, v58  }
0x14e: {  	v17 =	vmax.f32 v50, v58;
	v24 =	vmax.f32 v8, v10;
	v8 =	vmin.f32 v8, v10  }
0x14f: {  	v33 =	vmin.f32 v18, v32;
	v36 =	vmax.f32 v18, v32;
	v50 =	vand.u32 $0xFFFFFFC0, v43  }
0x150: {  	v7 =	vmax.f32 v7, v59;
	v26 =	vmax.f32 v12, v8;
	v8 =	vmin.f32 v12, v8  }
0x151: {  	v10 =	vld.idx.msk [tilespmem:v25+s2+$0x0], $0xffff;
	v35 =	vmin.f32 v24, v33;
	v4 =	vor.u32 v50, v4;
	v28 =	vmax.f32 v16, v8  }
0x152: {  	v8 =	vmin.f32 v16, v8;
	v37 =	vmin.f32 v26, v35;
	v9 =	vmax.f32 v26, v35  }
0x153: {  	v4 =	vxor.u32 $0x1, v4;
	v29 =	vmax.f32 v13, v8;
	v8 =	vmin.f32 v13, v8  }
0x154: {  	v38 =	vmin.f32 v28, v37;
	v13 =	vmax.f32 v14, v8;
	v8 =	vmin.f32 v14, v8  }
0x155: {  	v39 =	vmin.f32 v29, v38;
	v12 =	vmax.f32 v29, v38;
	v31 =	vmax.f32 v17, v8  }
0x156: {  	v8 =	vmin.f32 v17, v8;
	v17 =	vmax.f32 v28, v37;
	v10 =	vand.u32 $0xFFFFFFC0, v10  }
0x157: {  	v40 =	vmin.f32 v13, v39;
	v41 =	vmax.f32 v13, v39;
	v5 =	vor.u32 v10, v5  }
0x158: {  	v7 =	vmax.f32 v7, v8;
	v8 =	vmax.f32 v24, v33;
	v5 =	vxor.u32 $0x1, v5  }
0x159: {  	v42 =	vmax.f32 v31, v40;
	v15 =	vmin.f32 v31, v40;
	v44 =	vmin.f32 v6, v5  }
0x15a: {  	v7 =	vmax.f32 v7, v15;
	v5 =	vmax.f32 v6, v5;
	v46 =	vmin.f32 v11, v44  }
0x15b: {  	v47 =	vmax.f32 v11, v44;
	v55 =	vmin.f32 v5, v4;
	v4 =	vmax.f32 v5, v4  }
0x15c: {  	v48 =	vmin.f32 v36, v46;
	v14 =	vmax.f32 v36, v46;
	v57 =	vmin.f32 v47, v55  }
0x15d: {  	v53 =	vld.idx.msk [tilespmem:v19+s2+$0x0], $0xffff;
	v6 =	vmax.f32 v47, v55;
	v49 =	vmax.f32 v8, v48;
	v8 =	vmin.f32 v8, v48  }
0x15e: {  	v58 =	vmin.f32 v14, v57;
	v59 =	vmax.f32 v14, v57;
	v11 =	vmax.f32 v9, v8  }
0x15f: {  	v8 =	vmin.f32 v9, v8;
	v60 =	vmin.f32 v49, v58;
	v5 =	vmax.f32 v49, v58  }
0x160: {  	v51 =	vmax.f32 v17, v8;
	v8 =	vmin.f32 v17, v8;
	v61 =	vmin.f32 v11, v60  }
0x161: {  	v10 =	vmax.f32 v11, v60;
	v52 =	vmax.f32 v12, v8;
	v8 =	vmin.f32 v12, v8  }
0x162: {  	v12 =	vand.u32 $0xFFFFFFC0, v53;
	v62 =	vmin.f32 v51, v61;
	v63 =	vmax.f32 v51, v61  }
0x163: {  	v54 =	vmax.f32 v41, v8;
	v8 =	vmin.f32 v41, v8;
	v3 =	vor.u32 v12, v3  }
0x164: {  	v20 =	vmin.f32 v52, v62;
	v9 =	vmax.f32 v52, v62;
	v56 =	vmax.f32 v42, v8  }
0x165: {  	v8 =	vmin.f32 v42, v8;
	v3 =	vxor.u32 $0x1, v3;
	v21 =	vmin.f32 v54, v20  }
0x166: {  	v13 =	vmax.f32 v54, v20;
	v7 =	vmax.f32 v7, v8;
	v22 =	vmin.f32 v4, v3  }
0x167: {  	v23 =	vmin.f32 v56, v21;
	v11 =	vmax.f32 v56, v21;
	v3 =	vmax.f32 v4, v3  }
0x168: {  	v24 =	vmin.f32 v6, v22;
	v7 =	vmax.f32 v7, v23;
	v26 =	vmax.f32 v6, v22  }
0x169: {  	v25 =	vmin.f32 v59, v24;
	v8 =	vmax.f32 v59, v24;
	v15 =	vandn.u32 $0x3F, v26  }
0x16a: {  	v27 =	vmin.f32 v5, v25;
	v28 =	vmax.f32 v5, v25;
	v5 =	vandn.u32 $0x3F, v3  }
0x16b: {  	v33 =	vor.u32 v2, v15;
	v8 =	vandn.u32 $0x3F, v8;
	v29 =	vmin.f32 v10, v27  }
0x16c: {  	v6 =	vmax.f32 v10, v27;
	v31 =	vor.u32 v2, v5;
	v34 =	vor.u32 v2, v8  }
0x16d: {  	v14 =	vandn.u32 $0x3F, v28;
	v30 =	vmax.f32 v63, v29;
	v3 =	vmin.f32 v63, v29  }
0x16e: {  	v35 =	vor.u32 v2, v14;
	v6 =	vandn.u32 $0x3F, v6;
	v32 =	vmax.f32 v9, v3  }
0x16f: {  	v3 =	vmin.f32 v9, v3;
	v36 =	vor.u32 v2, v6;
	v10 =	vandn.u32 $0x3F, v30  }
0x170: {  	v17 =	vmax.f32 v13, v3;
	v38 =	vor.u32 v2, v10;
	v21 =	vandn.u32 $0x3F, v32;
	v39 =	vld.idx.msk [tilespmem:v33+s2+$0x0], $0xffff  }
0x171: {  	v3 =	vmin.f32 v13, v3;
	v40 =	vor.u32 v2, v21;
	v17 =	vandn.u32 $0x3F, v17;
	v12 =	vld.idx.msk [tilespmem:v31+s2+$0x0], $0xffff  }
0x172: {  	v37 =	vmax.f32 v11, v3;
	v3 =	vmin.f32 v11, v3;
	v42 =	vld.idx.msk [tilespmem:v34+s2+$0x0], $0xffff;
	v43 =	vor.u32 v2, v17  }
0x173: {  	v41 =	vmax.f32 v7, v3;
	v3 =	vandn.u32 $0x3F, v37;
	v18 =	vld.idx.msk [tilespmem:v35+s2+$0x0], $0xffff  }
0x174: {  	v19 =	vor.u32 v2, v3;
	v4 =	vandn.u32 $0x3F, v41;
	v13 =	vld.idx.msk [tilespmem:v36+s2+$0x0], $0xffff  }
0x175: {  	v2 =	vor.u32 v2, v4;
	v20 =	vld.idx.msk [tilespmem:v38+s2+$0x0], $0xffff  }
0x176: {  	v16 =	vld.idx.msk [tilespmem:v40+s2+$0x0], $0xffff  }
0x177: {  	v48 =	vimm.s32 $0x0;
	v9 =	vld.idx.msk [tilespmem:v43+s2+$0x0], $0xffff  }
0x178: {  	v24 =	vimm.s32 $0x0;
	vm7 =	vgt.f32 v39, v12;
	vm8 =	vgt.f32 v18, v42  }
0x179: {  	v19 =	vld.idx.msk [tilespmem:v19+s2+$0x0], $0xffff;
	v44 =	vsel vm7, v39, v12;
	v11 =	vsel vm7, v12, v39;
	v45 =	vsel vm8, v18, v42  }
0x17a: {  	v2 =	vld.idx.msk [tilespmem:v2+s2+$0x0], $0xffff;
	v7 =	vsel vm8, v42, v18;
	vm9 =	vgt.f32 v20, v13;
	vm13 =	vgt.f32 v45, v11  }
0x17b: {  	v46 =	vsel vm9, v20, v13;
	v13 =	vsel vm9, v13, v20;
	v50 =	vsel vm13, v45, v11  }
0x17c: {  	v11 =	vsel vm13, v11, v45;
	vm10 =	vgt.f32 v9, v16;
	vm14 =	vgt.f32 v46, v7  }
0x17d: {  	vm1 =	vgt.f32 v50, v44;
	v47 =	vsel vm10, v9, v16;
	v9 =	vsel vm10, v16, v9  }
0x17e: {  	v51 =	vsel vm14, v46, v7;
	v7 =	vsel vm14, v7, v46;
	v54 =	vsel vm1, v44, v50  }
0x17f: {  	v56 =	vsel vm1, v50, v44;
	vm0 =	vgt.f32 v2, v19;
	vm4 =	vgt.f32 v47, v13  }
0x180: {  	vm5 =	vgt.f32 v51, v11;
	v22 =	vsub.f32 v56, v56;
	v23 =	vsel vm0, $0xFFFFFFFF, v48  }
0x181: {  	v49 =	vsel vm0, v2, v19;
	v2 =	vsel vm0, v19, v2;
	v52 =	vsel vm4, v47, v13  }
0x182: {  	v13 =	vsel vm4, v13, v47;
	v55 =	vsel vm5, v51, v11;
	v11 =	vsel vm5, v11, v51  }
0x183: {  	vm12 =	vgt.f32 v49, v9;
	vm15 =	vgt.f32 v55, v54;
	vm2 =	vgt.f32 v52, v7  }
0x184: {  	v22 =	vmul.f32 $1.442695020e+00, v22;
	v53 =	vsel vm12, v49, v9;
	v57 =	vsel vm15, v55, v54  }
0x185: {  	v9 =	vsel vm12, v9, v49;
	v58 =	vsel vm2, v52, v7;
	v19 =	vsub.f32 v57, v56  }
0x186: {  	[tilespmem:$0x1FFD0] =	vst v23;
	v23 =	vsel vm15, v54, v55;
	v7 =	vsel vm2, v7, v52;
	vm11 =	vgt.f32 v58, v11  }
0x187: {  	v23 =	vsub.f32 v23, v56;
	vm3 =	vgt.f32 v53, v13;
	v19 =	vmul.f32 $1.442695020e+00, v19  }
0x188: {  	(erf) = vpow2.f32 v22;
	v59 =	vsel vm11, v58, v11;
	v11 =	vsel vm11, v11, v58  }
0x189: {  	v60 =	vmul.f32 $1.442695020e+00, v23;
	v61 =	vsub.f32 v59, v56;
	(erf) = vpow2.f32 v19  }
0x18a: {  	vm0 =	vgt.f32 v2, v9;
	v62 =	vsel vm3, v53, v13;
	v11 =	vsub.f32 v11, v56  }
0x18b: {  	vm6 =	vgt.f32 v62, v7;
	v63 =	vmul.f32 $1.442695020e+00, v61;
	(erf) = vpow2.f32 v60  }
0x18c: {  	v13 =	vsel vm3, v13, v53;
	v22 =	vsel vm6, v62, v7;
	v7 =	vsel vm6, v7, v62  }
0x18d: {  	v11 =	vmul.f32 $1.442695020e+00, v11;
	v23 =	vsub.f32 v22, v56;
	(erf) = vpow2.f32 v63  }
0x18e: {  	v2 =	vsel vm0, v2, v9;
	v19 =	vsel vm0, $0xFFFFFFFF, v24;
	v7 =	vsub.f32 v7, v56  }
0x18f: {  	vm0 =	vgt.f32 v2, v13;
	v25 =	vmul.f32 $1.442695020e+00, v23;
	(erf) = vpow2.f32 v11  }
0x190: {  	v2 =	vsel vm0, v2, v13  }
0x191: {  	v7 =	vmul.f32 $1.442695020e+00, v7;
	v2 =	vsub.f32 v2, v56;
	v27 =	vpop (erf);
	(erf) = vpow2.f32 v25  }
0x192: {  	v28 =	vpop (erf)  }
0x193: {  	v2 =	vmul.f32 $1.442695020e+00, v2;
	(erf) = vpow2.f32 v7;
	v29 =	vadd.f32 v28, v27  }
0x194: {  	v30 =	vpop (erf)  }
0x195: {  	(erf) = vpow2.f32 v2;
	v2 =	vadd.f32 v29, v30  }
0x196: {  	v31 =	vpop (erf)  }
0x197: {  	v2 =	vadd.f32 v31, v2  }
0x198: {  	v32 =	vpop (erf)  }
0x199: {  	v2 =	vadd.f32 v2, v32  }
0x19a: {  	v33 =	vpop (erf)  }
0x19b: {  	v2 =	vadd.f32 v33, v2  }
0x19c: {  	v34 =	vpop (erf)  }
0x19d: {  	v2 =	vadd.f32 v2, v34  }
0x19e: {  	v35 =	vpop (erf)  }
0x19f: {  	v2 =	vadd.f32 v2, v35;
	_ =	sdelay $0x1  }
0x1a0: {  	(erf) = vrcp.f32 v2;
	_ =	sdelay $0x3  }
0x1a1: {  	v1 =	vshll.u32 v1, $0x3  }
0x1a2: {  	v26 =	vimm.s32 $0x0;
	v40 =	vor.u32 $0x1, v1;
	v36 =	vsel vm8, v14, v8  }
0x1a3: {  	v8 =	vsel vm8, v8, v14;
	v37 =	vsel vm9, v10, v6;
	v6 =	vsel vm9, v6, v10  }
0x1a4: {  	v38 =	vsel vm10, v17, v21;
	v17 =	vsel vm10, v21, v17;
	v41 =	vsel vm14, v37, v8  }
0x1a5: {  	v8 =	vsel vm14, v8, v37;
	v2 =	vsel vm7, v15, v5;
	v5 =	vsel vm7, v5, v15  }
0x1a6: {  	v44 =	vor.u32 $0x2, v1;
	[tilespmem:$0x1FFE0] =	vst v19;
	v11 =	vsel vm0, $0xFFFFFFFF, v26;
	v39 =	vsel vm13, v36, v5;
	v42 =	vpop (erf)  }
0x1a7: {  	[tilespmem:$0x1FFF0] =	vst v11;
	v5 =	vsel vm13, v5, v36;
	v43 =	vsel vm1, v39, v2;
	v11 =	vmul.f32 v42, v27  }
0x1a8: {  	v53 =	vld [tilespmem:$0x1FFD0];
	v2 =	vsel vm1, v2, v39;
	v45 =	vsel vm5, v41, v5;
	[tilespmem:v1+s8+$0x0] =	vst.idx.msk $0xffff, v43  }
0x1a9: {  	v47 =	vor.u32 $0x3, v1;
	v46 =	vsel vm15, v45, v2;
	v9 =	vmul.f32 v42, v28;
	[tilespmem:v1+s9+$0x0] =	vst.idx.msk $0xffff, v11  }
0x1aa: {  	v48 =	vsel vm4, v38, v6;
	v6 =	vsel vm4, v6, v38;
	[tilespmem:v40+s8+$0x0] =	vst.idx.msk $0xffff, v46  }
0x1ab: {  	v50 =	vor.u32 $0x4, v1;
	v2 =	vsel vm15, v2, v45;
	v49 =	vmul.f32 v42, v30;
	[tilespmem:v40+s9+$0x0] =	vst.idx.msk $0xffff, v9  }
0x1ac: {  	v51 =	vsel vm2, v48, v8;
	v52 =	vor.u32 $0x5, v1;
	v5 =	vsel vm5, v5, v41;
	[tilespmem:v44+s8+$0x0] =	vst.idx.msk $0xffff, v2  }
0x1ad: {  	vm13 =	vnez.u8 v53;
	v7 =	vmul.f32 v42, v31;
	v2 =	vsel vm11, v51, v5;
	[tilespmem:v44+s9+$0x0] =	vst.idx.msk $0xffff, v49  }
0x1ae: {  	v62 =	vld [tilespmem:$0x1FFE0];
	v12 =	vsel vm13, v4, v3;
	v54 =	vmul.f32 v42, v32;
	[tilespmem:v47+s8+$0x0] =	vst.idx.msk $0xffff, v2  }
0x1af: {  	v55 =	vor.u32 $0x6, v1;
	v63 =	vld [tilespmem:$0x1FFF0];
	v5 =	vsel vm11, v5, v51;
	v2 =	vsel vm12, v12, v17;
	[tilespmem:v47+s9+$0x0] =	vst.idx.msk $0xffff, v7  }
0x1b0: {  	v8 =	vsel vm2, v8, v48;
	v56 =	vsel vm3, v2, v6;
	[tilespmem:v50+s8+$0x0] =	vst.idx.msk $0xffff, v5  }
0x1b1: {  	v58 =	vmul.f32 v42, v33;
	v1 =	vor.u32 $0x7, v1;
	v57 =	vsel vm6, v56, v8;
	[tilespmem:v50+s9+$0x0] =	vst.idx.msk $0xffff, v54  }
0x1b2: {  	p0 =	sne.s32 s11, $0x3F0;
	v3 =	vsel vm13, v3, v4;
	v59 =	vsel vm12, v17, v12;
	[tilespmem:v52+s8+$0x0] =	vst.idx.msk $0xffff, v57  }
.Ltmp0:
0x1b3: {  	vm14 =	vnez.u8 v62;
	v61 =	vmul.f32 v42, v34;
	v60 =	vsel vm6, v8, v56;
	[tilespmem:v52+s9+$0x0] =	vst.idx.msk $0xffff, v58;
	(pc) =	sbr.rel @p0 .LBB2_2-.Ltmp0, $4  }
0x1b4: {  	vm15 =	vnez.u8 v63;
	v3 =	vsel vm14, v3, v59;
	v2 =	vsel vm3, v6, v2;
	[tilespmem:v55+s8+$0x0] =	vst.idx.msk $0xffff, v60  }
0x1b5: {  	v2 =	vsel vm15, v3, v2;
	v3 =	vmul.f32 v42, v35;
	[tilespmem:v55+s9+$0x0] =	vst.idx.msk $0xffff, v61  }
0x1b6: {  	[tilespmem:v1+s8+$0x0] =	vst.idx.msk $0xffff, v2  }
0x1b7: {  	s11 =	sadd.s32 $0x10, s11;
	[tilespmem:v1+s9+$0x0] =	vst.idx.msk $0xffff, v3  }
0x1b8: {  	[hbm4b:s4+s2] =	stream.linear.scatter [tilespmem:s8], [sflag:$0x1], $0x2000, $0x38;
	[tilespmem:$0x14000] =	vst v63  }
0x1b9: {  	s10 =	sadd.s32 $0x1, s10;
	_ =	swait.ge [sflag:s7], $0x2000  }
0x1ba: {  	p0 =	sne.s32 s10, s6;
	[sflag:s7] =	ssyncset.done $0x0  }
.Ltmp1:
0x1bb: {  	[sflag:s7] =	ssyncadd.s32 $0xFFFFE000;
	(pc) =	sbr.rel @p0 .LBB2_1-.Ltmp1, $4  }
0x1bc: {  	[hbm4b:s5+s2] =	stream.linear.scatter [tilespmem:s9], [sflag:$0x1], $0x2000, $0x38;
	[tilespmem:$0x14000] =	vst v63  }
0x1bd: {  	_ =	swait.ge [sflag:s7], $0x2000  }
0x1be: {  	[sflag:s7] =	ssyncset.done $0x0  }
0x1bf: {  	[sflag:s7] =	ssyncadd.s32 $0xFFFFE000  }
0x1c0: {  	_ =	sfence.sel $0x180000  }
0x1c1: {  	[bflag:$0x0] =	sbarrier.arrive $0xFFFF  }
0x1c2: {  	p0 =	sne.s32 s1, $0x0;
	_ =	strace $0x90000047  }
0x1c3: {  	s0 =	sadd.s32 @!p0 $0x100000, s0;
	[bflag:$0x2] =	sbarrier.arrive $0xFFFF  }
0x1c4: {  	[sflag:s0] =	ssyncadd.tile.s32 @!p0 $0x1;
	_ =	shalt  }
.Lfunc_end2:
_tile_overlayer_lowered:
.L_overlay_start_2:
0x1c5: {  	(tag) =	ssettag $0x2  }
0x1c6: {  	s0 =	rddreg [dreg:$0x0];
	s2 =	stileid.u32  }
0x1c7: {  	s1 =	rddreg [dreg:$0x1];
	p0 =	sne.s32 s2, $0x0  }
0x1c8: {  	s3 =	rddreg [dreg:$0x2];
	[bflag:$0x3] =	sbarrier.arrive $0xFFFF;
	s2 =	simm.s32 @!p0 $0x1C01  }
0x1c9: {  	[timem:s3], [sflag:s2] =	dma.local @!p0 [hbm:s0], s1  }
0x1ca: {  	s0 =	simm.s32 @!p0 $0x1  }
0x1cb: {  	_ =	swait.ge @!p0 [sflag:s0], s1  }
0x1cc: {  	s1 =	ssub.s32 @!p0 $0x0, s1;
	[sflag:s0] =	ssyncset.done @!p0 $0x0  }
0x1cd: {  	[sflag:s0] =	ssyncadd.s32 @!p0 s1  }
0x1ce: {  	[bflag:$0x3] =	sbarrier.arrive $0xFFFF  }
0x1cf: {  	_ =	shalt  }

</sc_bundles>
